<compile_context>
chip_gen: v7x
topology: tpu7x:2x2x1
jax: 0.10.2.dev20260603
libtpu: 0.0.44.dev20260713+nightly
codegen_flags: <defaults>
</compile_context>

<pallas_src>
import functools
import jax
import jax.numpy as jnp
from jax.experimental import pallas as pl
from jax.experimental.pallas import tpu as pltpu
from jax.experimental.pallas import tpu_sc as plsc

N = 10000
NPAD = 10240
D = 128
H = 16
C = 10
E = 320000
G = 64
EPS = 1e-5

NC = 2
NS = 16
NW = NC * NS
BLK = 128
EPT = E // NW
SBLK = 2000
NSB = EPT // SBLK
ROWS_PT = NPAD // NS


def _sc_degree_body(dstI, out, dst_v, ones_v, zb_v, deg_sh):
    c = jax.lax.axis_index("core")
    s = jax.lax.axis_index("subcore")
    w = c * NS + s

    @pl.loop(0, SBLK // 16)
    def _(i):
        ones_v[pl.ds(i * 16, 16)] = jnp.ones((16,), jnp.float32)

    @pl.loop(0, ROWS_PT // 16)
    def _(i):
        zb_v[pl.ds(i * 16, 16)] = jnp.zeros((16,), jnp.float32)

    pltpu.sync_copy(zb_v, deg_sh.at[pl.ds(s * ROWS_PT, ROWS_PT)])

    @pl.loop(0, NSB)
    def _(j):
        pltpu.sync_copy(dstI.at[pl.ds(pl.multiple_of(w * EPT + j * SBLK, 8), SBLK)],
                        dst_v.at[j])

    plsc.subcore_barrier()

    @pl.loop(0, NSB)
    def _(b):
        pltpu.sync_copy(ones_v, deg_sh.at[dst_v.at[b]], add=True)

    plsc.subcore_barrier()
    pltpu.sync_copy(deg_sh.at[pl.ds(s * ROWS_PT, ROWS_PT)],
                    out.at[c].at[pl.ds(s * ROWS_PT, ROWS_PT)])



def _sc_aggregate_body(ht, srcI, dstI, out,
                       src_v, dst_v, rows0, rows1,
                       gsem0, gsem1, agg_sh):
    c = jax.lax.axis_index("core")
    s = jax.lax.axis_index("subcore")
    w = c * NS + s
    r0 = s * ROWS_PT

    @pl.loop(0, BLK)
    def _(i):
        rows0[pl.ds(i, 1), :] = jnp.zeros((1, H), jnp.float32)

    zrows = rows0.at[pl.ds(0, BLK)]
    @pl.loop(0, ROWS_PT // BLK)
    def _(j):
        pltpu.sync_copy(zrows, agg_sh.at[pl.ds(r0 + j * BLK, BLK)])

    @pl.loop(0, NSB)
    def _(j):
        off = pl.multiple_of(w * EPT + j * SBLK, 8)
        pltpu.sync_copy(srcI.at[pl.ds(off, SBLK)], src_v.at[j])
        pltpu.sync_copy(dstI.at[pl.ds(off, SBLK)], dst_v.at[j])

    plsc.subcore_barrier()

    bufs = (rows0, rows1)
    sems = (gsem0, gsem1)
    pltpu.async_copy(ht.at[src_v.at[0]], rows0, gsem0)
    pltpu.async_copy(ht.at[src_v.at[1]], rows1, gsem1)
    for b in range(NSB):
        buf, sem = bufs[b % 2], sems[b % 2]
        pltpu.make_async_copy(ht.at[src_v.at[b]], buf, sem).wait()
        pltpu.sync_copy(buf, agg_sh.at[dst_v.at[b]], add=True)
        if b + 2 < NSB:
            pltpu.async_copy(ht.at[src_v.at[b + 2]], buf, sem)

    plsc.subcore_barrier()
    pltpu.sync_copy(agg_sh.at[pl.ds(s * ROWS_PT, ROWS_PT)],
                    out.at[c].at[pl.ds(s * ROWS_PT, ROWS_PT)])


@functools.lru_cache(maxsize=None)
def _sc_kernels():
    mesh = plsc.VectorSubcoreMesh(core_axis_name="core", subcore_axis_name="subcore")
    cp = pltpu.CompilerParams(use_tc_tiling_on_sc=False,
                              disable_bounds_checks=True)
    sc_degree = pl.kernel(
        _sc_degree_body,
        out_type=jax.ShapeDtypeStruct((NC, NPAD), jnp.float32),
        mesh=mesh,
        scratch_types=[
            pltpu.VMEM((NSB, SBLK), jnp.int32),
            pltpu.VMEM((SBLK,), jnp.float32),
            pltpu.VMEM((ROWS_PT,), jnp.float32),
            pltpu.VMEM_SHARED((NPAD,), jnp.float32),
        ],
        compiler_params=cp,
    )
    sc_aggregate = pl.kernel(
        _sc_aggregate_body,
        out_type=jax.ShapeDtypeStruct((NC, NPAD, H), jnp.float32),
        mesh=mesh,
        scratch_types=[
            pltpu.VMEM((NSB, SBLK), jnp.int32),
            pltpu.VMEM((NSB, SBLK), jnp.int32),
            pltpu.VMEM((SBLK, H), jnp.float32),
            pltpu.VMEM((SBLK, H), jnp.float32),
            pltpu.SemaphoreType.DMA,
            pltpu.SemaphoreType.DMA,
            pltpu.VMEM_SHARED((NPAD, H), jnp.float32),
        ],
        compiler_params=cp,
    )
    return sc_degree, sc_aggregate



def _tc1_body(degp_ref, x_ref, w0_ref, ht_ref, dinv_ref):
    dp = degp_ref[...]
    deg = dp[0:1, :] + dp[1:2, :] + 1.0
    dinv = jnp.transpose(jax.lax.rsqrt(deg), (1, 0))
    dinv_ref[...] = dinv
    h = jnp.dot(x_ref[...], w0_ref[...], preferred_element_type=jnp.float32)
    ht_ref[0:N, :] = h * dinv[0:N]
    ht_ref[N:NPAD, :] = jnp.zeros((NPAD - N, H), jnp.float32)


def _tc_mid_body(aggp_ref, htp_ref, dinv_ref, b_ref, g_ref, be_ref, w_ref, out_ref):
    ap = aggp_ref[...]
    agg = ap[0] + ap[1]
    dinv = dinv_ref[...]
    z = (agg[0:N] + htp_ref[0:N, :]) * dinv[0:N] + b_ref[...]
    mean = jnp.mean(z, axis=0, keepdims=True)
    zc = z - mean
    var = jnp.mean(zc * zc, axis=0, keepdims=True)
    zn = zc * jax.lax.rsqrt(var + EPS) * g_ref[...] + be_ref[...]
    zr = jnp.maximum(zn, 0.0)
    h = jnp.dot(zr, w_ref[...], preferred_element_type=jnp.float32)
    out_ref[0:N, :] = h * dinv[0:N]
    out_ref[N:NPAD, :] = jnp.zeros((NPAD - N, H), jnp.float32)


def _tc_out_body(aggp_ref, htp_ref, dinv_ref, b_ref, batch_ref, out_ref):
    ap = aggp_ref[...]
    agg = ap[0] + ap[1]
    node = (agg[0:N] + htp_ref[0:N, :]) * dinv_ref[...][0:N] + b_ref[...]
    bat = batch_ref[...]
    oh = (jax.lax.broadcasted_iota(jnp.int32, (G, N), 0) == bat)
    ohf = oh.astype(jnp.float32)
    sums = jnp.dot(ohf, node, preferred_element_type=jnp.float32)
    cnt = jnp.sum(ohf, axis=1, keepdims=True)
    out_ref[...] = (sums / jnp.maximum(cnt, 1.0))[:, 0:C]


_f32 = jnp.float32

_tc1 = pl.pallas_call(
    _tc1_body,
    out_shape=(jax.ShapeDtypeStruct((NPAD, H), _f32),
               jax.ShapeDtypeStruct((NPAD, 1), _f32)),
)

_tc_mid = pl.pallas_call(
    _tc_mid_body,
    out_shape=jax.ShapeDtypeStruct((NPAD, H), _f32),
)

_tc_out = pl.pallas_call(
    _tc_out_body,
    out_shape=jax.ShapeDtypeStruct((G, C), _f32),
)


def kernel(x, edge_index, batch, W0, b0, g0, be0, W1, b1, g1, be1, W2, b2):
    srcP = edge_index[0].astype(jnp.int32)
    dstP = edge_index[1].astype(jnp.int32)

    sc_degree, sc_aggregate = _sc_kernels()
    degp = sc_degree(dstP)
    ht0, dinv = _tc1(degp, x, W0)
    agg0 = sc_aggregate(ht0, srcP, dstP)
    ht1 = _tc_mid(agg0, ht0, dinv, b0.reshape(1, H), g0.reshape(1, H),
                  be0.reshape(1, H), W1)
    agg1 = sc_aggregate(ht1, srcP, dstP)
    W2p = jnp.pad(W2, ((0, 0), (0, H - C)))
    ht2 = _tc_mid(agg1, ht1, dinv, b1.reshape(1, H), g1.reshape(1, H),
                  be1.reshape(1, H), W2p)
    agg2 = sc_aggregate(ht2, srcP, dstP)
    b2p = jnp.pad(b2, (0, H - C)).reshape(1, H)
    batch2d = batch.astype(jnp.int32).reshape(1, N)
    return _tc_out(agg2, ht2, dinv, b2p, batch2d)

# --- scband reference (transcript-rebuilt; emitter-appended) ---
"""Pipeline reference for scband-gcnnet-66383014527707 (READ-ONLY COPY).

The authoritative reference and input builder live on the scoring server;
editing this copy changes nothing except your own understanding.
"""

import jax, jax.numpy as jnp
import numpy as np

NUM_GRAPHS = 64
EPS = 1e-5


def gcn_conv(x, edge_index, W, b):
    N = x.shape[0]
    loop = jnp.arange(N, dtype=edge_index.dtype)
    src = jnp.concatenate([edge_index[0], loop])
    dst = jnp.concatenate([edge_index[1], loop])
    deg = jnp.zeros((N,), dtype=x.dtype).at[dst].add(1.0)
    dinv = jnp.where(deg > 0, jax.lax.rsqrt(deg), 0.0)
    norm = dinv[src] * dinv[dst]
    h = x @ W
    msg = h[src] * norm[:, None]
    out = jnp.zeros((N, h.shape[1]), dtype=h.dtype).at[dst].add(msg)
    return out + b


def batch_norm(h, gamma, beta):
    mean = jnp.mean(h, axis=0)
    var = jnp.mean((h - mean) ** 2, axis=0)  # biased variance, like torch BN training
    return (h - mean) * jax.lax.rsqrt(var + EPS) * gamma + beta


def setup_inputs(seed: int = 0) -> dict:
    key = jax.random.key(seed)
    ks = jax.random.split(key, 16)
    N, D, H, C, E = 10000, 128, 16, 10, 320000
    x = jax.random.normal(ks[0], (N, D), dtype=jnp.float32)
    edge_index = jax.random.randint(ks[1], (2, E), 0, N, dtype=jnp.int64)
    batch = jnp.sort(jax.random.randint(ks[2], (N,), 0, NUM_GRAPHS, dtype=jnp.int64))
    W0 = jax.random.normal(ks[3], (D, H), dtype=jnp.float32) * (1.0 / np.sqrt(D))
    b0 = jnp.zeros((H,), dtype=jnp.float32)
    g0 = jnp.ones((H,), dtype=jnp.float32)
    be0 = jnp.zeros((H,), dtype=jnp.float32)
    W1 = jax.random.normal(ks[4], (H, H), dtype=jnp.float32) * (1.0 / np.sqrt(H))
    b1 = jnp.zeros((H,), dtype=jnp.float32)
    g1 = jnp.ones((H,), dtype=jnp.float32)
    be1 = jnp.zeros((H,), dtype=jnp.float32)
    W2 = jax.random.normal(ks[5], (H, C), dtype=jnp.float32) * (1.0 / np.sqrt(H))
    b2 = jnp.zeros((C,), dtype=jnp.float32)
    return {"x": x, "edge_index": edge_index, "batch": batch,
            "W0": W0, "b0": b0, "g0": g0, "be0": be0,
            "W1": W1, "b1": b1, "g1": g1, "be1": be1,
            "W2": W2, "b2": b2}


def reference(x, edge_index, batch, W0, b0, g0, be0, W1, b1, g1, be1, W2, b2):
    h = gcn_conv(x, edge_index, W0, b0)
    h = jax.nn.relu(batch_norm(h, g0, be0))
    h = gcn_conv(h, edge_index, W1, b1)
    h = jax.nn.relu(batch_norm(h, g1, be1))
    h = gcn_conv(h, edge_index, W2, b2)
    sums = jax.ops.segment_sum(h, batch, num_segments=NUM_GRAPHS)
    cnt = jax.ops.segment_sum(jnp.ones((h.shape[0],), dtype=h.dtype), batch, num_segments=NUM_GRAPHS)
    return sums / jnp.clip(cnt, 1.0)[:, None]

if __name__ == "__main__":
    import jax
    _d = setup_inputs()
    print(jax.jit(kernel)(*tuple(_d.values())))

</pallas_src>

<mosaic_0001>
#map = affine_map<(d0, d1) -> (0)>
#map1 = affine_map<(d0, d1) -> (0, 0)>
module attributes {stable_mosaic.version = 14 : i64} {
  func.func @_sc_degree_body(%arg0: i32, %arg1: i32, %arg2: memref<320000xi32, #tpu.memory_space<hbm>>, %arg3: memref<2x10240xf32, #tpu.memory_space<hbm>>, %arg4: memref<5x2000xi32, #tpu.memory_space<vmem>>, %arg5: memref<2000xf32, #tpu.memory_space<vmem>>, %arg6: memref<640xf32, #tpu.memory_space<vmem>>, %arg7: memref<10240xf32, #tpu.memory_space<vmem_shared>>) attributes {dimension_semantics = [#tpu.dimension_semantics<core_parallel>, #tpu.dimension_semantics<subcore_parallel>], iteration_bounds = array<i64: 2, 16>, scalar_prefetch = 0 : i64, scratch_operands = 4 : i64, tpu.core_type = #tpu.core_type<sc_vector_subcore>, window_params = [{transform_indices = #map}, {transform_indices = #map1}]} {
    %mul3A = arith.constant 16 : i32
    %mul3A_0 = arith.muli %arg0, %mul3A : i32
    %add3A = arith.addi %mul3A_0, %arg1 : i32
    %scan3A = arith.constant 0 : i32
    %scan3A_1 = arith.constant 125 : i32
    %scan3A_2 = arith.addi %scan3A, %scan3A_1 : i32
    %scan3A_3 = arith.constant 1 : i32
    scf.for %scan3A_27 = %scan3A to %scan3A_2 step %scan3A_3  : i32 {
      %mul3A_28 = arith.constant 1 : i32
      %mul3A_29 = arith.muli %scan3A_27, %mul3A_28 : i32
      %add3A_30 = arith.constant 0 : i32
      %add3A_31 = arith.addi %add3A_30, %mul3A_29 : i32
      %broadcast_in_dim3A = arith.constant 1.000000e+00 : f32
      %broadcast_in_dim3A_32 = vector.broadcast %broadcast_in_dim3A : f32 to vector<16xf32>
      %mul3A_33 = arith.constant 16 : i32
      %mul3A_34 = arith.muli %add3A_31, %mul3A_33 : i32
      %swap3A = arith.index_cast %mul3A_34 : i32 to index
      %swap3A_35 = tpu.vector_load %arg5[%swap3A] {strides = array<i32>} : memref<2000xf32, #tpu.memory_space<vmem>>, vector<16xf32>,
      %swap3A_36 = vector.shape_cast %swap3A_35 : vector<16xf32> to vector<16xf32>
      %swap3A_37 = vector.shape_cast %broadcast_in_dim3A_32 : vector<16xf32> to vector<16xf32>
      tpu.vector_store %arg5[%swap3A], %swap3A_37 {strides = array<i32>} : memref<2000xf32, #tpu.memory_space<vmem>>, vector<16xf32>,
    }
    %scan3A_4 = arith.constant 125 : i32
    %scan3A_5 = arith.constant 0 : i32
    %scan3A_6 = arith.constant 40 : i32
    %scan3A_7 = arith.addi %scan3A_5, %scan3A_6 : i32
    %scan3A_8 = arith.constant 1 : i32
    scf.for %scan3A_27 = %scan3A_5 to %scan3A_7 step %scan3A_8  : i32 {
      %mul3A_28 = arith.constant 1 : i32
      %mul3A_29 = arith.muli %scan3A_27, %mul3A_28 : i32
      %add3A_30 = arith.constant 0 : i32
      %add3A_31 = arith.addi %add3A_30, %mul3A_29 : i32
      %broadcast_in_dim3A = arith.constant 0.000000e+00 : f32
      %broadcast_in_dim3A_32 = vector.broadcast %broadcast_in_dim3A : f32 to vector<16xf32>
      %mul3A_33 = arith.constant 16 : i32
      %mul3A_34 = arith.muli %add3A_31, %mul3A_33 : i32
      %swap3A = arith.index_cast %mul3A_34 : i32 to index
      %swap3A_35 = tpu.vector_load %arg6[%swap3A] {strides = array<i32>} : memref<640xf32, #tpu.memory_space<vmem>>, vector<16xf32>,
      %swap3A_36 = vector.shape_cast %swap3A_35 : vector<16xf32> to vector<16xf32>
      %swap3A_37 = vector.shape_cast %broadcast_in_dim3A_32 : vector<16xf32> to vector<16xf32>
      tpu.vector_store %arg6[%swap3A], %swap3A_37 {strides = array<i32>} : memref<640xf32, #tpu.memory_space<vmem>>, vector<16xf32>,
    }
    %scan3A_9 = arith.constant 40 : i32
    %mul3A_10 = arith.constant 640 : i32
    %mul3A_11 = arith.muli %arg1, %mul3A_10 : i32
    "tpu.region"() ({
      %run_scoped3A = tpu.sem_alloc : memref<!tpu.dma_semaphore, #tpu.memory_space<semaphore_mem>>
      %dma_start3A = tpu.memref_slice %arg7[%mul3A_11] : memref<10240xf32, #tpu.memory_space<vmem_shared>> -> memref<640xf32, #tpu.memory_space<vmem_shared>>
      %dma_start3A_27 = tpu.memref_slice %arg7[%mul3A_11] : memref<10240xf32, #tpu.memory_space<vmem_shared>> -> memref<640xf32, #tpu.memory_space<vmem_shared>>
      tpu.enqueue_dma source(%arg6 : memref<640xf32, #tpu.memory_space<vmem>>) target(%dma_start3A_27 : memref<640xf32, #tpu.memory_space<vmem_shared>>) target_semaphore(%run_scoped3A : memref<!tpu.dma_semaphore, #tpu.memory_space<semaphore_mem>>)
      %dma_wait3A = tpu.memref_slice %arg7[%mul3A_11] : memref<10240xf32, #tpu.memory_space<vmem_shared>> -> memref<640xf32, #tpu.memory_space<vmem_shared>>
      %dma_wait3A_28 = tpu.memref_slice %arg7[%mul3A_11] : memref<10240xf32, #tpu.memory_space<vmem_shared>> -> memref<640xf32, #tpu.memory_space<vmem_shared>>
      tpu.wait_dma2 semaphore(%run_scoped3A : memref<!tpu.dma_semaphore, #tpu.memory_space<semaphore_mem>>) src(%arg6 : memref<640xf32, #tpu.memory_space<vmem>>) dst(%dma_wait3A_28 : memref<640xf32, #tpu.memory_space<vmem_shared>>)
      tpu.yield
    }) : () -> ()
    %scan3A_12 = arith.constant 0 : i32
    %scan3A_13 = arith.constant 5 : i32
    %scan3A_14 = arith.addi %scan3A_12, %scan3A_13 : i32
    %scan3A_15 = arith.constant 1 : i32
    scf.for %scan3A_27 = %scan3A_12 to %scan3A_14 step %scan3A_15  : i32 {
      %mul3A_28 = arith.constant 1 : i32
      %mul3A_29 = arith.muli %scan3A_27, %mul3A_28 : i32
      %add3A_30 = arith.constant 0 : i32
      %add3A_31 = arith.addi %add3A_30, %mul3A_29 : i32
      %mul3A_32 = arith.constant 10000 : i32
      %mul3A_33 = arith.muli %add3A, %mul3A_32 : i32
      %mul3A_34 = arith.constant 2000 : i32
      %mul3A_35 = arith.muli %add3A_31, %mul3A_34 : i32
      %add3A_36 = arith.addi %mul3A_33, %mul3A_35 : i32
      %multiple_of3A = tpu.assume_multiple %add3A_36, 8 : i32
      "tpu.region"() ({
        %run_scoped3A = tpu.sem_alloc : memref<!tpu.dma_semaphore, #tpu.memory_space<semaphore_mem>>
        %dma_start3A = arith.constant 0 : i32
        %dma_start3A_37 = tpu.memref_slice %arg4[%add3A_31, %dma_start3A] : memref<5x2000xi32, #tpu.memory_space<vmem>> -> memref<1x2000xi32, #tpu.memory_space<vmem>>
        %dma_start3A_38 = tpu.memref_squeeze %dma_start3A_37 : memref<1x2000xi32, #tpu.memory_space<vmem>> -> memref<2000xi32, #tpu.memory_space<vmem>>
        %dma_start3A_39 = tpu.memref_slice %arg2[%multiple_of3A] : memref<320000xi32, #tpu.memory_space<hbm>> -> memref<2000xi32, #tpu.memory_space<hbm>>
        %dma_start3A_40 = arith.constant 0 : i32
        %dma_start3A_41 = tpu.memref_slice %arg4[%add3A_31, %dma_start3A_40] : memref<5x2000xi32, #tpu.memory_space<vmem>> -> memref<1x2000xi32, #tpu.memory_space<vmem>>
        %dma_start3A_42 = tpu.memref_squeeze %dma_start3A_41 : memref<1x2000xi32, #tpu.memory_space<vmem>> -> memref<2000xi32, #tpu.memory_space<vmem>>
        %dma_start3A_43 = tpu.memref_slice %arg2[%multiple_of3A] : memref<320000xi32, #tpu.memory_space<hbm>> -> memref<2000xi32, #tpu.memory_space<hbm>>
        tpu.enqueue_dma source(%dma_start3A_43 : memref<2000xi32, #tpu.memory_space<hbm>>) target(%dma_start3A_42 : memref<2000xi32, #tpu.memory_space<vmem>>) target_semaphore(%run_scoped3A : memref<!tpu.dma_semaphore, #tpu.memory_space<semaphore_mem>>)
        %dma_wait3A = arith.constant 0 : i32
        %dma_wait3A_44 = tpu.memref_slice %arg4[%add3A_31, %dma_wait3A] : memref<5x2000xi32, #tpu.memory_space<vmem>> -> memref<1x2000xi32, #tpu.memory_space<vmem>>
        %dma_wait3A_45 = tpu.memref_squeeze %dma_wait3A_44 : memref<1x2000xi32, #tpu.memory_space<vmem>> -> memref<2000xi32, #tpu.memory_space<vmem>>
        %dma_wait3A_46 = tpu.memref_slice %arg2[%multiple_of3A] : memref<320000xi32, #tpu.memory_space<hbm>> -> memref<2000xi32, #tpu.memory_space<hbm>>
        %dma_wait3A_47 = arith.constant 0 : i32
        %dma_wait3A_48 = tpu.memref_slice %arg4[%add3A_31, %dma_wait3A_47] : memref<5x2000xi32, #tpu.memory_space<vmem>> -> memref<1x2000xi32, #tpu.memory_space<vmem>>
        %dma_wait3A_49 = tpu.memref_squeeze %dma_wait3A_48 : memref<1x2000xi32, #tpu.memory_space<vmem>> -> memref<2000xi32, #tpu.memory_space<vmem>>
        %dma_wait3A_50 = tpu.memref_slice %arg2[%multiple_of3A] : memref<320000xi32, #tpu.memory_space<hbm>> -> memref<2000xi32, #tpu.memory_space<hbm>>
        tpu.wait_dma2 semaphore(%run_scoped3A : memref<!tpu.dma_semaphore, #tpu.memory_space<semaphore_mem>>) src(%dma_wait3A_50 : memref<2000xi32, #tpu.memory_space<hbm>>) dst(%dma_wait3A_49 : memref<2000xi32, #tpu.memory_space<vmem>>)
        tpu.yield
      }) : () -> ()
    }
    %scan3A_16 = arith.constant 5 : i32
    %barrier3A = arith.constant 0 : index
    tpu.barrier barrier_id(%barrier3A)
    %scan3A_17 = arith.constant 0 : i32
    %scan3A_18 = arith.constant 5 : i32
    %scan3A_19 = arith.addi %scan3A_17, %scan3A_18 : i32
    %scan3A_20 = arith.constant 1 : i32
    scf.for %scan3A_27 = %scan3A_17 to %scan3A_19 step %scan3A_20  : i32 {
      %mul3A_28 = arith.constant 1 : i32
      %mul3A_29 = arith.muli %scan3A_27, %mul3A_28 : i32
      %add3A_30 = arith.constant 0 : i32
      %add3A_31 = arith.addi %add3A_30, %mul3A_29 : i32
      "tpu.region"() ({
        %run_scoped3A = tpu.sem_alloc : memref<!tpu.dma_semaphore, #tpu.memory_space<semaphore_mem>>
        %dma_start3A = arith.constant 0 : i32
        %dma_start3A_32 = tpu.memref_slice %arg4[%add3A_31, %dma_start3A] : memref<5x2000xi32, #tpu.memory_space<vmem>> -> memref<1x2000xi32, #tpu.memory_space<vmem>>
        %dma_start3A_33 = tpu.memref_squeeze %dma_start3A_32 : memref<1x2000xi32, #tpu.memory_space<vmem>> -> memref<2000xi32, #tpu.memory_space<vmem>>
        %dma_start3A_34 = arith.constant 0 : i32
        %dma_start3A_35 = tpu.memref_slice %arg7[%dma_start3A_34] : memref<10240xf32, #tpu.memory_space<vmem_shared>> -> memref<10240xf32, #tpu.memory_space<vmem_shared>>
        tpu.enqueue_indirect_dma source(%arg5 : memref<2000xf32, #tpu.memory_space<vmem>>) target(%dma_start3A_35 : memref<10240xf32, #tpu.memory_space<vmem_shared>>) offsets(%dma_start3A_33 : memref<2000xi32, #tpu.memory_space<vmem>>) semaphore(%run_scoped3A : memref<!tpu.dma_semaphore, #tpu.memory_space<semaphore_mem>>) {add = true}
        %dma_wait3A = arith.constant 0 : i32
        %dma_wait3A_36 = tpu.memref_slice %arg4[%add3A_31, %dma_wait3A] : memref<5x2000xi32, #tpu.memory_space<vmem>> -> memref<1x2000xi32, #tpu.memory_space<vmem>>
        %dma_wait3A_37 = tpu.memref_squeeze %dma_wait3A_36 : memref<1x2000xi32, #tpu.memory_space<vmem>> -> memref<2000xi32, #tpu.memory_space<vmem>>
        %dma_wait3A_38 = arith.constant 0 : i32
        %dma_wait3A_39 = tpu.memref_slice %arg7[%dma_wait3A_38] : memref<10240xf32, #tpu.memory_space<vmem_shared>> -> memref<10240xf32, #tpu.memory_space<vmem_shared>>
        tpu.wait_indirect_dma semaphore(%run_scoped3A : memref<!tpu.dma_semaphore, #tpu.memory_space<semaphore_mem>>) src(%arg5 : memref<2000xf32, #tpu.memory_space<vmem>>) dst(%dma_wait3A_39 : memref<10240xf32, #tpu.memory_space<vmem_shared>>)
        tpu.yield
      }) : () -> ()
    }
    %scan3A_21 = arith.constant 5 : i32
    %barrier3A_22 = arith.constant 0 : index
    tpu.barrier barrier_id(%barrier3A_22)
    %mul3A_23 = arith.constant 640 : i32
    %mul3A_24 = arith.muli %arg1, %mul3A_23 : i32
    %mul3A_25 = arith.constant 640 : i32
    %mul3A_26 = arith.muli %arg1, %mul3A_25 : i32
    "tpu.region"() ({
      %run_scoped3A = tpu.sem_alloc : memref<!tpu.dma_semaphore, #tpu.memory_space<semaphore_mem>>
      %dma_start3A = arith.constant 0 : i32
      %dma_start3A_27 = tpu.memref_slice %arg3[%arg0, %dma_start3A] : memref<2x10240xf32, #tpu.memory_space<hbm>> -> memref<1x10240xf32, #tpu.memory_space<hbm>>
      %dma_start3A_28 = tpu.memref_squeeze %dma_start3A_27 : memref<1x10240xf32, #tpu.memory_space<hbm>> -> memref<10240xf32, #tpu.memory_space<hbm>>
      %dma_start3A_29 = tpu.memref_slice %dma_start3A_28[%mul3A_26] : memref<10240xf32, #tpu.memory_space<hbm>> -> memref<640xf32, #tpu.memory_space<hbm>>
      %dma_start3A_30 = tpu.memref_slice %arg7[%mul3A_24] : memref<10240xf32, #tpu.memory_space<vmem_shared>> -> memref<640xf32, #tpu.memory_space<vmem_shared>>
      tpu.enqueue_dma source(%dma_start3A_30 : memref<640xf32, #tpu.memory_space<vmem_shared>>) target(%dma_start3A_29 : memref<640xf32, #tpu.memory_space<hbm>>) target_semaphore(%run_scoped3A : memref<!tpu.dma_semaphore, #tpu.memory_space<semaphore_mem>>)
      %dma_wait3A = arith.constant 0 : i32
      %dma_wait3A_31 = tpu.memref_slice %arg3[%arg0, %dma_wait3A] : memref<2x10240xf32, #tpu.memory_space<hbm>> -> memref<1x10240xf32, #tpu.memory_space<hbm>>
      %dma_wait3A_32 = tpu.memref_squeeze %dma_wait3A_31 : memref<1x10240xf32, #tpu.memory_space<hbm>> -> memref<10240xf32, #tpu.memory_space<hbm>>
      %dma_wait3A_33 = tpu.memref_slice %dma_wait3A_32[%mul3A_26] : memref<10240xf32, #tpu.memory_space<hbm>> -> memref<640xf32, #tpu.memory_space<hbm>>
      %dma_wait3A_34 = tpu.memref_slice %arg7[%mul3A_24] : memref<10240xf32, #tpu.memory_space<vmem_shared>> -> memref<640xf32, #tpu.memory_space<vmem_shared>>
      tpu.wait_dma2 semaphore(%run_scoped3A : memref<!tpu.dma_semaphore, #tpu.memory_space<semaphore_mem>>) src(%dma_wait3A_34 : memref<640xf32, #tpu.memory_space<vmem_shared>>) dst(%dma_wait3A_33 : memref<640xf32, #tpu.memory_space<hbm>>)
      tpu.yield
    }) : () -> ()
    return
  }
}

#map = affine_map<(d0, d1) -> (0, 0)>
#map1 = affine_map<(d0, d1) -> (0)>
#map2 = affine_map<(d0, d1) -> (0, 0, 0)>
module attributes {stable_mosaic.version = 14 : i64} {
  func.func @_sc_aggregate_body(%arg0: i32, %arg1: i32, %arg2: memref<10240x16xf32, #tpu.memory_space<hbm>>, %arg3: memref<320000xi32, #tpu.memory_space<hbm>>, %arg4: memref<320000xi32, #tpu.memory_space<hbm>>, %arg5: memref<2x10240x16xf32, #tpu.memory_space<hbm>>, %arg6: memref<5x2000xi32, #tpu.memory_space<vmem>>, %arg7: memref<5x2000xi32, #tpu.memory_space<vmem>>, %arg8: memref<2000x16xf32, #tpu.memory_space<vmem>>, %arg9: memref<2000x16xf32, #tpu.memory_space<vmem>>, %arg10: memref<!tpu.dma_semaphore, #tpu.memory_space<semaphore_mem>>, %arg11: memref<!tpu.dma_semaphore, #tpu.memory_space<semaphore_mem>>, %arg12: memref<10240x16xf32, #tpu.memory_space<vmem_shared>>) attributes {dimension_semantics = [#tpu.dimension_semantics<core_parallel>, #tpu.dimension_semantics<subcore_parallel>], iteration_bounds = array<i64: 2, 16>, scalar_prefetch = 0 : i64, scratch_operands = 7 : i64, tpu.core_type = #tpu.core_type<sc_vector_subcore>, window_params = [{transform_indices = #map}, {transform_indices = #map1}, {transform_indices = #map1}, {transform_indices = #map2}]} {
    %mul3A = arith.constant 16 : i32
    %mul3A_0 = arith.muli %arg0, %mul3A : i32
    %add3A = arith.addi %mul3A_0, %arg1 : i32
    %mul3A_1 = arith.constant 640 : i32
    %mul3A_2 = arith.muli %arg1, %mul3A_1 : i32
    %scan3A = arith.constant 0 : i32
    %scan3A_3 = arith.constant 128 : i32
    %scan3A_4 = arith.addi %scan3A, %scan3A_3 : i32
    %scan3A_5 = arith.constant 1 : i32
    scf.for %scan3A_94 = %scan3A to %scan3A_4 step %scan3A_5  : i32 {
      %mul3A_95 = arith.constant 1 : i32
      %mul3A_96 = arith.muli %scan3A_94, %mul3A_95 : i32
      %add3A_97 = arith.constant 0 : i32
      %add3A_98 = arith.addi %add3A_97, %mul3A_96 : i32
      %broadcast_in_dim3A = arith.constant 0.000000e+00 : f32
      %broadcast_in_dim3A_99 = vector.broadcast %broadcast_in_dim3A : f32 to vector<1x16xf32>
      %swap3A = arith.index_cast %add3A_98 : i32 to index
      %swap3A_100 = arith.constant 0 : index
      %swap3A_101 = tpu.vector_load %arg8[%swap3A, %swap3A_100] {strides = array<i32>} : memref<2000x16xf32, #tpu.memory_space<vmem>>, vector<1x16xf32>,
      %swap3A_102 = vector.shape_cast %swap3A_101 : vector<1x16xf32> to vector<1x16xf32>
      %swap3A_103 = vector.shape_cast %broadcast_in_dim3A_99 : vector<1x16xf32> to vector<1x16xf32>
      tpu.vector_store %arg8[%swap3A, %swap3A_100], %swap3A_103 {strides = array<i32>} : memref<2000x16xf32, #tpu.memory_space<vmem>>, vector<1x16xf32>,
    }
    %scan3A_6 = arith.constant 128 : i32
    %scan3A_7 = arith.constant 0 : i32
    %scan3A_8 = arith.constant 5 : i32
    %scan3A_9 = arith.addi %scan3A_7, %scan3A_8 : i32
    %scan3A_10 = arith.constant 1 : i32
    scf.for %scan3A_94 = %scan3A_7 to %scan3A_9 step %scan3A_10  : i32 {
      %mul3A_95 = arith.constant 1 : i32
      %mul3A_96 = arith.muli %scan3A_94, %mul3A_95 : i32
      %add3A_97 = arith.constant 0 : i32
      %add3A_98 = arith.addi %add3A_97, %mul3A_96 : i32
      %mul3A_99 = arith.constant 128 : i32
      %mul3A_100 = arith.muli %add3A_98, %mul3A_99 : i32
      %add3A_101 = arith.addi %mul3A_2, %mul3A_100 : i32
      "tpu.region"() ({
        %run_scoped3A_102 = tpu.sem_alloc : memref<!tpu.dma_semaphore, #tpu.memory_space<semaphore_mem>>
        %dma_start3A_103 = arith.constant 0 : i32
        %dma_start3A_104 = arith.constant 0 : i32
        %dma_start3A_105 = tpu.memref_slice %arg8[%dma_start3A_103, %dma_start3A_104] : memref<2000x16xf32, #tpu.memory_space<vmem>> -> memref<128x16xf32, #tpu.memory_space<vmem>>
        %dma_start3A_106 = arith.constant 0 : i32
        %dma_start3A_107 = tpu.memref_slice %arg12[%add3A_101, %dma_start3A_106] : memref<10240x16xf32, #tpu.memory_space<vmem_shared>> -> memref<128x16xf32, #tpu.memory_space<vmem_shared>>
        %dma_start3A_108 = arith.constant 0 : i32
        %dma_start3A_109 = tpu.memref_slice %arg12[%add3A_101, %dma_start3A_108] : memref<10240x16xf32, #tpu.memory_space<vmem_shared>> -> memref<128x16xf32, #tpu.memory_space<vmem_shared>>
        %dma_start3A_110 = arith.constant 0 : i32
        %dma_start3A_111 = arith.constant 0 : i32
        %dma_start3A_112 = tpu.memref_slice %arg8[%dma_start3A_110, %dma_start3A_111] : memref<2000x16xf32, #tpu.memory_space<vmem>> -> memref<128x16xf32, #tpu.memory_space<vmem>>
        tpu.enqueue_dma source(%dma_start3A_112 : memref<128x16xf32, #tpu.memory_space<vmem>>) target(%dma_start3A_109 : memref<128x16xf32, #tpu.memory_space<vmem_shared>>) target_semaphore(%run_scoped3A_102 : memref<!tpu.dma_semaphore, #tpu.memory_space<semaphore_mem>>)
        %dma_wait3A_113 = arith.constant 0 : i32
        %dma_wait3A_114 = arith.constant 0 : i32
        %dma_wait3A_115 = tpu.memref_slice %arg8[%dma_wait3A_113, %dma_wait3A_114] : memref<2000x16xf32, #tpu.memory_space<vmem>> -> memref<128x16xf32, #tpu.memory_space<vmem>>
        %dma_wait3A_116 = arith.constant 0 : i32
        %dma_wait3A_117 = tpu.memref_slice %arg12[%add3A_101, %dma_wait3A_116] : memref<10240x16xf32, #tpu.memory_space<vmem_shared>> -> memref<128x16xf32, #tpu.memory_space<vmem_shared>>
        %dma_wait3A_118 = arith.constant 0 : i32
        %dma_wait3A_119 = tpu.memref_slice %arg12[%add3A_101, %dma_wait3A_118] : memref<10240x16xf32, #tpu.memory_space<vmem_shared>> -> memref<128x16xf32, #tpu.memory_space<vmem_shared>>
        %dma_wait3A_120 = arith.constant 0 : i32
        %dma_wait3A_121 = arith.constant 0 : i32
        %dma_wait3A_122 = tpu.memref_slice %arg8[%dma_wait3A_120, %dma_wait3A_121] : memref<2000x16xf32, #tpu.memory_space<vmem>> -> memref<128x16xf32, #tpu.memory_space<vmem>>
        tpu.wait_dma2 semaphore(%run_scoped3A_102 : memref<!tpu.dma_semaphore, #tpu.memory_space<semaphore_mem>>) src(%dma_wait3A_122 : memref<128x16xf32, #tpu.memory_space<vmem>>) dst(%dma_wait3A_119 : memref<128x16xf32, #tpu.memory_space<vmem_shared>>)
        tpu.yield
      }) : () -> ()
    }
    %scan3A_11 = arith.constant 5 : i32
    %scan3A_12 = arith.constant 0 : i32
    %scan3A_13 = arith.constant 5 : i32
    %scan3A_14 = arith.addi %scan3A_12, %scan3A_13 : i32
    %scan3A_15 = arith.constant 1 : i32
    scf.for %scan3A_94 = %scan3A_12 to %scan3A_14 step %scan3A_15  : i32 {
      %mul3A_95 = arith.constant 1 : i32
      %mul3A_96 = arith.muli %scan3A_94, %mul3A_95 : i32
      %add3A_97 = arith.constant 0 : i32
      %add3A_98 = arith.addi %add3A_97, %mul3A_96 : i32
      %mul3A_99 = arith.constant 10000 : i32
      %mul3A_100 = arith.muli %add3A, %mul3A_99 : i32
      %mul3A_101 = arith.constant 2000 : i32
      %mul3A_102 = arith.muli %add3A_98, %mul3A_101 : i32
      %add3A_103 = arith.addi %mul3A_100, %mul3A_102 : i32
      %multiple_of3A = tpu.assume_multiple %add3A_103, 8 : i32
      "tpu.region"() ({
        %run_scoped3A_104 = tpu.sem_alloc : memref<!tpu.dma_semaphore, #tpu.memory_space<semaphore_mem>>
        %dma_start3A_105 = arith.constant 0 : i32
        %dma_start3A_106 = tpu.memref_slice %arg6[%add3A_98, %dma_start3A_105] : memref<5x2000xi32, #tpu.memory_space<vmem>> -> memref<1x2000xi32, #tpu.memory_space<vmem>>
        %dma_start3A_107 = tpu.memref_squeeze %dma_start3A_106 : memref<1x2000xi32, #tpu.memory_space<vmem>> -> memref<2000xi32, #tpu.memory_space<vmem>>
        %dma_start3A_108 = tpu.memref_slice %arg3[%multiple_of3A] : memref<320000xi32, #tpu.memory_space<hbm>> -> memref<2000xi32, #tpu.memory_space<hbm>>
        %dma_start3A_109 = arith.constant 0 : i32
        %dma_start3A_110 = tpu.memref_slice %arg6[%add3A_98, %dma_start3A_109] : memref<5x2000xi32, #tpu.memory_space<vmem>> -> memref<1x2000xi32, #tpu.memory_space<vmem>>
        %dma_start3A_111 = tpu.memref_squeeze %dma_start3A_110 : memref<1x2000xi32, #tpu.memory_space<vmem>> -> memref<2000xi32, #tpu.memory_space<vmem>>
        %dma_start3A_112 = tpu.memref_slice %arg3[%multiple_of3A] : memref<320000xi32, #tpu.memory_space<hbm>> -> memref<2000xi32, #tpu.memory_space<hbm>>
        tpu.enqueue_dma source(%dma_start3A_112 : memref<2000xi32, #tpu.memory_space<hbm>>) target(%dma_start3A_111 : memref<2000xi32, #tpu.memory_space<vmem>>) target_semaphore(%run_scoped3A_104 : memref<!tpu.dma_semaphore, #tpu.memory_space<semaphore_mem>>)
        %dma_wait3A_113 = arith.constant 0 : i32
        %dma_wait3A_114 = tpu.memref_slice %arg6[%add3A_98, %dma_wait3A_113] : memref<5x2000xi32, #tpu.memory_space<vmem>> -> memref<1x2000xi32, #tpu.memory_space<vmem>>
        %dma_wait3A_115 = tpu.memref_squeeze %dma_wait3A_114 : memref<1x2000xi32, #tpu.memory_space<vmem>> -> memref<2000xi32, #tpu.memory_space<vmem>>
        %dma_wait3A_116 = tpu.memref_slice %arg3[%multiple_of3A] : memref<320000xi32, #tpu.memory_space<hbm>> -> memref<2000xi32, #tpu.memory_space<hbm>>
        %dma_wait3A_117 = arith.constant 0 : i32
        %dma_wait3A_118 = tpu.memref_slice %arg6[%add3A_98, %dma_wait3A_117] : memref<5x2000xi32, #tpu.memory_space<vmem>> -> memref<1x2000xi32, #tpu.memory_space<vmem>>
        %dma_wait3A_119 = tpu.memref_squeeze %dma_wait3A_118 : memref<1x2000xi32, #tpu.memory_space<vmem>> -> memref<2000xi32, #tpu.memory_space<vmem>>
        %dma_wait3A_120 = tpu.memref_slice %arg3[%multiple_of3A] : memref<320000xi32, #tpu.memory_space<hbm>> -> memref<2000xi32, #tpu.memory_space<hbm>>
        tpu.wait_dma2 semaphore(%run_scoped3A_104 : memref<!tpu.dma_semaphore, #tpu.memory_space<semaphore_mem>>) src(%dma_wait3A_120 : memref<2000xi32, #tpu.memory_space<hbm>>) dst(%dma_wait3A_119 : memref<2000xi32, #tpu.memory_space<vmem>>)
        tpu.yield
      }) : () -> ()
      "tpu.region"() ({
        %run_scoped3A_104 = tpu.sem_alloc : memref<!tpu.dma_semaphore, #tpu.memory_space<semaphore_mem>>
        %dma_start3A_105 = arith.constant 0 : i32
        %dma_start3A_106 = tpu.memref_slice %arg7[%add3A_98, %dma_start3A_105] : memref<5x2000xi32, #tpu.memory_space<vmem>> -> memref<1x2000xi32, #tpu.memory_space<vmem>>
        %dma_start3A_107 = tpu.memref_squeeze %dma_start3A_106 : memref<1x2000xi32, #tpu.memory_space<vmem>> -> memref<2000xi32, #tpu.memory_space<vmem>>
        %dma_start3A_108 = tpu.memref_slice %arg4[%multiple_of3A] : memref<320000xi32, #tpu.memory_space<hbm>> -> memref<2000xi32, #tpu.memory_space<hbm>>
        %dma_start3A_109 = arith.constant 0 : i32
        %dma_start3A_110 = tpu.memref_slice %arg7[%add3A_98, %dma_start3A_109] : memref<5x2000xi32, #tpu.memory_space<vmem>> -> memref<1x2000xi32, #tpu.memory_space<vmem>>
        %dma_start3A_111 = tpu.memref_squeeze %dma_start3A_110 : memref<1x2000xi32, #tpu.memory_space<vmem>> -> memref<2000xi32, #tpu.memory_space<vmem>>
        %dma_start3A_112 = tpu.memref_slice %arg4[%multiple_of3A] : memref<320000xi32, #tpu.memory_space<hbm>> -> memref<2000xi32, #tpu.memory_space<hbm>>
        tpu.enqueue_dma source(%dma_start3A_112 : memref<2000xi32, #tpu.memory_space<hbm>>) target(%dma_start3A_111 : memref<2000xi32, #tpu.memory_space<vmem>>) target_semaphore(%run_scoped3A_104 : memref<!tpu.dma_semaphore, #tpu.memory_space<semaphore_mem>>)
        %dma_wait3A_113 = arith.constant 0 : i32
        %dma_wait3A_114 = tpu.memref_slice %arg7[%add3A_98, %dma_wait3A_113] : memref<5x2000xi32, #tpu.memory_space<vmem>> -> memref<1x2000xi32, #tpu.memory_space<vmem>>
        %dma_wait3A_115 = tpu.memref_squeeze %dma_wait3A_114 : memref<1x2000xi32, #tpu.memory_space<vmem>> -> memref<2000xi32, #tpu.memory_space<vmem>>
        %dma_wait3A_116 = tpu.memref_slice %arg4[%multiple_of3A] : memref<320000xi32, #tpu.memory_space<hbm>> -> memref<2000xi32, #tpu.memory_space<hbm>>
        %dma_wait3A_117 = arith.constant 0 : i32
        %dma_wait3A_118 = tpu.memref_slice %arg7[%add3A_98, %dma_wait3A_117] : memref<5x2000xi32, #tpu.memory_space<vmem>> -> memref<1x2000xi32, #tpu.memory_space<vmem>>
        %dma_wait3A_119 = tpu.memref_squeeze %dma_wait3A_118 : memref<1x2000xi32, #tpu.memory_space<vmem>> -> memref<2000xi32, #tpu.memory_space<vmem>>
        %dma_wait3A_120 = tpu.memref_slice %arg4[%multiple_of3A] : memref<320000xi32, #tpu.memory_space<hbm>> -> memref<2000xi32, #tpu.memory_space<hbm>>
        tpu.wait_dma2 semaphore(%run_scoped3A_104 : memref<!tpu.dma_semaphore, #tpu.memory_space<semaphore_mem>>) src(%dma_wait3A_120 : memref<2000xi32, #tpu.memory_space<hbm>>) dst(%dma_wait3A_119 : memref<2000xi32, #tpu.memory_space<vmem>>)
        tpu.yield
      }) : () -> ()
    }
    %scan3A_16 = arith.constant 5 : i32
    %barrier3A = arith.constant 0 : index
    tpu.barrier barrier_id(%barrier3A)
    %dma_start3A = arith.constant 0 : i32
    %dma_start3A_17 = arith.constant 0 : i32
    %dma_start3A_18 = tpu.memref_slice %arg6[%dma_start3A, %dma_start3A_17] : memref<5x2000xi32, #tpu.memory_space<vmem>> -> memref<1x2000xi32, #tpu.memory_space<vmem>>
    %dma_start3A_19 = tpu.memref_squeeze %dma_start3A_18 : memref<1x2000xi32, #tpu.memory_space<vmem>> -> memref<2000xi32, #tpu.memory_space<vmem>>
    %dma_start3A_20 = arith.constant 0 : i32
    %dma_start3A_21 = arith.constant 0 : i32
    %dma_start3A_22 = tpu.memref_slice %arg2[%dma_start3A_20, %dma_start3A_21] : memref<10240x16xf32, #tpu.memory_space<hbm>> -> memref<10240x16xf32, #tpu.memory_space<hbm>>
    tpu.enqueue_indirect_dma source(%dma_start3A_22 : memref<10240x16xf32, #tpu.memory_space<hbm>>) target(%arg8 : memref<2000x16xf32, #tpu.memory_space<vmem>>) offsets(%dma_start3A_19 : memref<2000xi32, #tpu.memory_space<vmem>>) semaphore(%arg10 : memref<!tpu.dma_semaphore, #tpu.memory_space<semaphore_mem>>)
    %dma_start3A_23 = arith.constant 1 : i32
    %dma_start3A_24 = arith.constant 0 : i32
    %dma_start3A_25 = tpu.memref_slice %arg6[%dma_start3A_23, %dma_start3A_24] : memref<5x2000xi32, #tpu.memory_space<vmem>> -> memref<1x2000xi32, #tpu.memory_space<vmem>>
    %dma_start3A_26 = tpu.memref_squeeze %dma_start3A_25 : memref<1x2000xi32, #tpu.memory_space<vmem>> -> memref<2000xi32, #tpu.memory_space<vmem>>
    %dma_start3A_27 = arith.constant 0 : i32
    %dma_start3A_28 = arith.constant 0 : i32
    %dma_start3A_29 = tpu.memref_slice %arg2[%dma_start3A_27, %dma_start3A_28] : memref<10240x16xf32, #tpu.memory_space<hbm>> -> memref<10240x16xf32, #tpu.memory_space<hbm>>
    tpu.enqueue_indirect_dma source(%dma_start3A_29 : memref<10240x16xf32, #tpu.memory_space<hbm>>) target(%arg9 : memref<2000x16xf32, #tpu.memory_space<vmem>>) offsets(%dma_start3A_26 : memref<2000xi32, #tpu.memory_space<vmem>>) semaphore(%arg11 : memref<!tpu.dma_semaphore, #tpu.memory_space<semaphore_mem>>)
    %dma_wait3A = arith.constant 0 : i32
    %dma_wait3A_30 = arith.constant 0 : i32
    %dma_wait3A_31 = tpu.memref_slice %arg6[%dma_wait3A, %dma_wait3A_30] : memref<5x2000xi32, #tpu.memory_space<vmem>> -> memref<1x2000xi32, #tpu.memory_space<vmem>>
    %dma_wait3A_32 = tpu.memref_squeeze %dma_wait3A_31 : memref<1x2000xi32, #tpu.memory_space<vmem>> -> memref<2000xi32, #tpu.memory_space<vmem>>
    %dma_wait3A_33 = arith.constant 0 : i32
    %dma_wait3A_34 = arith.constant 0 : i32
    %dma_wait3A_35 = tpu.memref_slice %arg2[%dma_wait3A_33, %dma_wait3A_34] : memref<10240x16xf32, #tpu.memory_space<hbm>> -> memref<10240x16xf32, #tpu.memory_space<hbm>>
    tpu.wait_indirect_dma semaphore(%arg10 : memref<!tpu.dma_semaphore, #tpu.memory_space<semaphore_mem>>) src(%dma_wait3A_35 : memref<10240x16xf32, #tpu.memory_space<hbm>>) dst(%arg8 : memref<2000x16xf32, #tpu.memory_space<vmem>>)
    %run_scoped3A = arith.constant 0 : i32
    "tpu.region"() ({
      %run_scoped3A_94 = tpu.sem_alloc : memref<!tpu.dma_semaphore, #tpu.memory_space<semaphore_mem>>
      %dma_start3A_95 = arith.constant 0 : i32
      %dma_start3A_96 = tpu.memref_slice %arg7[%run_scoped3A, %dma_start3A_95] : memref<5x2000xi32, #tpu.memory_space<vmem>> -> memref<1x2000xi32, #tpu.memory_space<vmem>>
      %dma_start3A_97 = tpu.memref_squeeze %dma_start3A_96 : memref<1x2000xi32, #tpu.memory_space<vmem>> -> memref<2000xi32, #tpu.memory_space<vmem>>
      %dma_start3A_98 = arith.constant 0 : i32
      %dma_start3A_99 = arith.constant 0 : i32
      %dma_start3A_100 = tpu.memref_slice %arg12[%dma_start3A_98, %dma_start3A_99] : memref<10240x16xf32, #tpu.memory_space<vmem_shared>> -> memref<10240x16xf32, #tpu.memory_space<vmem_shared>>
      tpu.enqueue_indirect_dma source(%arg8 : memref<2000x16xf32, #tpu.memory_space<vmem>>) target(%dma_start3A_100 : memref<10240x16xf32, #tpu.memory_space<vmem_shared>>) offsets(%dma_start3A_97 : memref<2000xi32, #tpu.memory_space<vmem>>) semaphore(%run_scoped3A_94 : memref<!tpu.dma_semaphore, #tpu.memory_space<semaphore_mem>>) {add = true}
      %dma_wait3A_101 = arith.constant 0 : i32
      %dma_wait3A_102 = tpu.memref_slice %arg7[%run_scoped3A, %dma_wait3A_101] : memref<5x2000xi32, #tpu.memory_space<vmem>> -> memref<1x2000xi32, #tpu.memory_space<vmem>>
      %dma_wait3A_103 = tpu.memref_squeeze %dma_wait3A_102 : memref<1x2000xi32, #tpu.memory_space<vmem>> -> memref<2000xi32, #tpu.memory_space<vmem>>
      %dma_wait3A_104 = arith.constant 0 : i32
      %dma_wait3A_105 = arith.constant 0 : i32
      %dma_wait3A_106 = tpu.memref_slice %arg12[%dma_wait3A_104, %dma_wait3A_105] : memref<10240x16xf32, #tpu.memory_space<vmem_shared>> -> memref<10240x16xf32, #tpu.memory_space<vmem_shared>>
      tpu.wait_indirect_dma semaphore(%run_scoped3A_94 : memref<!tpu.dma_semaphore, #tpu.memory_space<semaphore_mem>>) src(%arg8 : memref<2000x16xf32, #tpu.memory_space<vmem>>) dst(%dma_wait3A_106 : memref<10240x16xf32, #tpu.memory_space<vmem_shared>>)
      tpu.yield
    }) : () -> ()
    %dma_start3A_36 = arith.constant 2 : i32
    %dma_start3A_37 = arith.constant 0 : i32
    %dma_start3A_38 = tpu.memref_slice %arg6[%dma_start3A_36, %dma_start3A_37] : memref<5x2000xi32, #tpu.memory_space<vmem>> -> memref<1x2000xi32, #tpu.memory_space<vmem>>
    %dma_start3A_39 = tpu.memref_squeeze %dma_start3A_38 : memref<1x2000xi32, #tpu.memory_space<vmem>> -> memref<2000xi32, #tpu.memory_space<vmem>>
    %dma_start3A_40 = arith.constant 0 : i32
    %dma_start3A_41 = arith.constant 0 : i32
    %dma_start3A_42 = tpu.memref_slice %arg2[%dma_start3A_40, %dma_start3A_41] : memref<10240x16xf32, #tpu.memory_space<hbm>> -> memref<10240x16xf32, #tpu.memory_space<hbm>>
    tpu.enqueue_indirect_dma source(%dma_start3A_42 : memref<10240x16xf32, #tpu.memory_space<hbm>>) target(%arg8 : memref<2000x16xf32, #tpu.memory_space<vmem>>) offsets(%dma_start3A_39 : memref<2000xi32, #tpu.memory_space<vmem>>) semaphore(%arg10 : memref<!tpu.dma_semaphore, #tpu.memory_space<semaphore_mem>>)
    %dma_wait3A_43 = arith.constant 1 : i32
    %dma_wait3A_44 = arith.constant 0 : i32
    %dma_wait3A_45 = tpu.memref_slice %arg6[%dma_wait3A_43, %dma_wait3A_44] : memref<5x2000xi32, #tpu.memory_space<vmem>> -> memref<1x2000xi32, #tpu.memory_space<vmem>>
    %dma_wait3A_46 = tpu.memref_squeeze %dma_wait3A_45 : memref<1x2000xi32, #tpu.memory_space<vmem>> -> memref<2000xi32, #tpu.memory_space<vmem>>
    %dma_wait3A_47 = arith.constant 0 : i32
    %dma_wait3A_48 = arith.constant 0 : i32
    %dma_wait3A_49 = tpu.memref_slice %arg2[%dma_wait3A_47, %dma_wait3A_48] : memref<10240x16xf32, #tpu.memory_space<hbm>> -> memref<10240x16xf32, #tpu.memory_space<hbm>>
    tpu.wait_indirect_dma semaphore(%arg11 : memref<!tpu.dma_semaphore, #tpu.memory_space<semaphore_mem>>) src(%dma_wait3A_49 : memref<10240x16xf32, #tpu.memory_space<hbm>>) dst(%arg9 : memref<2000x16xf32, #tpu.memory_space<vmem>>)
    %run_scoped3A_50 = arith.constant 1 : i32
    "tpu.region"() ({
      %run_scoped3A_94 = tpu.sem_alloc : memref<!tpu.dma_semaphore, #tpu.memory_space<semaphore_mem>>
      %dma_start3A_95 = arith.constant 0 : i32
      %dma_start3A_96 = tpu.memref_slice %arg7[%run_scoped3A_50, %dma_start3A_95] : memref<5x2000xi32, #tpu.memory_space<vmem>> -> memref<1x2000xi32, #tpu.memory_space<vmem>>
      %dma_start3A_97 = tpu.memref_squeeze %dma_start3A_96 : memref<1x2000xi32, #tpu.memory_space<vmem>> -> memref<2000xi32, #tpu.memory_space<vmem>>
      %dma_start3A_98 = arith.constant 0 : i32
      %dma_start3A_99 = arith.constant 0 : i32
      %dma_start3A_100 = tpu.memref_slice %arg12[%dma_start3A_98, %dma_start3A_99] : memref<10240x16xf32, #tpu.memory_space<vmem_shared>> -> memref<10240x16xf32, #tpu.memory_space<vmem_shared>>
      tpu.enqueue_indirect_dma source(%arg9 : memref<2000x16xf32, #tpu.memory_space<vmem>>) target(%dma_start3A_100 : memref<10240x16xf32, #tpu.memory_space<vmem_shared>>) offsets(%dma_start3A_97 : memref<2000xi32, #tpu.memory_space<vmem>>) semaphore(%run_scoped3A_94 : memref<!tpu.dma_semaphore, #tpu.memory_space<semaphore_mem>>) {add = true}
      %dma_wait3A_101 = arith.constant 0 : i32
      %dma_wait3A_102 = tpu.memref_slice %arg7[%run_scoped3A_50, %dma_wait3A_101] : memref<5x2000xi32, #tpu.memory_space<vmem>> -> memref<1x2000xi32, #tpu.memory_space<vmem>>
      %dma_wait3A_103 = tpu.memref_squeeze %dma_wait3A_102 : memref<1x2000xi32, #tpu.memory_space<vmem>> -> memref<2000xi32, #tpu.memory_space<vmem>>
      %dma_wait3A_104 = arith.constant 0 : i32
      %dma_wait3A_105 = arith.constant 0 : i32
      %dma_wait3A_106 = tpu.memref_slice %arg12[%dma_wait3A_104, %dma_wait3A_105] : memref<10240x16xf32, #tpu.memory_space<vmem_shared>> -> memref<10240x16xf32, #tpu.memory_space<vmem_shared>>
      tpu.wait_indirect_dma semaphore(%run_scoped3A_94 : memref<!tpu.dma_semaphore, #tpu.memory_space<semaphore_mem>>) src(%arg9 : memref<2000x16xf32, #tpu.memory_space<vmem>>) dst(%dma_wait3A_106 : memref<10240x16xf32, #tpu.memory_space<vmem_shared>>)
      tpu.yield
    }) : () -> ()
    %dma_start3A_51 = arith.constant 3 : i32
    %dma_start3A_52 = arith.constant 0 : i32
    %dma_start3A_53 = tpu.memref_slice %arg6[%dma_start3A_51, %dma_start3A_52] : memref<5x2000xi32, #tpu.memory_space<vmem>> -> memref<1x2000xi32, #tpu.memory_space<vmem>>
    %dma_start3A_54 = tpu.memref_squeeze %dma_start3A_53 : memref<1x2000xi32, #tpu.memory_space<vmem>> -> memref<2000xi32, #tpu.memory_space<vmem>>
    %dma_start3A_55 = arith.constant 0 : i32
    %dma_start3A_56 = arith.constant 0 : i32
    %dma_start3A_57 = tpu.memref_slice %arg2[%dma_start3A_55, %dma_start3A_56] : memref<10240x16xf32, #tpu.memory_space<hbm>> -> memref<10240x16xf32, #tpu.memory_space<hbm>>
    tpu.enqueue_indirect_dma source(%dma_start3A_57 : memref<10240x16xf32, #tpu.memory_space<hbm>>) target(%arg9 : memref<2000x16xf32, #tpu.memory_space<vmem>>) offsets(%dma_start3A_54 : memref<2000xi32, #tpu.memory_space<vmem>>) semaphore(%arg11 : memref<!tpu.dma_semaphore, #tpu.memory_space<semaphore_mem>>)
    %dma_wait3A_58 = arith.constant 2 : i32
    %dma_wait3A_59 = arith.constant 0 : i32
    %dma_wait3A_60 = tpu.memref_slice %arg6[%dma_wait3A_58, %dma_wait3A_59] : memref<5x2000xi32, #tpu.memory_space<vmem>> -> memref<1x2000xi32, #tpu.memory_space<vmem>>
    %dma_wait3A_61 = tpu.memref_squeeze %dma_wait3A_60 : memref<1x2000xi32, #tpu.memory_space<vmem>> -> memref<2000xi32, #tpu.memory_space<vmem>>
    %dma_wait3A_62 = arith.constant 0 : i32
    %dma_wait3A_63 = arith.constant 0 : i32
    %dma_wait3A_64 = tpu.memref_slice %arg2[%dma_wait3A_62, %dma_wait3A_63] : memref<10240x16xf32, #tpu.memory_space<hbm>> -> memref<10240x16xf32, #tpu.memory_space<hbm>>
    tpu.wait_indirect_dma semaphore(%arg10 : memref<!tpu.dma_semaphore, #tpu.memory_space<semaphore_mem>>) src(%dma_wait3A_64 : memref<10240x16xf32, #tpu.memory_space<hbm>>) dst(%arg8 : memref<2000x16xf32, #tpu.memory_space<vmem>>)
    %run_scoped3A_65 = arith.constant 2 : i32
    "tpu.region"() ({
      %run_scoped3A_94 = tpu.sem_alloc : memref<!tpu.dma_semaphore, #tpu.memory_space<semaphore_mem>>
      %dma_start3A_95 = arith.constant 0 : i32
      %dma_start3A_96 = tpu.memref_slice %arg7[%run_scoped3A_65, %dma_start3A_95] : memref<5x2000xi32, #tpu.memory_space<vmem>> -> memref<1x2000xi32, #tpu.memory_space<vmem>>
      %dma_start3A_97 = tpu.memref_squeeze %dma_start3A_96 : memref<1x2000xi32, #tpu.memory_space<vmem>> -> memref<2000xi32, #tpu.memory_space<vmem>>
      %dma_start3A_98 = arith.constant 0 : i32
      %dma_start3A_99 = arith.constant 0 : i32
      %dma_start3A_100 = tpu.memref_slice %arg12[%dma_start3A_98, %dma_start3A_99] : memref<10240x16xf32, #tpu.memory_space<vmem_shared>> -> memref<10240x16xf32, #tpu.memory_space<vmem_shared>>
      tpu.enqueue_indirect_dma source(%arg8 : memref<2000x16xf32, #tpu.memory_space<vmem>>) target(%dma_start3A_100 : memref<10240x16xf32, #tpu.memory_space<vmem_shared>>) offsets(%dma_start3A_97 : memref<2000xi32, #tpu.memory_space<vmem>>) semaphore(%run_scoped3A_94 : memref<!tpu.dma_semaphore, #tpu.memory_space<semaphore_mem>>) {add = true}
      %dma_wait3A_101 = arith.constant 0 : i32
      %dma_wait3A_102 = tpu.memref_slice %arg7[%run_scoped3A_65, %dma_wait3A_101] : memref<5x2000xi32, #tpu.memory_space<vmem>> -> memref<1x2000xi32, #tpu.memory_space<vmem>>
      %dma_wait3A_103 = tpu.memref_squeeze %dma_wait3A_102 : memref<1x2000xi32, #tpu.memory_space<vmem>> -> memref<2000xi32, #tpu.memory_space<vmem>>
      %dma_wait3A_104 = arith.constant 0 : i32
      %dma_wait3A_105 = arith.constant 0 : i32
      %dma_wait3A_106 = tpu.memref_slice %arg12[%dma_wait3A_104, %dma_wait3A_105] : memref<10240x16xf32, #tpu.memory_space<vmem_shared>> -> memref<10240x16xf32, #tpu.memory_space<vmem_shared>>
      tpu.wait_indirect_dma semaphore(%run_scoped3A_94 : memref<!tpu.dma_semaphore, #tpu.memory_space<semaphore_mem>>) src(%arg8 : memref<2000x16xf32, #tpu.memory_space<vmem>>) dst(%dma_wait3A_106 : memref<10240x16xf32, #tpu.memory_space<vmem_shared>>)
      tpu.yield
    }) : () -> ()
    %dma_start3A_66 = arith.constant 4 : i32
    %dma_start3A_67 = arith.constant 0 : i32
    %dma_start3A_68 = tpu.memref_slice %arg6[%dma_start3A_66, %dma_start3A_67] : memref<5x2000xi32, #tpu.memory_space<vmem>> -> memref<1x2000xi32, #tpu.memory_space<vmem>>
    %dma_start3A_69 = tpu.memref_squeeze %dma_start3A_68 : memref<1x2000xi32, #tpu.memory_space<vmem>> -> memref<2000xi32, #tpu.memory_space<vmem>>
    %dma_start3A_70 = arith.constant 0 : i32
    %dma_start3A_71 = arith.constant 0 : i32
    %dma_start3A_72 = tpu.memref_slice %arg2[%dma_start3A_70, %dma_start3A_71] : memref<10240x16xf32, #tpu.memory_space<hbm>> -> memref<10240x16xf32, #tpu.memory_space<hbm>>
    tpu.enqueue_indirect_dma source(%dma_start3A_72 : memref<10240x16xf32, #tpu.memory_space<hbm>>) target(%arg8 : memref<2000x16xf32, #tpu.memory_space<vmem>>) offsets(%dma_start3A_69 : memref<2000xi32, #tpu.memory_space<vmem>>) semaphore(%arg10 : memref<!tpu.dma_semaphore, #tpu.memory_space<semaphore_mem>>)
    %dma_wait3A_73 = arith.constant 3 : i32
    %dma_wait3A_74 = arith.constant 0 : i32
    %dma_wait3A_75 = tpu.memref_slice %arg6[%dma_wait3A_73, %dma_wait3A_74] : memref<5x2000xi32, #tpu.memory_space<vmem>> -> memref<1x2000xi32, #tpu.memory_space<vmem>>
    %dma_wait3A_76 = tpu.memref_squeeze %dma_wait3A_75 : memref<1x2000xi32, #tpu.memory_space<vmem>> -> memref<2000xi32, #tpu.memory_space<vmem>>
    %dma_wait3A_77 = arith.constant 0 : i32
    %dma_wait3A_78 = arith.constant 0 : i32
    %dma_wait3A_79 = tpu.memref_slice %arg2[%dma_wait3A_77, %dma_wait3A_78] : memref<10240x16xf32, #tpu.memory_space<hbm>> -> memref<10240x16xf32, #tpu.memory_space<hbm>>
    tpu.wait_indirect_dma semaphore(%arg11 : memref<!tpu.dma_semaphore, #tpu.memory_space<semaphore_mem>>) src(%dma_wait3A_79 : memref<10240x16xf32, #tpu.memory_space<hbm>>) dst(%arg9 : memref<2000x16xf32, #tpu.memory_space<vmem>>)
    %run_scoped3A_80 = arith.constant 3 : i32
    "tpu.region"() ({
      %run_scoped3A_94 = tpu.sem_alloc : memref<!tpu.dma_semaphore, #tpu.memory_space<semaphore_mem>>
      %dma_start3A_95 = arith.constant 0 : i32
      %dma_start3A_96 = tpu.memref_slice %arg7[%run_scoped3A_80, %dma_start3A_95] : memref<5x2000xi32, #tpu.memory_space<vmem>> -> memref<1x2000xi32, #tpu.memory_space<vmem>>
      %dma_start3A_97 = tpu.memref_squeeze %dma_start3A_96 : memref<1x2000xi32, #tpu.memory_space<vmem>> -> memref<2000xi32, #tpu.memory_space<vmem>>
      %dma_start3A_98 = arith.constant 0 : i32
      %dma_start3A_99 = arith.constant 0 : i32
      %dma_start3A_100 = tpu.memref_slice %arg12[%dma_start3A_98, %dma_start3A_99] : memref<10240x16xf32, #tpu.memory_space<vmem_shared>> -> memref<10240x16xf32, #tpu.memory_space<vmem_shared>>
      tpu.enqueue_indirect_dma source(%arg9 : memref<2000x16xf32, #tpu.memory_space<vmem>>) target(%dma_start3A_100 : memref<10240x16xf32, #tpu.memory_space<vmem_shared>>) offsets(%dma_start3A_97 : memref<2000xi32, #tpu.memory_space<vmem>>) semaphore(%run_scoped3A_94 : memref<!tpu.dma_semaphore, #tpu.memory_space<semaphore_mem>>) {add = true}
      %dma_wait3A_101 = arith.constant 0 : i32
      %dma_wait3A_102 = tpu.memref_slice %arg7[%run_scoped3A_80, %dma_wait3A_101] : memref<5x2000xi32, #tpu.memory_space<vmem>> -> memref<1x2000xi32, #tpu.memory_space<vmem>>
      %dma_wait3A_103 = tpu.memref_squeeze %dma_wait3A_102 : memref<1x2000xi32, #tpu.memory_space<vmem>> -> memref<2000xi32, #tpu.memory_space<vmem>>
      %dma_wait3A_104 = arith.constant 0 : i32
      %dma_wait3A_105 = arith.constant 0 : i32
      %dma_wait3A_106 = tpu.memref_slice %arg12[%dma_wait3A_104, %dma_wait3A_105] : memref<10240x16xf32, #tpu.memory_space<vmem_shared>> -> memref<10240x16xf32, #tpu.memory_space<vmem_shared>>
      tpu.wait_indirect_dma semaphore(%run_scoped3A_94 : memref<!tpu.dma_semaphore, #tpu.memory_space<semaphore_mem>>) src(%arg9 : memref<2000x16xf32, #tpu.memory_space<vmem>>) dst(%dma_wait3A_106 : memref<10240x16xf32, #tpu.memory_space<vmem_shared>>)
      tpu.yield
    }) : () -> ()
    %dma_wait3A_81 = arith.constant 4 : i32
    %dma_wait3A_82 = arith.constant 0 : i32
    %dma_wait3A_83 = tpu.memref_slice %arg6[%dma_wait3A_81, %dma_wait3A_82] : memref<5x2000xi32, #tpu.memory_space<vmem>> -> memref<1x2000xi32, #tpu.memory_space<vmem>>
    %dma_wait3A_84 = tpu.memref_squeeze %dma_wait3A_83 : memref<1x2000xi32, #tpu.memory_space<vmem>> -> memref<2000xi32, #tpu.memory_space<vmem>>
    %dma_wait3A_85 = arith.constant 0 : i32
    %dma_wait3A_86 = arith.constant 0 : i32
    %dma_wait3A_87 = tpu.memref_slice %arg2[%dma_wait3A_85, %dma_wait3A_86] : memref<10240x16xf32, #tpu.memory_space<hbm>> -> memref<10240x16xf32, #tpu.memory_space<hbm>>
    tpu.wait_indirect_dma semaphore(%arg10 : memref<!tpu.dma_semaphore, #tpu.memory_space<semaphore_mem>>) src(%dma_wait3A_87 : memref<10240x16xf32, #tpu.memory_space<hbm>>) dst(%arg8 : memref<2000x16xf32, #tpu.memory_space<vmem>>)
    %run_scoped3A_88 = arith.constant 4 : i32
    "tpu.region"() ({
      %run_scoped3A_94 = tpu.sem_alloc : memref<!tpu.dma_semaphore, #tpu.memory_space<semaphore_mem>>
      %dma_start3A_95 = arith.constant 0 : i32
      %dma_start3A_96 = tpu.memref_slice %arg7[%run_scoped3A_88, %dma_start3A_95] : memref<5x2000xi32, #tpu.memory_space<vmem>> -> memref<1x2000xi32, #tpu.memory_space<vmem>>
      %dma_start3A_97 = tpu.memref_squeeze %dma_start3A_96 : memref<1x2000xi32, #tpu.memory_space<vmem>> -> memref<2000xi32, #tpu.memory_space<vmem>>
      %dma_start3A_98 = arith.constant 0 : i32
      %dma_start3A_99 = arith.constant 0 : i32
      %dma_start3A_100 = tpu.memref_slice %arg12[%dma_start3A_98, %dma_start3A_99] : memref<10240x16xf32, #tpu.memory_space<vmem_shared>> -> memref<10240x16xf32, #tpu.memory_space<vmem_shared>>
      tpu.enqueue_indirect_dma source(%arg8 : memref<2000x16xf32, #tpu.memory_space<vmem>>) target(%dma_start3A_100 : memref<10240x16xf32, #tpu.memory_space<vmem_shared>>) offsets(%dma_start3A_97 : memref<2000xi32, #tpu.memory_space<vmem>>) semaphore(%run_scoped3A_94 : memref<!tpu.dma_semaphore, #tpu.memory_space<semaphore_mem>>) {add = true}
      %dma_wait3A_101 = arith.constant 0 : i32
      %dma_wait3A_102 = tpu.memref_slice %arg7[%run_scoped3A_88, %dma_wait3A_101] : memref<5x2000xi32, #tpu.memory_space<vmem>> -> memref<1x2000xi32, #tpu.memory_space<vmem>>
      %dma_wait3A_103 = tpu.memref_squeeze %dma_wait3A_102 : memref<1x2000xi32, #tpu.memory_space<vmem>> -> memref<2000xi32, #tpu.memory_space<vmem>>
      %dma_wait3A_104 = arith.constant 0 : i32
      %dma_wait3A_105 = arith.constant 0 : i32
      %dma_wait3A_106 = tpu.memref_slice %arg12[%dma_wait3A_104, %dma_wait3A_105] : memref<10240x16xf32, #tpu.memory_space<vmem_shared>> -> memref<10240x16xf32, #tpu.memory_space<vmem_shared>>
      tpu.wait_indirect_dma semaphore(%run_scoped3A_94 : memref<!tpu.dma_semaphore, #tpu.memory_space<semaphore_mem>>) src(%arg8 : memref<2000x16xf32, #tpu.memory_space<vmem>>) dst(%dma_wait3A_106 : memref<10240x16xf32, #tpu.memory_space<vmem_shared>>)
      tpu.yield
    }) : () -> ()
    %barrier3A_89 = arith.constant 0 : index
    tpu.barrier barrier_id(%barrier3A_89)
    %mul3A_90 = arith.constant 640 : i32
    %mul3A_91 = arith.muli %arg1, %mul3A_90 : i32
    %mul3A_92 = arith.constant 640 : i32
    %mul3A_93 = arith.muli %arg1, %mul3A_92 : i32
    "tpu.region"() ({
      %run_scoped3A_94 = tpu.sem_alloc : memref<!tpu.dma_semaphore, #tpu.memory_space<semaphore_mem>>
      %dma_start3A_95 = arith.constant 0 : i32
      %dma_start3A_96 = arith.constant 0 : i32
      %dma_start3A_97 = tpu.memref_slice %arg5[%arg0, %dma_start3A_95, %dma_start3A_96] : memref<2x10240x16xf32, #tpu.memory_space<hbm>> -> memref<1x10240x16xf32, #tpu.memory_space<hbm>>
      %dma_start3A_98 = tpu.memref_squeeze %dma_start3A_97 : memref<1x10240x16xf32, #tpu.memory_space<hbm>> -> memref<10240x16xf32, #tpu.memory_space<hbm>>
      %dma_start3A_99 = arith.constant 0 : i32
      %dma_start3A_100 = tpu.memref_slice %dma_start3A_98[%mul3A_93, %dma_start3A_99] : memref<10240x16xf32, #tpu.memory_space<hbm>> -> memref<640x16xf32, #tpu.memory_space<hbm>>
      %dma_start3A_101 = arith.constant 0 : i32
      %dma_start3A_102 = tpu.memref_slice %arg12[%mul3A_91, %dma_start3A_101] : memref<10240x16xf32, #tpu.memory_space<vmem_shared>> -> memref<640x16xf32, #tpu.memory_space<vmem_shared>>
      tpu.enqueue_dma source(%dma_start3A_102 : memref<640x16xf32, #tpu.memory_space<vmem_shared>>) target(%dma_start3A_100 : memref<640x16xf32, #tpu.memory_space<hbm>>) target_semaphore(%run_scoped3A_94 : memref<!tpu.dma_semaphore, #tpu.memory_space<semaphore_mem>>)
      %dma_wait3A_103 = arith.constant 0 : i32
      %dma_wait3A_104 = arith.constant 0 : i32
      %dma_wait3A_105 = tpu.memref_slice %arg5[%arg0, %dma_wait3A_103, %dma_wait3A_104] : memref<2x10240x16xf32, #tpu.memory_space<hbm>> -> memref<1x10240x16xf32, #tpu.memory_space<hbm>>
      %dma_wait3A_106 = tpu.memref_squeeze %dma_wait3A_105 : memref<1x10240x16xf32, #tpu.memory_space<hbm>> -> memref<10240x16xf32, #tpu.memory_space<hbm>>
      %dma_wait3A_107 = arith.constant 0 : i32
      %dma_wait3A_108 = tpu.memref_slice %dma_wait3A_106[%mul3A_93, %dma_wait3A_107] : memref<10240x16xf32, #tpu.memory_space<hbm>> -> memref<640x16xf32, #tpu.memory_space<hbm>>
      %dma_wait3A_109 = arith.constant 0 : i32
      %dma_wait3A_110 = tpu.memref_slice %arg12[%mul3A_91, %dma_wait3A_109] : memref<10240x16xf32, #tpu.memory_space<vmem_shared>> -> memref<640x16xf32, #tpu.memory_space<vmem_shared>>
      tpu.wait_dma2 semaphore(%run_scoped3A_94 : memref<!tpu.dma_semaphore, #tpu.memory_space<semaphore_mem>>) src(%dma_wait3A_110 : memref<640x16xf32, #tpu.memory_space<vmem_shared>>) dst(%dma_wait3A_108 : memref<640x16xf32, #tpu.memory_space<hbm>>)
      tpu.yield
    }) : () -> ()
    return
  }
}

#map = affine_map<(d0, d1) -> (0, 0)>
#map1 = affine_map<(d0, d1) -> (0)>
#map2 = affine_map<(d0, d1) -> (0, 0, 0)>
module attributes {stable_mosaic.version = 14 : i64} {
  func.func @_sc_aggregate_body(%arg0: i32, %arg1: i32, %arg2: memref<10240x16xf32, #tpu.memory_space<hbm>>, %arg3: memref<320000xi32, #tpu.memory_space<hbm>>, %arg4: memref<320000xi32, #tpu.memory_space<hbm>>, %arg5: memref<2x10240x16xf32, #tpu.memory_space<hbm>>, %arg6: memref<5x2000xi32, #tpu.memory_space<vmem>>, %arg7: memref<5x2000xi32, #tpu.memory_space<vmem>>, %arg8: memref<2000x16xf32, #tpu.memory_space<vmem>>, %arg9: memref<2000x16xf32, #tpu.memory_space<vmem>>, %arg10: memref<!tpu.dma_semaphore, #tpu.memory_space<semaphore_mem>>, %arg11: memref<!tpu.dma_semaphore, #tpu.memory_space<semaphore_mem>>, %arg12: memref<10240x16xf32, #tpu.memory_space<vmem_shared>>) attributes {dimension_semantics = [#tpu.dimension_semantics<core_parallel>, #tpu.dimension_semantics<subcore_parallel>], iteration_bounds = array<i64: 2, 16>, scalar_prefetch = 0 : i64, scratch_operands = 7 : i64, tpu.core_type = #tpu.core_type<sc_vector_subcore>, window_params = [{transform_indices = #map}, {transform_indices = #map1}, {transform_indices = #map1}, {transform_indices = #map2}]} {
    %mul3A = arith.constant 16 : i32
    %mul3A_0 = arith.muli %arg0, %mul3A : i32
    %add3A = arith.addi %mul3A_0, %arg1 : i32
    %mul3A_1 = arith.constant 640 : i32
    %mul3A_2 = arith.muli %arg1, %mul3A_1 : i32
    %scan3A = arith.constant 0 : i32
    %scan3A_3 = arith.constant 128 : i32
    %scan3A_4 = arith.addi %scan3A, %scan3A_3 : i32
    %scan3A_5 = arith.constant 1 : i32
    scf.for %scan3A_94 = %scan3A to %scan3A_4 step %scan3A_5  : i32 {
      %mul3A_95 = arith.constant 1 : i32
      %mul3A_96 = arith.muli %scan3A_94, %mul3A_95 : i32
      %add3A_97 = arith.constant 0 : i32
      %add3A_98 = arith.addi %add3A_97, %mul3A_96 : i32
      %broadcast_in_dim3A = arith.constant 0.000000e+00 : f32
      %broadcast_in_dim3A_99 = vector.broadcast %broadcast_in_dim3A : f32 to vector<1x16xf32>
      %swap3A = arith.index_cast %add3A_98 : i32 to index
      %swap3A_100 = arith.constant 0 : index
      %swap3A_101 = tpu.vector_load %arg8[%swap3A, %swap3A_100] {strides = array<i32>} : memref<2000x16xf32, #tpu.memory_space<vmem>>, vector<1x16xf32>,
      %swap3A_102 = vector.shape_cast %swap3A_101 : vector<1x16xf32> to vector<1x16xf32>
      %swap3A_103 = vector.shape_cast %broadcast_in_dim3A_99 : vector<1x16xf32> to vector<1x16xf32>
      tpu.vector_store %arg8[%swap3A, %swap3A_100], %swap3A_103 {strides = array<i32>} : memref<2000x16xf32, #tpu.memory_space<vmem>>, vector<1x16xf32>,
    }
    %scan3A_6 = arith.constant 128 : i32
    %scan3A_7 = arith.constant 0 : i32
    %scan3A_8 = arith.constant 5 : i32
    %scan3A_9 = arith.addi %scan3A_7, %scan3A_8 : i32
    %scan3A_10 = arith.constant 1 : i32
    scf.for %scan3A_94 = %scan3A_7 to %scan3A_9 step %scan3A_10  : i32 {
      %mul3A_95 = arith.constant 1 : i32
      %mul3A_96 = arith.muli %scan3A_94, %mul3A_95 : i32
      %add3A_97 = arith.constant 0 : i32
      %add3A_98 = arith.addi %add3A_97, %mul3A_96 : i32
      %mul3A_99 = arith.constant 128 : i32
      %mul3A_100 = arith.muli %add3A_98, %mul3A_99 : i32
      %add3A_101 = arith.addi %mul3A_2, %mul3A_100 : i32
      "tpu.region"() ({
        %run_scoped3A_102 = tpu.sem_alloc : memref<!tpu.dma_semaphore, #tpu.memory_space<semaphore_mem>>
        %dma_start3A_103 = arith.constant 0 : i32
        %dma_start3A_104 = arith.constant 0 : i32
        %dma_start3A_105 = tpu.memref_slice %arg8[%dma_start3A_103, %dma_start3A_104] : memref<2000x16xf32, #tpu.memory_space<vmem>> -> memref<128x16xf32, #tpu.memory_space<vmem>>
        %dma_start3A_106 = arith.constant 0 : i32
        %dma_start3A_107 = tpu.memref_slice %arg12[%add3A_101, %dma_start3A_106] : memref<10240x16xf32, #tpu.memory_space<vmem_shared>> -> memref<128x16xf32, #tpu.memory_space<vmem_shared>>
        %dma_start3A_108 = arith.constant 0 : i32
        %dma_start3A_109 = tpu.memref_slice %arg12[%add3A_101, %dma_start3A_108] : memref<10240x16xf32, #tpu.memory_space<vmem_shared>> -> memref<128x16xf32, #tpu.memory_space<vmem_shared>>
        %dma_start3A_110 = arith.constant 0 : i32
        %dma_start3A_111 = arith.constant 0 : i32
        %dma_start3A_112 = tpu.memref_slice %arg8[%dma_start3A_110, %dma_start3A_111] : memref<2000x16xf32, #tpu.memory_space<vmem>> -> memref<128x16xf32, #tpu.memory_space<vmem>>
        tpu.enqueue_dma source(%dma_start3A_112 : memref<128x16xf32, #tpu.memory_space<vmem>>) target(%dma_start3A_109 : memref<128x16xf32, #tpu.memory_space<vmem_shared>>) target_semaphore(%run_scoped3A_102 : memref<!tpu.dma_semaphore, #tpu.memory_space<semaphore_mem>>)
        %dma_wait3A_113 = arith.constant 0 : i32
        %dma_wait3A_114 = arith.constant 0 : i32
        %dma_wait3A_115 = tpu.memref_slice %arg8[%dma_wait3A_113, %dma_wait3A_114] : memref<2000x16xf32, #tpu.memory_space<vmem>> -> memref<128x16xf32, #tpu.memory_space<vmem>>
        %dma_wait3A_116 = arith.constant 0 : i32
        %dma_wait3A_117 = tpu.memref_slice %arg12[%add3A_101, %dma_wait3A_116] : memref<10240x16xf32, #tpu.memory_space<vmem_shared>> -> memref<128x16xf32, #tpu.memory_space<vmem_shared>>
        %dma_wait3A_118 = arith.constant 0 : i32
        %dma_wait3A_119 = tpu.memref_slice %arg12[%add3A_101, %dma_wait3A_118] : memref<10240x16xf32, #tpu.memory_space<vmem_shared>> -> memref<128x16xf32, #tpu.memory_space<vmem_shared>>
        %dma_wait3A_120 = arith.constant 0 : i32
        %dma_wait3A_121 = arith.constant 0 : i32
        %dma_wait3A_122 = tpu.memref_slice %arg8[%dma_wait3A_120, %dma_wait3A_121] : memref<2000x16xf32, #tpu.memory_space<vmem>> -> memref<128x16xf32, #tpu.memory_space<vmem>>
        tpu.wait_dma2 semaphore(%run_scoped3A_102 : memref<!tpu.dma_semaphore, #tpu.memory_space<semaphore_mem>>) src(%dma_wait3A_122 : memref<128x16xf32, #tpu.memory_space<vmem>>) dst(%dma_wait3A_119 : memref<128x16xf32, #tpu.memory_space<vmem_shared>>)
        tpu.yield
      }) : () -> ()
    }
    %scan3A_11 = arith.constant 5 : i32
    %scan3A_12 = arith.constant 0 : i32
    %scan3A_13 = arith.constant 5 : i32
    %scan3A_14 = arith.addi %scan3A_12, %scan3A_13 : i32
    %scan3A_15 = arith.constant 1 : i32
    scf.for %scan3A_94 = %scan3A_12 to %scan3A_14 step %scan3A_15  : i32 {
      %mul3A_95 = arith.constant 1 : i32
      %mul3A_96 = arith.muli %scan3A_94, %mul3A_95 : i32
      %add3A_97 = arith.constant 0 : i32
      %add3A_98 = arith.addi %add3A_97, %mul3A_96 : i32
      %mul3A_99 = arith.constant 10000 : i32
      %mul3A_100 = arith.muli %add3A, %mul3A_99 : i32
      %mul3A_101 = arith.constant 2000 : i32
      %mul3A_102 = arith.muli %add3A_98, %mul3A_101 : i32
      %add3A_103 = arith.addi %mul3A_100, %mul3A_102 : i32
      %multiple_of3A = tpu.assume_multiple %add3A_103, 8 : i32
      "tpu.region"() ({
        %run_scoped3A_104 = tpu.sem_alloc : memref<!tpu.dma_semaphore, #tpu.memory_space<semaphore_mem>>
        %dma_start3A_105 = arith.constant 0 : i32
        %dma_start3A_106 = tpu.memref_slice %arg6[%add3A_98, %dma_start3A_105] : memref<5x2000xi32, #tpu.memory_space<vmem>> -> memref<1x2000xi32, #tpu.memory_space<vmem>>
        %dma_start3A_107 = tpu.memref_squeeze %dma_start3A_106 : memref<1x2000xi32, #tpu.memory_space<vmem>> -> memref<2000xi32, #tpu.memory_space<vmem>>
        %dma_start3A_108 = tpu.memref_slice %arg3[%multiple_of3A] : memref<320000xi32, #tpu.memory_space<hbm>> -> memref<2000xi32, #tpu.memory_space<hbm>>
        %dma_start3A_109 = arith.constant 0 : i32
        %dma_start3A_110 = tpu.memref_slice %arg6[%add3A_98, %dma_start3A_109] : memref<5x2000xi32, #tpu.memory_space<vmem>> -> memref<1x2000xi32, #tpu.memory_space<vmem>>
        %dma_start3A_111 = tpu.memref_squeeze %dma_start3A_110 : memref<1x2000xi32, #tpu.memory_space<vmem>> -> memref<2000xi32, #tpu.memory_space<vmem>>
        %dma_start3A_112 = tpu.memref_slice %arg3[%multiple_of3A] : memref<320000xi32, #tpu.memory_space<hbm>> -> memref<2000xi32, #tpu.memory_space<hbm>>
        tpu.enqueue_dma source(%dma_start3A_112 : memref<2000xi32, #tpu.memory_space<hbm>>) target(%dma_start3A_111 : memref<2000xi32, #tpu.memory_space<vmem>>) target_semaphore(%run_scoped3A_104 : memref<!tpu.dma_semaphore, #tpu.memory_space<semaphore_mem>>)
        %dma_wait3A_113 = arith.constant 0 : i32
        %dma_wait3A_114 = tpu.memref_slice %arg6[%add3A_98, %dma_wait3A_113] : memref<5x2000xi32, #tpu.memory_space<vmem>> -> memref<1x2000xi32, #tpu.memory_space<vmem>>
        %dma_wait3A_115 = tpu.memref_squeeze %dma_wait3A_114 : memref<1x2000xi32, #tpu.memory_space<vmem>> -> memref<2000xi32, #tpu.memory_space<vmem>>
        %dma_wait3A_116 = tpu.memref_slice %arg3[%multiple_of3A] : memref<320000xi32, #tpu.memory_space<hbm>> -> memref<2000xi32, #tpu.memory_space<hbm>>
        %dma_wait3A_117 = arith.constant 0 : i32
        %dma_wait3A_118 = tpu.memref_slice %arg6[%add3A_98, %dma_wait3A_117] : memref<5x2000xi32, #tpu.memory_space<vmem>> -> memref<1x2000xi32, #tpu.memory_space<vmem>>
        %dma_wait3A_119 = tpu.memref_squeeze %dma_wait3A_118 : memref<1x2000xi32, #tpu.memory_space<vmem>> -> memref<2000xi32, #tpu.memory_space<vmem>>
        %dma_wait3A_120 = tpu.memref_slice %arg3[%multiple_of3A] : memref<320000xi32, #tpu.memory_space<hbm>> -> memref<2000xi32, #tpu.memory_space<hbm>>
        tpu.wait_dma2 semaphore(%run_scoped3A_104 : memref<!tpu.dma_semaphore, #tpu.memory_space<semaphore_mem>>) src(%dma_wait3A_120 : memref<2000xi32, #tpu.memory_space<hbm>>) dst(%dma_wait3A_119 : memref<2000xi32, #tpu.memory_space<vmem>>)
        tpu.yield
      }) : () -> ()
      "tpu.region"() ({
        %run_scoped3A_104 = tpu.sem_alloc : memref<!tpu.dma_semaphore, #tpu.memory_space<semaphore_mem>>
        %dma_start3A_105 = arith.constant 0 : i32
        %dma_start3A_106 = tpu.memref_slice %arg7[%add3A_98, %dma_start3A_105] : memref<5x2000xi32, #tpu.memory_space<vmem>> -> memref<1x2000xi32, #tpu.memory_space<vmem>>
        %dma_start3A_107 = tpu.memref_squeeze %dma_start3A_106 : memref<1x2000xi32, #tpu.memory_space<vmem>> -> memref<2000xi32, #tpu.memory_space<vmem>>
        %dma_start3A_108 = tpu.memref_slice %arg4[%multiple_of3A] : memref<320000xi32, #tpu.memory_space<hbm>> -> memref<2000xi32, #tpu.memory_space<hbm>>
        %dma_start3A_109 = arith.constant 0 : i32
        %dma_start3A_110 = tpu.memref_slice %arg7[%add3A_98, %dma_start3A_109] : memref<5x2000xi32, #tpu.memory_space<vmem>> -> memref<1x2000xi32, #tpu.memory_space<vmem>>
        %dma_start3A_111 = tpu.memref_squeeze %dma_start3A_110 : memref<1x2000xi32, #tpu.memory_space<vmem>> -> memref<2000xi32, #tpu.memory_space<vmem>>
        %dma_start3A_112 = tpu.memref_slice %arg4[%multiple_of3A] : memref<320000xi32, #tpu.memory_space<hbm>> -> memref<2000xi32, #tpu.memory_space<hbm>>
        tpu.enqueue_dma source(%dma_start3A_112 : memref<2000xi32, #tpu.memory_space<hbm>>) target(%dma_start3A_111 : memref<2000xi32, #tpu.memory_space<vmem>>) target_semaphore(%run_scoped3A_104 : memref<!tpu.dma_semaphore, #tpu.memory_space<semaphore_mem>>)
        %dma_wait3A_113 = arith.constant 0 : i32
        %dma_wait3A_114 = tpu.memref_slice %arg7[%add3A_98, %dma_wait3A_113] : memref<5x2000xi32, #tpu.memory_space<vmem>> -> memref<1x2000xi32, #tpu.memory_space<vmem>>
        %dma_wait3A_115 = tpu.memref_squeeze %dma_wait3A_114 : memref<1x2000xi32, #tpu.memory_space<vmem>> -> memref<2000xi32, #tpu.memory_space<vmem>>
        %dma_wait3A_116 = tpu.memref_slice %arg4[%multiple_of3A] : memref<320000xi32, #tpu.memory_space<hbm>> -> memref<2000xi32, #tpu.memory_space<hbm>>
        %dma_wait3A_117 = arith.constant 0 : i32
        %dma_wait3A_118 = tpu.memref_slice %arg7[%add3A_98, %dma_wait3A_117] : memref<5x2000xi32, #tpu.memory_space<vmem>> -> memref<1x2000xi32, #tpu.memory_space<vmem>>
        %dma_wait3A_119 = tpu.memref_squeeze %dma_wait3A_118 : memref<1x2000xi32, #tpu.memory_space<vmem>> -> memref<2000xi32, #tpu.memory_space<vmem>>
        %dma_wait3A_120 = tpu.memref_slice %arg4[%multiple_of3A] : memref<320000xi32, #tpu.memory_space<hbm>> -> memref<2000xi32, #tpu.memory_space<hbm>>
        tpu.wait_dma2 semaphore(%run_scoped3A_104 : memref<!tpu.dma_semaphore, #tpu.memory_space<semaphore_mem>>) src(%dma_wait3A_120 : memref<2000xi32, #tpu.memory_space<hbm>>) dst(%dma_wait3A_119 : memref<2000xi32, #tpu.memory_space<vmem>>)
        tpu.yield
      }) : () -> ()
    }
    %scan3A_16 = arith.constant 5 : i32
    %barrier3A = arith.constant 0 : index
    tpu.barrier barrier_id(%barrier3A)
    %dma_start3A = arith.constant 0 : i32
    %dma_start3A_17 = arith.constant 0 : i32
    %dma_start3A_18 = tpu.memref_slice %arg6[%dma_start3A, %dma_start3A_17] : memref<5x2000xi32, #tpu.memory_space<vmem>> -> memref<1x2000xi32, #tpu.memory_space<vmem>>
    %dma_start3A_19 = tpu.memref_squeeze %dma_start3A_18 : memref<1x2000xi32, #tpu.memory_space<vmem>> -> memref<2000xi32, #tpu.memory_space<vmem>>
    %dma_start3A_20 = arith.constant 0 : i32
    %dma_start3A_21 = arith.constant 0 : i32
    %dma_start3A_22 = tpu.memref_slice %arg2[%dma_start3A_20, %dma_start3A_21] : memref<10240x16xf32, #tpu.memory_space<hbm>> -> memref<10240x16xf32, #tpu.memory_space<hbm>>
    tpu.enqueue_indirect_dma source(%dma_start3A_22 : memref<10240x16xf32, #tpu.memory_space<hbm>>) target(%arg8 : memref<2000x16xf32, #tpu.memory_space<vmem>>) offsets(%dma_start3A_19 : memref<2000xi32, #tpu.memory_space<vmem>>) semaphore(%arg10 : memref<!tpu.dma_semaphore, #tpu.memory_space<semaphore_mem>>)
    %dma_start3A_23 = arith.constant 1 : i32
    %dma_start3A_24 = arith.constant 0 : i32
    %dma_start3A_25 = tpu.memref_slice %arg6[%dma_start3A_23, %dma_start3A_24] : memref<5x2000xi32, #tpu.memory_space<vmem>> -> memref<1x2000xi32, #tpu.memory_space<vmem>>
    %dma_start3A_26 = tpu.memref_squeeze %dma_start3A_25 : memref<1x2000xi32, #tpu.memory_space<vmem>> -> memref<2000xi32, #tpu.memory_space<vmem>>
    %dma_start3A_27 = arith.constant 0 : i32
    %dma_start3A_28 = arith.constant 0 : i32
    %dma_start3A_29 = tpu.memref_slice %arg2[%dma_start3A_27, %dma_start3A_28] : memref<10240x16xf32, #tpu.memory_space<hbm>> -> memref<10240x16xf32, #tpu.memory_space<hbm>>
    tpu.enqueue_indirect_dma source(%dma_start3A_29 : memref<10240x16xf32, #tpu.memory_space<hbm>>) target(%arg9 : memref<2000x16xf32, #tpu.memory_space<vmem>>) offsets(%dma_start3A_26 : memref<2000xi32, #tpu.memory_space<vmem>>) semaphore(%arg11 : memref<!tpu.dma_semaphore, #tpu.memory_space<semaphore_mem>>)
    %dma_wait3A = arith.constant 0 : i32
    %dma_wait3A_30 = arith.constant 0 : i32
    %dma_wait3A_31 = tpu.memref_slice %arg6[%dma_wait3A, %dma_wait3A_30] : memref<5x2000xi32, #tpu.memory_space<vmem>> -> memref<1x2000xi32, #tpu.memory_space<vmem>>
    %dma_wait3A_32 = tpu.memref_squeeze %dma_wait3A_31 : memref<1x2000xi32, #tpu.memory_space<vmem>> -> memref<2000xi32, #tpu.memory_space<vmem>>
    %dma_wait3A_33 = arith.constant 0 : i32
    %dma_wait3A_34 = arith.constant 0 : i32
    %dma_wait3A_35 = tpu.memref_slice %arg2[%dma_wait3A_33, %dma_wait3A_34] : memref<10240x16xf32, #tpu.memory_space<hbm>> -> memref<10240x16xf32, #tpu.memory_space<hbm>>
    tpu.wait_indirect_dma semaphore(%arg10 : memref<!tpu.dma_semaphore, #tpu.memory_space<semaphore_mem>>) src(%dma_wait3A_35 : memref<10240x16xf32, #tpu.memory_space<hbm>>) dst(%arg8 : memref<2000x16xf32, #tpu.memory_space<vmem>>)
    %run_scoped3A = arith.constant 0 : i32
    "tpu.region"() ({
      %run_scoped3A_94 = tpu.sem_alloc : memref<!tpu.dma_semaphore, #tpu.memory_space<semaphore_mem>>
      %dma_start3A_95 = arith.constant 0 : i32
      %dma_start3A_96 = tpu.memref_slice %arg7[%run_scoped3A, %dma_start3A_95] : memref<5x2000xi32, #tpu.memory_space<vmem>> -> memref<1x2000xi32, #tpu.memory_space<vmem>>
      %dma_start3A_97 = tpu.memref_squeeze %dma_start3A_96 : memref<1x2000xi32, #tpu.memory_space<vmem>> -> memref<2000xi32, #tpu.memory_space<vmem>>
      %dma_start3A_98 = arith.constant 0 : i32
      %dma_start3A_99 = arith.constant 0 : i32
      %dma_start3A_100 = tpu.memref_slice %arg12[%dma_start3A_98, %dma_start3A_99] : memref<10240x16xf32, #tpu.memory_space<vmem_shared>> -> memref<10240x16xf32, #tpu.memory_space<vmem_shared>>
      tpu.enqueue_indirect_dma source(%arg8 : memref<2000x16xf32, #tpu.memory_space<vmem>>) target(%dma_start3A_100 : memref<10240x16xf32, #tpu.memory_space<vmem_shared>>) offsets(%dma_start3A_97 : memref<2000xi32, #tpu.memory_space<vmem>>) semaphore(%run_scoped3A_94 : memref<!tpu.dma_semaphore, #tpu.memory_space<semaphore_mem>>) {add = true}
      %dma_wait3A_101 = arith.constant 0 : i32
      %dma_wait3A_102 = tpu.memref_slice %arg7[%run_scoped3A, %dma_wait3A_101] : memref<5x2000xi32, #tpu.memory_space<vmem>> -> memref<1x2000xi32, #tpu.memory_space<vmem>>
      %dma_wait3A_103 = tpu.memref_squeeze %dma_wait3A_102 : memref<1x2000xi32, #tpu.memory_space<vmem>> -> memref<2000xi32, #tpu.memory_space<vmem>>
      %dma_wait3A_104 = arith.constant 0 : i32
      %dma_wait3A_105 = arith.constant 0 : i32
      %dma_wait3A_106 = tpu.memref_slice %arg12[%dma_wait3A_104, %dma_wait3A_105] : memref<10240x16xf32, #tpu.memory_space<vmem_shared>> -> memref<10240x16xf32, #tpu.memory_space<vmem_shared>>
      tpu.wait_indirect_dma semaphore(%run_scoped3A_94 : memref<!tpu.dma_semaphore, #tpu.memory_space<semaphore_mem>>) src(%arg8 : memref<2000x16xf32, #tpu.memory_space<vmem>>) dst(%dma_wait3A_106 : memref<10240x16xf32, #tpu.memory_space<vmem_shared>>)
      tpu.yield
    }) : () -> ()
    %dma_start3A_36 = arith.constant 2 : i32
    %dma_start3A_37 = arith.constant 0 : i32
    %dma_start3A_38 = tpu.memref_slice %arg6[%dma_start3A_36, %dma_start3A_37] : memref<5x2000xi32, #tpu.memory_space<vmem>> -> memref<1x2000xi32, #tpu.memory_space<vmem>>
    %dma_start3A_39 = tpu.memref_squeeze %dma_start3A_38 : memref<1x2000xi32, #tpu.memory_space<vmem>> -> memref<2000xi32, #tpu.memory_space<vmem>>
    %dma_start3A_40 = arith.constant 0 : i32
    %dma_start3A_41 = arith.constant 0 : i32
    %dma_start3A_42 = tpu.memref_slice %arg2[%dma_start3A_40, %dma_start3A_41] : memref<10240x16xf32, #tpu.memory_space<hbm>> -> memref<10240x16xf32, #tpu.memory_space<hbm>>
    tpu.enqueue_indirect_dma source(%dma_start3A_42 : memref<10240x16xf32, #tpu.memory_space<hbm>>) target(%arg8 : memref<2000x16xf32, #tpu.memory_space<vmem>>) offsets(%dma_start3A_39 : memref<2000xi32, #tpu.memory_space<vmem>>) semaphore(%arg10 : memref<!tpu.dma_semaphore, #tpu.memory_space<semaphore_mem>>)
    %dma_wait3A_43 = arith.constant 1 : i32
    %dma_wait3A_44 = arith.constant 0 : i32
    %dma_wait3A_45 = tpu.memref_slice %arg6[%dma_wait3A_43, %dma_wait3A_44] : memref<5x2000xi32, #tpu.memory_space<vmem>> -> memref<1x2000xi32, #tpu.memory_space<vmem>>
    %dma_wait3A_46 = tpu.memref_squeeze %dma_wait3A_45 : memref<1x2000xi32, #tpu.memory_space<vmem>> -> memref<2000xi32, #tpu.memory_space<vmem>>
    %dma_wait3A_47 = arith.constant 0 : i32
    %dma_wait3A_48 = arith.constant 0 : i32
    %dma_wait3A_49 = tpu.memref_slice %arg2[%dma_wait3A_47, %dma_wait3A_48] : memref<10240x16xf32, #tpu.memory_space<hbm>> -> memref<10240x16xf32, #tpu.memory_space<hbm>>
    tpu.wait_indirect_dma semaphore(%arg11 : memref<!tpu.dma_semaphore, #tpu.memory_space<semaphore_mem>>) src(%dma_wait3A_49 : memref<10240x16xf32, #tpu.memory_space<hbm>>) dst(%arg9 : memref<2000x16xf32, #tpu.memory_space<vmem>>)
    %run_scoped3A_50 = arith.constant 1 : i32
    "tpu.region"() ({
      %run_scoped3A_94 = tpu.sem_alloc : memref<!tpu.dma_semaphore, #tpu.memory_space<semaphore_mem>>
      %dma_start3A_95 = arith.constant 0 : i32
      %dma_start3A_96 = tpu.memref_slice %arg7[%run_scoped3A_50, %dma_start3A_95] : memref<5x2000xi32, #tpu.memory_space<vmem>> -> memref<1x2000xi32, #tpu.memory_space<vmem>>
      %dma_start3A_97 = tpu.memref_squeeze %dma_start3A_96 : memref<1x2000xi32, #tpu.memory_space<vmem>> -> memref<2000xi32, #tpu.memory_space<vmem>>
      %dma_start3A_98 = arith.constant 0 : i32
      %dma_start3A_99 = arith.constant 0 : i32
      %dma_start3A_100 = tpu.memref_slice %arg12[%dma_start3A_98, %dma_start3A_99] : memref<10240x16xf32, #tpu.memory_space<vmem_shared>> -> memref<10240x16xf32, #tpu.memory_space<vmem_shared>>
      tpu.enqueue_indirect_dma source(%arg9 : memref<2000x16xf32, #tpu.memory_space<vmem>>) target(%dma_start3A_100 : memref<10240x16xf32, #tpu.memory_space<vmem_shared>>) offsets(%dma_start3A_97 : memref<2000xi32, #tpu.memory_space<vmem>>) semaphore(%run_scoped3A_94 : memref<!tpu.dma_semaphore, #tpu.memory_space<semaphore_mem>>) {add = true}
      %dma_wait3A_101 = arith.constant 0 : i32
      %dma_wait3A_102 = tpu.memref_slice %arg7[%run_scoped3A_50, %dma_wait3A_101] : memref<5x2000xi32, #tpu.memory_space<vmem>> -> memref<1x2000xi32, #tpu.memory_space<vmem>>
      %dma_wait3A_103 = tpu.memref_squeeze %dma_wait3A_102 : memref<1x2000xi32, #tpu.memory_space<vmem>> -> memref<2000xi32, #tpu.memory_space<vmem>>
      %dma_wait3A_104 = arith.constant 0 : i32
      %dma_wait3A_105 = arith.constant 0 : i32
      %dma_wait3A_106 = tpu.memref_slice %arg12[%dma_wait3A_104, %dma_wait3A_105] : memref<10240x16xf32, #tpu.memory_space<vmem_shared>> -> memref<10240x16xf32, #tpu.memory_space<vmem_shared>>
      tpu.wait_indirect_dma semaphore(%run_scoped3A_94 : memref<!tpu.dma_semaphore, #tpu.memory_space<semaphore_mem>>) src(%arg9 : memref<2000x16xf32, #tpu.memory_space<vmem>>) dst(%dma_wait3A_106 : memref<10240x16xf32, #tpu.memory_space<vmem_shared>>)
      tpu.yield
    }) : () -> ()
    %dma_start3A_51 = arith.constant 3 : i32
    %dma_start3A_52 = arith.constant 0 : i32
    %dma_start3A_53 = tpu.memref_slice %arg6[%dma_start3A_51, %dma_start3A_52] : memref<5x2000xi32, #tpu.memory_space<vmem>> -> memref<1x2000xi32, #tpu.memory_space<vmem>>
    %dma_start3A_54 = tpu.memref_squeeze %dma_start3A_53 : memref<1x2000xi32, #tpu.memory_space<vmem>> -> memref<2000xi32, #tpu.memory_space<vmem>>
    %dma_start3A_55 = arith.constant 0 : i32
    %dma_start3A_56 = arith.constant 0 : i32
    %dma_start3A_57 = tpu.memref_slice %arg2[%dma_start3A_55, %dma_start3A_56] : memref<10240x16xf32, #tpu.memory_space<hbm>> -> memref<10240x16xf32, #tpu.memory_space<hbm>>
    tpu.enqueue_indirect_dma source(%dma_start3A_57 : memref<10240x16xf32, #tpu.memory_space<hbm>>) target(%arg9 : memref<2000x16xf32, #tpu.memory_space<vmem>>) offsets(%dma_start3A_54 : memref<2000xi32, #tpu.memory_space<vmem>>) semaphore(%arg11 : memref<!tpu.dma_semaphore, #tpu.memory_space<semaphore_mem>>)
    %dma_wait3A_58 = arith.constant 2 : i32
    %dma_wait3A_59 = arith.constant 0 : i32
    %dma_wait3A_60 = tpu.memref_slice %arg6[%dma_wait3A_58, %dma_wait3A_59] : memref<5x2000xi32, #tpu.memory_space<vmem>> -> memref<1x2000xi32, #tpu.memory_space<vmem>>
    %dma_wait3A_61 = tpu.memref_squeeze %dma_wait3A_60 : memref<1x2000xi32, #tpu.memory_space<vmem>> -> memref<2000xi32, #tpu.memory_space<vmem>>
    %dma_wait3A_62 = arith.constant 0 : i32
    %dma_wait3A_63 = arith.constant 0 : i32
    %dma_wait3A_64 = tpu.memref_slice %arg2[%dma_wait3A_62, %dma_wait3A_63] : memref<10240x16xf32, #tpu.memory_space<hbm>> -> memref<10240x16xf32, #tpu.memory_space<hbm>>
    tpu.wait_indirect_dma semaphore(%arg10 : memref<!tpu.dma_semaphore, #tpu.memory_space<semaphore_mem>>) src(%dma_wait3A_64 : memref<10240x16xf32, #tpu.memory_space<hbm>>) dst(%arg8 : memref<2000x16xf32, #tpu.memory_space<vmem>>)
    %run_scoped3A_65 = arith.constant 2 : i32
    "tpu.region"() ({
      %run_scoped3A_94 = tpu.sem_alloc : memref<!tpu.dma_semaphore, #tpu.memory_space<semaphore_mem>>
      %dma_start3A_95 = arith.constant 0 : i32
      %dma_start3A_96 = tpu.memref_slice %arg7[%run_scoped3A_65, %dma_start3A_95] : memref<5x2000xi32, #tpu.memory_space<vmem>> -> memref<1x2000xi32, #tpu.memory_space<vmem>>
      %dma_start3A_97 = tpu.memref_squeeze %dma_start3A_96 : memref<1x2000xi32, #tpu.memory_space<vmem>> -> memref<2000xi32, #tpu.memory_space<vmem>>
      %dma_start3A_98 = arith.constant 0 : i32
      %dma_start3A_99 = arith.constant 0 : i32
      %dma_start3A_100 = tpu.memref_slice %arg12[%dma_start3A_98, %dma_start3A_99] : memref<10240x16xf32, #tpu.memory_space<vmem_shared>> -> memref<10240x16xf32, #tpu.memory_space<vmem_shared>>
      tpu.enqueue_indirect_dma source(%arg8 : memref<2000x16xf32, #tpu.memory_space<vmem>>) target(%dma_start3A_100 : memref<10240x16xf32, #tpu.memory_space<vmem_shared>>) offsets(%dma_start3A_97 : memref<2000xi32, #tpu.memory_space<vmem>>) semaphore(%run_scoped3A_94 : memref<!tpu.dma_semaphore, #tpu.memory_space<semaphore_mem>>) {add = true}
      %dma_wait3A_101 = arith.constant 0 : i32
      %dma_wait3A_102 = tpu.memref_slice %arg7[%run_scoped3A_65, %dma_wait3A_101] : memref<5x2000xi32, #tpu.memory_space<vmem>> -> memref<1x2000xi32, #tpu.memory_space<vmem>>
      %dma_wait3A_103 = tpu.memref_squeeze %dma_wait3A_102 : memref<1x2000xi32, #tpu.memory_space<vmem>> -> memref<2000xi32, #tpu.memory_space<vmem>>
      %dma_wait3A_104 = arith.constant 0 : i32
      %dma_wait3A_105 = arith.constant 0 : i32
      %dma_wait3A_106 = tpu.memref_slice %arg12[%dma_wait3A_104, %dma_wait3A_105] : memref<10240x16xf32, #tpu.memory_space<vmem_shared>> -> memref<10240x16xf32, #tpu.memory_space<vmem_shared>>
      tpu.wait_indirect_dma semaphore(%run_scoped3A_94 : memref<!tpu.dma_semaphore, #tpu.memory_space<semaphore_mem>>) src(%arg8 : memref<2000x16xf32, #tpu.memory_space<vmem>>) dst(%dma_wait3A_106 : memref<10240x16xf32, #tpu.memory_space<vmem_shared>>)
      tpu.yield
    }) : () -> ()
    %dma_start3A_66 = arith.constant 4 : i32
    %dma_start3A_67 = arith.constant 0 : i32
    %dma_start3A_68 = tpu.memref_slice %arg6[%dma_start3A_66, %dma_start3A_67] : memref<5x2000xi32, #tpu.memory_space<vmem>> -> memref<1x2000xi32, #tpu.memory_space<vmem>>
    %dma_start3A_69 = tpu.memref_squeeze %dma_start3A_68 : memref<1x2000xi32, #tpu.memory_space<vmem>> -> memref<2000xi32, #tpu.memory_space<vmem>>
    %dma_start3A_70 = arith.constant 0 : i32
    %dma_start3A_71 = arith.constant 0 : i32
    %dma_start3A_72 = tpu.memref_slice %arg2[%dma_start3A_70, %dma_start3A_71] : memref<10240x16xf32, #tpu.memory_space<hbm>> -> memref<10240x16xf32, #tpu.memory_space<hbm>>
    tpu.enqueue_indirect_dma source(%dma_start3A_72 : memref<10240x16xf32, #tpu.memory_space<hbm>>) target(%arg8 : memref<2000x16xf32, #tpu.memory_space<vmem>>) offsets(%dma_start3A_69 : memref<2000xi32, #tpu.memory_space<vmem>>) semaphore(%arg10 : memref<!tpu.dma_semaphore, #tpu.memory_space<semaphore_mem>>)
    %dma_wait3A_73 = arith.constant 3 : i32
    %dma_wait3A_74 = arith.constant 0 : i32
    %dma_wait3A_75 = tpu.memref_slice %arg6[%dma_wait3A_73, %dma_wait3A_74] : memref<5x2000xi32, #tpu.memory_space<vmem>> -> memref<1x2000xi32, #tpu.memory_space<vmem>>
    %dma_wait3A_76 = tpu.memref_squeeze %dma_wait3A_75 : memref<1x2000xi32, #tpu.memory_space<vmem>> -> memref<2000xi32, #tpu.memory_space<vmem>>
    %dma_wait3A_77 = arith.constant 0 : i32
    %dma_wait3A_78 = arith.constant 0 : i32
    %dma_wait3A_79 = tpu.memref_slice %arg2[%dma_wait3A_77, %dma_wait3A_78] : memref<10240x16xf32, #tpu.memory_space<hbm>> -> memref<10240x16xf32, #tpu.memory_space<hbm>>
    tpu.wait_indirect_dma semaphore(%arg11 : memref<!tpu.dma_semaphore, #tpu.memory_space<semaphore_mem>>) src(%dma_wait3A_79 : memref<10240x16xf32, #tpu.memory_space<hbm>>) dst(%arg9 : memref<2000x16xf32, #tpu.memory_space<vmem>>)
    %run_scoped3A_80 = arith.constant 3 : i32
    "tpu.region"() ({
      %run_scoped3A_94 = tpu.sem_alloc : memref<!tpu.dma_semaphore, #tpu.memory_space<semaphore_mem>>
      %dma_start3A_95 = arith.constant 0 : i32
      %dma_start3A_96 = tpu.memref_slice %arg7[%run_scoped3A_80, %dma_start3A_95] : memref<5x2000xi32, #tpu.memory_space<vmem>> -> memref<1x2000xi32, #tpu.memory_space<vmem>>
      %dma_start3A_97 = tpu.memref_squeeze %dma_start3A_96 : memref<1x2000xi32, #tpu.memory_space<vmem>> -> memref<2000xi32, #tpu.memory_space<vmem>>
      %dma_start3A_98 = arith.constant 0 : i32
      %dma_start3A_99 = arith.constant 0 : i32
      %dma_start3A_100 = tpu.memref_slice %arg12[%dma_start3A_98, %dma_start3A_99] : memref<10240x16xf32, #tpu.memory_space<vmem_shared>> -> memref<10240x16xf32, #tpu.memory_space<vmem_shared>>
      tpu.enqueue_indirect_dma source(%arg9 : memref<2000x16xf32, #tpu.memory_space<vmem>>) target(%dma_start3A_100 : memref<10240x16xf32, #tpu.memory_space<vmem_shared>>) offsets(%dma_start3A_97 : memref<2000xi32, #tpu.memory_space<vmem>>) semaphore(%run_scoped3A_94 : memref<!tpu.dma_semaphore, #tpu.memory_space<semaphore_mem>>) {add = true}
      %dma_wait3A_101 = arith.constant 0 : i32
      %dma_wait3A_102 = tpu.memref_slice %arg7[%run_scoped3A_80, %dma_wait3A_101] : memref<5x2000xi32, #tpu.memory_space<vmem>> -> memref<1x2000xi32, #tpu.memory_space<vmem>>
      %dma_wait3A_103 = tpu.memref_squeeze %dma_wait3A_102 : memref<1x2000xi32, #tpu.memory_space<vmem>> -> memref<2000xi32, #tpu.memory_space<vmem>>
      %dma_wait3A_104 = arith.constant 0 : i32
      %dma_wait3A_105 = arith.constant 0 : i32
      %dma_wait3A_106 = tpu.memref_slice %arg12[%dma_wait3A_104, %dma_wait3A_105] : memref<10240x16xf32, #tpu.memory_space<vmem_shared>> -> memref<10240x16xf32, #tpu.memory_space<vmem_shared>>
      tpu.wait_indirect_dma semaphore(%run_scoped3A_94 : memref<!tpu.dma_semaphore, #tpu.memory_space<semaphore_mem>>) src(%arg9 : memref<2000x16xf32, #tpu.memory_space<vmem>>) dst(%dma_wait3A_106 : memref<10240x16xf32, #tpu.memory_space<vmem_shared>>)
      tpu.yield
    }) : () -> ()
    %dma_wait3A_81 = arith.constant 4 : i32
    %dma_wait3A_82 = arith.constant 0 : i32
    %dma_wait3A_83 = tpu.memref_slice %arg6[%dma_wait3A_81, %dma_wait3A_82] : memref<5x2000xi32, #tpu.memory_space<vmem>> -> memref<1x2000xi32, #tpu.memory_space<vmem>>
    %dma_wait3A_84 = tpu.memref_squeeze %dma_wait3A_83 : memref<1x2000xi32, #tpu.memory_space<vmem>> -> memref<2000xi32, #tpu.memory_space<vmem>>
    %dma_wait3A_85 = arith.constant 0 : i32
    %dma_wait3A_86 = arith.constant 0 : i32
    %dma_wait3A_87 = tpu.memref_slice %arg2[%dma_wait3A_85, %dma_wait3A_86] : memref<10240x16xf32, #tpu.memory_space<hbm>> -> memref<10240x16xf32, #tpu.memory_space<hbm>>
    tpu.wait_indirect_dma semaphore(%arg10 : memref<!tpu.dma_semaphore, #tpu.memory_space<semaphore_mem>>) src(%dma_wait3A_87 : memref<10240x16xf32, #tpu.memory_space<hbm>>) dst(%arg8 : memref<2000x16xf32, #tpu.memory_space<vmem>>)
    %run_scoped3A_88 = arith.constant 4 : i32
    "tpu.region"() ({
      %run_scoped3A_94 = tpu.sem_alloc : memref<!tpu.dma_semaphore, #tpu.memory_space<semaphore_mem>>
      %dma_start3A_95 = arith.constant 0 : i32
      %dma_start3A_96 = tpu.memref_slice %arg7[%run_scoped3A_88, %dma_start3A_95] : memref<5x2000xi32, #tpu.memory_space<vmem>> -> memref<1x2000xi32, #tpu.memory_space<vmem>>
      %dma_start3A_97 = tpu.memref_squeeze %dma_start3A_96 : memref<1x2000xi32, #tpu.memory_space<vmem>> -> memref<2000xi32, #tpu.memory_space<vmem>>
      %dma_start3A_98 = arith.constant 0 : i32
      %dma_start3A_99 = arith.constant 0 : i32
      %dma_start3A_100 = tpu.memref_slice %arg12[%dma_start3A_98, %dma_start3A_99] : memref<10240x16xf32, #tpu.memory_space<vmem_shared>> -> memref<10240x16xf32, #tpu.memory_space<vmem_shared>>
      tpu.enqueue_indirect_dma source(%arg8 : memref<2000x16xf32, #tpu.memory_space<vmem>>) target(%dma_start3A_100 : memref<10240x16xf32, #tpu.memory_space<vmem_shared>>) offsets(%dma_start3A_97 : memref<2000xi32, #tpu.memory_space<vmem>>) semaphore(%run_scoped3A_94 : memref<!tpu.dma_semaphore, #tpu.memory_space<semaphore_mem>>) {add = true}
      %dma_wait3A_101 = arith.constant 0 : i32
      %dma_wait3A_102 = tpu.memref_slice %arg7[%run_scoped3A_88, %dma_wait3A_101] : memref<5x2000xi32, #tpu.memory_space<vmem>> -> memref<1x2000xi32, #tpu.memory_space<vmem>>
      %dma_wait3A_103 = tpu.memref_squeeze %dma_wait3A_102 : memref<1x2000xi32, #tpu.memory_space<vmem>> -> memref<2000xi32, #tpu.memory_space<vmem>>
      %dma_wait3A_104 = arith.constant 0 : i32
      %dma_wait3A_105 = arith.constant 0 : i32
      %dma_wait3A_106 = tpu.memref_slice %arg12[%dma_wait3A_104, %dma_wait3A_105] : memref<10240x16xf32, #tpu.memory_space<vmem_shared>> -> memref<10240x16xf32, #tpu.memory_space<vmem_shared>>
      tpu.wait_indirect_dma semaphore(%run_scoped3A_94 : memref<!tpu.dma_semaphore, #tpu.memory_space<semaphore_mem>>) src(%arg8 : memref<2000x16xf32, #tpu.memory_space<vmem>>) dst(%dma_wait3A_106 : memref<10240x16xf32, #tpu.memory_space<vmem_shared>>)
      tpu.yield
    }) : () -> ()
    %barrier3A_89 = arith.constant 0 : index
    tpu.barrier barrier_id(%barrier3A_89)
    %mul3A_90 = arith.constant 640 : i32
    %mul3A_91 = arith.muli %arg1, %mul3A_90 : i32
    %mul3A_92 = arith.constant 640 : i32
    %mul3A_93 = arith.muli %arg1, %mul3A_92 : i32
    "tpu.region"() ({
      %run_scoped3A_94 = tpu.sem_alloc : memref<!tpu.dma_semaphore, #tpu.memory_space<semaphore_mem>>
      %dma_start3A_95 = arith.constant 0 : i32
      %dma_start3A_96 = arith.constant 0 : i32
      %dma_start3A_97 = tpu.memref_slice %arg5[%arg0, %dma_start3A_95, %dma_start3A_96] : memref<2x10240x16xf32, #tpu.memory_space<hbm>> -> memref<1x10240x16xf32, #tpu.memory_space<hbm>>
      %dma_start3A_98 = tpu.memref_squeeze %dma_start3A_97 : memref<1x10240x16xf32, #tpu.memory_space<hbm>> -> memref<10240x16xf32, #tpu.memory_space<hbm>>
      %dma_start3A_99 = arith.constant 0 : i32
      %dma_start3A_100 = tpu.memref_slice %dma_start3A_98[%mul3A_93, %dma_start3A_99] : memref<10240x16xf32, #tpu.memory_space<hbm>> -> memref<640x16xf32, #tpu.memory_space<hbm>>
      %dma_start3A_101 = arith.constant 0 : i32
      %dma_start3A_102 = tpu.memref_slice %arg12[%mul3A_91, %dma_start3A_101] : memref<10240x16xf32, #tpu.memory_space<vmem_shared>> -> memref<640x16xf32, #tpu.memory_space<vmem_shared>>
      tpu.enqueue_dma source(%dma_start3A_102 : memref<640x16xf32, #tpu.memory_space<vmem_shared>>) target(%dma_start3A_100 : memref<640x16xf32, #tpu.memory_space<hbm>>) target_semaphore(%run_scoped3A_94 : memref<!tpu.dma_semaphore, #tpu.memory_space<semaphore_mem>>)
      %dma_wait3A_103 = arith.constant 0 : i32
      %dma_wait3A_104 = arith.constant 0 : i32
      %dma_wait3A_105 = tpu.memref_slice %arg5[%arg0, %dma_wait3A_103, %dma_wait3A_104] : memref<2x10240x16xf32, #tpu.memory_space<hbm>> -> memref<1x10240x16xf32, #tpu.memory_space<hbm>>
      %dma_wait3A_106 = tpu.memref_squeeze %dma_wait3A_105 : memref<1x10240x16xf32, #tpu.memory_space<hbm>> -> memref<10240x16xf32, #tpu.memory_space<hbm>>
      %dma_wait3A_107 = arith.constant 0 : i32
      %dma_wait3A_108 = tpu.memref_slice %dma_wait3A_106[%mul3A_93, %dma_wait3A_107] : memref<10240x16xf32, #tpu.memory_space<hbm>> -> memref<640x16xf32, #tpu.memory_space<hbm>>
      %dma_wait3A_109 = arith.constant 0 : i32
      %dma_wait3A_110 = tpu.memref_slice %arg12[%mul3A_91, %dma_wait3A_109] : memref<10240x16xf32, #tpu.memory_space<vmem_shared>> -> memref<640x16xf32, #tpu.memory_space<vmem_shared>>
      tpu.wait_dma2 semaphore(%run_scoped3A_94 : memref<!tpu.dma_semaphore, #tpu.memory_space<semaphore_mem>>) src(%dma_wait3A_110 : memref<640x16xf32, #tpu.memory_space<vmem_shared>>) dst(%dma_wait3A_108 : memref<640x16xf32, #tpu.memory_space<hbm>>)
      tpu.yield
    }) : () -> ()
    return
  }
}

#map = affine_map<(d0, d1) -> (0, 0)>
#map1 = affine_map<(d0, d1) -> (0)>
#map2 = affine_map<(d0, d1) -> (0, 0, 0)>
module attributes {stable_mosaic.version = 14 : i64} {
  func.func @_sc_aggregate_body(%arg0: i32, %arg1: i32, %arg2: memref<10240x16xf32, #tpu.memory_space<hbm>>, %arg3: memref<320000xi32, #tpu.memory_space<hbm>>, %arg4: memref<320000xi32, #tpu.memory_space<hbm>>, %arg5: memref<2x10240x16xf32, #tpu.memory_space<hbm>>, %arg6: memref<5x2000xi32, #tpu.memory_space<vmem>>, %arg7: memref<5x2000xi32, #tpu.memory_space<vmem>>, %arg8: memref<2000x16xf32, #tpu.memory_space<vmem>>, %arg9: memref<2000x16xf32, #tpu.memory_space<vmem>>, %arg10: memref<!tpu.dma_semaphore, #tpu.memory_space<semaphore_mem>>, %arg11: memref<!tpu.dma_semaphore, #tpu.memory_space<semaphore_mem>>, %arg12: memref<10240x16xf32, #tpu.memory_space<vmem_shared>>) attributes {dimension_semantics = [#tpu.dimension_semantics<core_parallel>, #tpu.dimension_semantics<subcore_parallel>], iteration_bounds = array<i64: 2, 16>, scalar_prefetch = 0 : i64, scratch_operands = 7 : i64, tpu.core_type = #tpu.core_type<sc_vector_subcore>, window_params = [{transform_indices = #map}, {transform_indices = #map1}, {transform_indices = #map1}, {transform_indices = #map2}]} {
    %mul3A = arith.constant 16 : i32
    %mul3A_0 = arith.muli %arg0, %mul3A : i32
    %add3A = arith.addi %mul3A_0, %arg1 : i32
    %mul3A_1 = arith.constant 640 : i32
    %mul3A_2 = arith.muli %arg1, %mul3A_1 : i32
    %scan3A = arith.constant 0 : i32
    %scan3A_3 = arith.constant 128 : i32
    %scan3A_4 = arith.addi %scan3A, %scan3A_3 : i32
    %scan3A_5 = arith.constant 1 : i32
    scf.for %scan3A_94 = %scan3A to %scan3A_4 step %scan3A_5  : i32 {
      %mul3A_95 = arith.constant 1 : i32
      %mul3A_96 = arith.muli %scan3A_94, %mul3A_95 : i32
      %add3A_97 = arith.constant 0 : i32
      %add3A_98 = arith.addi %add3A_97, %mul3A_96 : i32
      %broadcast_in_dim3A = arith.constant 0.000000e+00 : f32
      %broadcast_in_dim3A_99 = vector.broadcast %broadcast_in_dim3A : f32 to vector<1x16xf32>
      %swap3A = arith.index_cast %add3A_98 : i32 to index
      %swap3A_100 = arith.constant 0 : index
      %swap3A_101 = tpu.vector_load %arg8[%swap3A, %swap3A_100] {strides = array<i32>} : memref<2000x16xf32, #tpu.memory_space<vmem>>, vector<1x16xf32>,
      %swap3A_102 = vector.shape_cast %swap3A_101 : vector<1x16xf32> to vector<1x16xf32>
      %swap3A_103 = vector.shape_cast %broadcast_in_dim3A_99 : vector<1x16xf32> to vector<1x16xf32>
      tpu.vector_store %arg8[%swap3A, %swap3A_100], %swap3A_103 {strides = array<i32>} : memref<2000x16xf32, #tpu.memory_space<vmem>>, vector<1x16xf32>,
    }
    %scan3A_6 = arith.constant 128 : i32
    %scan3A_7 = arith.constant 0 : i32
    %scan3A_8 = arith.constant 5 : i32
    %scan3A_9 = arith.addi %scan3A_7, %scan3A_8 : i32
    %scan3A_10 = arith.constant 1 : i32
    scf.for %scan3A_94 = %scan3A_7 to %scan3A_9 step %scan3A_10  : i32 {
      %mul3A_95 = arith.constant 1 : i32
      %mul3A_96 = arith.muli %scan3A_94, %mul3A_95 : i32
      %add3A_97 = arith.constant 0 : i32
      %add3A_98 = arith.addi %add3A_97, %mul3A_96 : i32
      %mul3A_99 = arith.constant 128 : i32
      %mul3A_100 = arith.muli %add3A_98, %mul3A_99 : i32
      %add3A_101 = arith.addi %mul3A_2, %mul3A_100 : i32
      "tpu.region"() ({
        %run_scoped3A_102 = tpu.sem_alloc : memref<!tpu.dma_semaphore, #tpu.memory_space<semaphore_mem>>
        %dma_start3A_103 = arith.constant 0 : i32
        %dma_start3A_104 = arith.constant 0 : i32
        %dma_start3A_105 = tpu.memref_slice %arg8[%dma_start3A_103, %dma_start3A_104] : memref<2000x16xf32, #tpu.memory_space<vmem>> -> memref<128x16xf32, #tpu.memory_space<vmem>>
        %dma_start3A_106 = arith.constant 0 : i32
        %dma_start3A_107 = tpu.memref_slice %arg12[%add3A_101, %dma_start3A_106] : memref<10240x16xf32, #tpu.memory_space<vmem_shared>> -> memref<128x16xf32, #tpu.memory_space<vmem_shared>>
        %dma_start3A_108 = arith.constant 0 : i32
        %dma_start3A_109 = tpu.memref_slice %arg12[%add3A_101, %dma_start3A_108] : memref<10240x16xf32, #tpu.memory_space<vmem_shared>> -> memref<128x16xf32, #tpu.memory_space<vmem_shared>>
        %dma_start3A_110 = arith.constant 0 : i32
        %dma_start3A_111 = arith.constant 0 : i32
        %dma_start3A_112 = tpu.memref_slice %arg8[%dma_start3A_110, %dma_start3A_111] : memref<2000x16xf32, #tpu.memory_space<vmem>> -> memref<128x16xf32, #tpu.memory_space<vmem>>
        tpu.enqueue_dma source(%dma_start3A_112 : memref<128x16xf32, #tpu.memory_space<vmem>>) target(%dma_start3A_109 : memref<128x16xf32, #tpu.memory_space<vmem_shared>>) target_semaphore(%run_scoped3A_102 : memref<!tpu.dma_semaphore, #tpu.memory_space<semaphore_mem>>)
        %dma_wait3A_113 = arith.constant 0 : i32
        %dma_wait3A_114 = arith.constant 0 : i32
        %dma_wait3A_115 = tpu.memref_slice %arg8[%dma_wait3A_113, %dma_wait3A_114] : memref<2000x16xf32, #tpu.memory_space<vmem>> -> memref<128x16xf32, #tpu.memory_space<vmem>>
        %dma_wait3A_116 = arith.constant 0 : i32
        %dma_wait3A_117 = tpu.memref_slice %arg12[%add3A_101, %dma_wait3A_116] : memref<10240x16xf32, #tpu.memory_space<vmem_shared>> -> memref<128x16xf32, #tpu.memory_space<vmem_shared>>
        %dma_wait3A_118 = arith.constant 0 : i32
        %dma_wait3A_119 = tpu.memref_slice %arg12[%add3A_101, %dma_wait3A_118] : memref<10240x16xf32, #tpu.memory_space<vmem_shared>> -> memref<128x16xf32, #tpu.memory_space<vmem_shared>>
        %dma_wait3A_120 = arith.constant 0 : i32
        %dma_wait3A_121 = arith.constant 0 : i32
        %dma_wait3A_122 = tpu.memref_slice %arg8[%dma_wait3A_120, %dma_wait3A_121] : memref<2000x16xf32, #tpu.memory_space<vmem>> -> memref<128x16xf32, #tpu.memory_space<vmem>>
        tpu.wait_dma2 semaphore(%run_scoped3A_102 : memref<!tpu.dma_semaphore, #tpu.memory_space<semaphore_mem>>) src(%dma_wait3A_122 : memref<128x16xf32, #tpu.memory_space<vmem>>) dst(%dma_wait3A_119 : memref<128x16xf32, #tpu.memory_space<vmem_shared>>)
        tpu.yield
      }) : () -> ()
    }
    %scan3A_11 = arith.constant 5 : i32
    %scan3A_12 = arith.constant 0 : i32
    %scan3A_13 = arith.constant 5 : i32
    %scan3A_14 = arith.addi %scan3A_12, %scan3A_13 : i32
    %scan3A_15 = arith.constant 1 : i32
    scf.for %scan3A_94 = %scan3A_12 to %scan3A_14 step %scan3A_15  : i32 {
      %mul3A_95 = arith.constant 1 : i32
      %mul3A_96 = arith.muli %scan3A_94, %mul3A_95 : i32
      %add3A_97 = arith.constant 0 : i32
      %add3A_98 = arith.addi %add3A_97, %mul3A_96 : i32
      %mul3A_99 = arith.constant 10000 : i32
      %mul3A_100 = arith.muli %add3A, %mul3A_99 : i32
      %mul3A_101 = arith.constant 2000 : i32
      %mul3A_102 = arith.muli %add3A_98, %mul3A_101 : i32
      %add3A_103 = arith.addi %mul3A_100, %mul3A_102 : i32
      %multiple_of3A = tpu.assume_multiple %add3A_103, 8 : i32
      "tpu.region"() ({
        %run_scoped3A_104 = tpu.sem_alloc : memref<!tpu.dma_semaphore, #tpu.memory_space<semaphore_mem>>
        %dma_start3A_105 = arith.constant 0 : i32
        %dma_start3A_106 = tpu.memref_slice %arg6[%add3A_98, %dma_start3A_105] : memref<5x2000xi32, #tpu.memory_space<vmem>> -> memref<1x2000xi32, #tpu.memory_space<vmem>>
        %dma_start3A_107 = tpu.memref_squeeze %dma_start3A_106 : memref<1x2000xi32, #tpu.memory_space<vmem>> -> memref<2000xi32, #tpu.memory_space<vmem>>
        %dma_start3A_108 = tpu.memref_slice %arg3[%multiple_of3A] : memref<320000xi32, #tpu.memory_space<hbm>> -> memref<2000xi32, #tpu.memory_space<hbm>>
        %dma_start3A_109 = arith.constant 0 : i32
        %dma_start3A_110 = tpu.memref_slice %arg6[%add3A_98, %dma_start3A_109] : memref<5x2000xi32, #tpu.memory_space<vmem>> -> memref<1x2000xi32, #tpu.memory_space<vmem>>
        %dma_start3A_111 = tpu.memref_squeeze %dma_start3A_110 : memref<1x2000xi32, #tpu.memory_space<vmem>> -> memref<2000xi32, #tpu.memory_space<vmem>>
        %dma_start3A_112 = tpu.memref_slice %arg3[%multiple_of3A] : memref<320000xi32, #tpu.memory_space<hbm>> -> memref<2000xi32, #tpu.memory_space<hbm>>
        tpu.enqueue_dma source(%dma_start3A_112 : memref<2000xi32, #tpu.memory_space<hbm>>) target(%dma_start3A_111 : memref<2000xi32, #tpu.memory_space<vmem>>) target_semaphore(%run_scoped3A_104 : memref<!tpu.dma_semaphore, #tpu.memory_space<semaphore_mem>>)
        %dma_wait3A_113 = arith.constant 0 : i32
        %dma_wait3A_114 = tpu.memref_slice %arg6[%add3A_98, %dma_wait3A_113] : memref<5x2000xi32, #tpu.memory_space<vmem>> -> memref<1x2000xi32, #tpu.memory_space<vmem>>
        %dma_wait3A_115 = tpu.memref_squeeze %dma_wait3A_114 : memref<1x2000xi32, #tpu.memory_space<vmem>> -> memref<2000xi32, #tpu.memory_space<vmem>>
        %dma_wait3A_116 = tpu.memref_slice %arg3[%multiple_of3A] : memref<320000xi32, #tpu.memory_space<hbm>> -> memref<2000xi32, #tpu.memory_space<hbm>>
        %dma_wait3A_117 = arith.constant 0 : i32
        %dma_wait3A_118 = tpu.memref_slice %arg6[%add3A_98, %dma_wait3A_117] : memref<5x2000xi32, #tpu.memory_space<vmem>> -> memref<1x2000xi32, #tpu.memory_space<vmem>>
        %dma_wait3A_119 = tpu.memref_squeeze %dma_wait3A_118 : memref<1x2000xi32, #tpu.memory_space<vmem>> -> memref<2000xi32, #tpu.memory_space<vmem>>
        %dma_wait3A_120 = tpu.memref_slice %arg3[%multiple_of3A] : memref<320000xi32, #tpu.memory_space<hbm>> -> memref<2000xi32, #tpu.memory_space<hbm>>
        tpu.wait_dma2 semaphore(%run_scoped3A_104 : memref<!tpu.dma_semaphore, #tpu.memory_space<semaphore_mem>>) src(%dma_wait3A_120 : memref<2000xi32, #tpu.memory_space<hbm>>) dst(%dma_wait3A_119 : memref<2000xi32, #tpu.memory_space<vmem>>)
        tpu.yield
      }) : () -> ()
      "tpu.region"() ({
        %run_scoped3A_104 = tpu.sem_alloc : memref<!tpu.dma_semaphore, #tpu.memory_space<semaphore_mem>>
        %dma_start3A_105 = arith.constant 0 : i32
        %dma_start3A_106 = tpu.memref_slice %arg7[%add3A_98, %dma_start3A_105] : memref<5x2000xi32, #tpu.memory_space<vmem>> -> memref<1x2000xi32, #tpu.memory_space<vmem>>
        %dma_start3A_107 = tpu.memref_squeeze %dma_start3A_106 : memref<1x2000xi32, #tpu.memory_space<vmem>> -> memref<2000xi32, #tpu.memory_space<vmem>>
        %dma_start3A_108 = tpu.memref_slice %arg4[%multiple_of3A] : memref<320000xi32, #tpu.memory_space<hbm>> -> memref<2000xi32, #tpu.memory_space<hbm>>
        %dma_start3A_109 = arith.constant 0 : i32
        %dma_start3A_110 = tpu.memref_slice %arg7[%add3A_98, %dma_start3A_109] : memref<5x2000xi32, #tpu.memory_space<vmem>> -> memref<1x2000xi32, #tpu.memory_space<vmem>>
        %dma_start3A_111 = tpu.memref_squeeze %dma_start3A_110 : memref<1x2000xi32, #tpu.memory_space<vmem>> -> memref<2000xi32, #tpu.memory_space<vmem>>
        %dma_start3A_112 = tpu.memref_slice %arg4[%multiple_of3A] : memref<320000xi32, #tpu.memory_space<hbm>> -> memref<2000xi32, #tpu.memory_space<hbm>>
        tpu.enqueue_dma source(%dma_start3A_112 : memref<2000xi32, #tpu.memory_space<hbm>>) target(%dma_start3A_111 : memref<2000xi32, #tpu.memory_space<vmem>>) target_semaphore(%run_scoped3A_104 : memref<!tpu.dma_semaphore, #tpu.memory_space<semaphore_mem>>)
        %dma_wait3A_113 = arith.constant 0 : i32
        %dma_wait3A_114 = tpu.memref_slice %arg7[%add3A_98, %dma_wait3A_113] : memref<5x2000xi32, #tpu.memory_space<vmem>> -> memref<1x2000xi32, #tpu.memory_space<vmem>>
        %dma_wait3A_115 = tpu.memref_squeeze %dma_wait3A_114 : memref<1x2000xi32, #tpu.memory_space<vmem>> -> memref<2000xi32, #tpu.memory_space<vmem>>
        %dma_wait3A_116 = tpu.memref_slice %arg4[%multiple_of3A] : memref<320000xi32, #tpu.memory_space<hbm>> -> memref<2000xi32, #tpu.memory_space<hbm>>
        %dma_wait3A_117 = arith.constant 0 : i32
        %dma_wait3A_118 = tpu.memref_slice %arg7[%add3A_98, %dma_wait3A_117] : memref<5x2000xi32, #tpu.memory_space<vmem>> -> memref<1x2000xi32, #tpu.memory_space<vmem>>
        %dma_wait3A_119 = tpu.memref_squeeze %dma_wait3A_118 : memref<1x2000xi32, #tpu.memory_space<vmem>> -> memref<2000xi32, #tpu.memory_space<vmem>>
        %dma_wait3A_120 = tpu.memref_slice %arg4[%multiple_of3A] : memref<320000xi32, #tpu.memory_space<hbm>> -> memref<2000xi32, #tpu.memory_space<hbm>>
        tpu.wait_dma2 semaphore(%run_scoped3A_104 : memref<!tpu.dma_semaphore, #tpu.memory_space<semaphore_mem>>) src(%dma_wait3A_120 : memref<2000xi32, #tpu.memory_space<hbm>>) dst(%dma_wait3A_119 : memref<2000xi32, #tpu.memory_space<vmem>>)
        tpu.yield
      }) : () -> ()
    }
    %scan3A_16 = arith.constant 5 : i32
    %barrier3A = arith.constant 0 : index
    tpu.barrier barrier_id(%barrier3A)
    %dma_start3A = arith.constant 0 : i32
    %dma_start3A_17 = arith.constant 0 : i32
    %dma_start3A_18 = tpu.memref_slice %arg6[%dma_start3A, %dma_start3A_17] : memref<5x2000xi32, #tpu.memory_space<vmem>> -> memref<1x2000xi32, #tpu.memory_space<vmem>>
    %dma_start3A_19 = tpu.memref_squeeze %dma_start3A_18 : memref<1x2000xi32, #tpu.memory_space<vmem>> -> memref<2000xi32, #tpu.memory_space<vmem>>
    %dma_start3A_20 = arith.constant 0 : i32
    %dma_start3A_21 = arith.constant 0 : i32
    %dma_start3A_22 = tpu.memref_slice %arg2[%dma_start3A_20, %dma_start3A_21] : memref<10240x16xf32, #tpu.memory_space<hbm>> -> memref<10240x16xf32, #tpu.memory_space<hbm>>
    tpu.enqueue_indirect_dma source(%dma_start3A_22 : memref<10240x16xf32, #tpu.memory_space<hbm>>) target(%arg8 : memref<2000x16xf32, #tpu.memory_space<vmem>>) offsets(%dma_start3A_19 : memref<2000xi32, #tpu.memory_space<vmem>>) semaphore(%arg10 : memref<!tpu.dma_semaphore, #tpu.memory_space<semaphore_mem>>)
    %dma_start3A_23 = arith.constant 1 : i32
    %dma_start3A_24 = arith.constant 0 : i32
    %dma_start3A_25 = tpu.memref_slice %arg6[%dma_start3A_23, %dma_start3A_24] : memref<5x2000xi32, #tpu.memory_space<vmem>> -> memref<1x2000xi32, #tpu.memory_space<vmem>>
    %dma_start3A_26 = tpu.memref_squeeze %dma_start3A_25 : memref<1x2000xi32, #tpu.memory_space<vmem>> -> memref<2000xi32, #tpu.memory_space<vmem>>
    %dma_start3A_27 = arith.constant 0 : i32
    %dma_start3A_28 = arith.constant 0 : i32
    %dma_start3A_29 = tpu.memref_slice %arg2[%dma_start3A_27, %dma_start3A_28] : memref<10240x16xf32, #tpu.memory_space<hbm>> -> memref<10240x16xf32, #tpu.memory_space<hbm>>
    tpu.enqueue_indirect_dma source(%dma_start3A_29 : memref<10240x16xf32, #tpu.memory_space<hbm>>) target(%arg9 : memref<2000x16xf32, #tpu.memory_space<vmem>>) offsets(%dma_start3A_26 : memref<2000xi32, #tpu.memory_space<vmem>>) semaphore(%arg11 : memref<!tpu.dma_semaphore, #tpu.memory_space<semaphore_mem>>)
    %dma_wait3A = arith.constant 0 : i32
    %dma_wait3A_30 = arith.constant 0 : i32
    %dma_wait3A_31 = tpu.memref_slice %arg6[%dma_wait3A, %dma_wait3A_30] : memref<5x2000xi32, #tpu.memory_space<vmem>> -> memref<1x2000xi32, #tpu.memory_space<vmem>>
    %dma_wait3A_32 = tpu.memref_squeeze %dma_wait3A_31 : memref<1x2000xi32, #tpu.memory_space<vmem>> -> memref<2000xi32, #tpu.memory_space<vmem>>
    %dma_wait3A_33 = arith.constant 0 : i32
    %dma_wait3A_34 = arith.constant 0 : i32
    %dma_wait3A_35 = tpu.memref_slice %arg2[%dma_wait3A_33, %dma_wait3A_34] : memref<10240x16xf32, #tpu.memory_space<hbm>> -> memref<10240x16xf32, #tpu.memory_space<hbm>>
    tpu.wait_indirect_dma semaphore(%arg10 : memref<!tpu.dma_semaphore, #tpu.memory_space<semaphore_mem>>) src(%dma_wait3A_35 : memref<10240x16xf32, #tpu.memory_space<hbm>>) dst(%arg8 : memref<2000x16xf32, #tpu.memory_space<vmem>>)
    %run_scoped3A = arith.constant 0 : i32
    "tpu.region"() ({
      %run_scoped3A_94 = tpu.sem_alloc : memref<!tpu.dma_semaphore, #tpu.memory_space<semaphore_mem>>
      %dma_start3A_95 = arith.constant 0 : i32
      %dma_start3A_96 = tpu.memref_slice %arg7[%run_scoped3A, %dma_start3A_95] : memref<5x2000xi32, #tpu.memory_space<vmem>> -> memref<1x2000xi32, #tpu.memory_space<vmem>>
      %dma_start3A_97 = tpu.memref_squeeze %dma_start3A_96 : memref<1x2000xi32, #tpu.memory_space<vmem>> -> memref<2000xi32, #tpu.memory_space<vmem>>
      %dma_start3A_98 = arith.constant 0 : i32
      %dma_start3A_99 = arith.constant 0 : i32
      %dma_start3A_100 = tpu.memref_slice %arg12[%dma_start3A_98, %dma_start3A_99] : memref<10240x16xf32, #tpu.memory_space<vmem_shared>> -> memref<10240x16xf32, #tpu.memory_space<vmem_shared>>
      tpu.enqueue_indirect_dma source(%arg8 : memref<2000x16xf32, #tpu.memory_space<vmem>>) target(%dma_start3A_100 : memref<10240x16xf32, #tpu.memory_space<vmem_shared>>) offsets(%dma_start3A_97 : memref<2000xi32, #tpu.memory_space<vmem>>) semaphore(%run_scoped3A_94 : memref<!tpu.dma_semaphore, #tpu.memory_space<semaphore_mem>>) {add = true}
      %dma_wait3A_101 = arith.constant 0 : i32
      %dma_wait3A_102 = tpu.memref_slice %arg7[%run_scoped3A, %dma_wait3A_101] : memref<5x2000xi32, #tpu.memory_space<vmem>> -> memref<1x2000xi32, #tpu.memory_space<vmem>>
      %dma_wait3A_103 = tpu.memref_squeeze %dma_wait3A_102 : memref<1x2000xi32, #tpu.memory_space<vmem>> -> memref<2000xi32, #tpu.memory_space<vmem>>
      %dma_wait3A_104 = arith.constant 0 : i32
      %dma_wait3A_105 = arith.constant 0 : i32
      %dma_wait3A_106 = tpu.memref_slice %arg12[%dma_wait3A_104, %dma_wait3A_105] : memref<10240x16xf32, #tpu.memory_space<vmem_shared>> -> memref<10240x16xf32, #tpu.memory_space<vmem_shared>>
      tpu.wait_indirect_dma semaphore(%run_scoped3A_94 : memref<!tpu.dma_semaphore, #tpu.memory_space<semaphore_mem>>) src(%arg8 : memref<2000x16xf32, #tpu.memory_space<vmem>>) dst(%dma_wait3A_106 : memref<10240x16xf32, #tpu.memory_space<vmem_shared>>)
      tpu.yield
    }) : () -> ()
    %dma_start3A_36 = arith.constant 2 : i32
    %dma_start3A_37 = arith.constant 0 : i32
    %dma_start3A_38 = tpu.memref_slice %arg6[%dma_start3A_36, %dma_start3A_37] : memref<5x2000xi32, #tpu.memory_space<vmem>> -> memref<1x2000xi32, #tpu.memory_space<vmem>>
    %dma_start3A_39 = tpu.memref_squeeze %dma_start3A_38 : memref<1x2000xi32, #tpu.memory_space<vmem>> -> memref<2000xi32, #tpu.memory_space<vmem>>
    %dma_start3A_40 = arith.constant 0 : i32
    %dma_start3A_41 = arith.constant 0 : i32
    %dma_start3A_42 = tpu.memref_slice %arg2[%dma_start3A_40, %dma_start3A_41] : memref<10240x16xf32, #tpu.memory_space<hbm>> -> memref<10240x16xf32, #tpu.memory_space<hbm>>
    tpu.enqueue_indirect_dma source(%dma_start3A_42 : memref<10240x16xf32, #tpu.memory_space<hbm>>) target(%arg8 : memref<2000x16xf32, #tpu.memory_space<vmem>>) offsets(%dma_start3A_39 : memref<2000xi32, #tpu.memory_space<vmem>>) semaphore(%arg10 : memref<!tpu.dma_semaphore, #tpu.memory_space<semaphore_mem>>)
    %dma_wait3A_43 = arith.constant 1 : i32
    %dma_wait3A_44 = arith.constant 0 : i32
    %dma_wait3A_45 = tpu.memref_slice %arg6[%dma_wait3A_43, %dma_wait3A_44] : memref<5x2000xi32, #tpu.memory_space<vmem>> -> memref<1x2000xi32, #tpu.memory_space<vmem>>
    %dma_wait3A_46 = tpu.memref_squeeze %dma_wait3A_45 : memref<1x2000xi32, #tpu.memory_space<vmem>> -> memref<2000xi32, #tpu.memory_space<vmem>>
    %dma_wait3A_47 = arith.constant 0 : i32
    %dma_wait3A_48 = arith.constant 0 : i32
    %dma_wait3A_49 = tpu.memref_slice %arg2[%dma_wait3A_47, %dma_wait3A_48] : memref<10240x16xf32, #tpu.memory_space<hbm>> -> memref<10240x16xf32, #tpu.memory_space<hbm>>
    tpu.wait_indirect_dma semaphore(%arg11 : memref<!tpu.dma_semaphore, #tpu.memory_space<semaphore_mem>>) src(%dma_wait3A_49 : memref<10240x16xf32, #tpu.memory_space<hbm>>) dst(%arg9 : memref<2000x16xf32, #tpu.memory_space<vmem>>)
    %run_scoped3A_50 = arith.constant 1 : i32
    "tpu.region"() ({
      %run_scoped3A_94 = tpu.sem_alloc : memref<!tpu.dma_semaphore, #tpu.memory_space<semaphore_mem>>
      %dma_start3A_95 = arith.constant 0 : i32
      %dma_start3A_96 = tpu.memref_slice %arg7[%run_scoped3A_50, %dma_start3A_95] : memref<5x2000xi32, #tpu.memory_space<vmem>> -> memref<1x2000xi32, #tpu.memory_space<vmem>>
      %dma_start3A_97 = tpu.memref_squeeze %dma_start3A_96 : memref<1x2000xi32, #tpu.memory_space<vmem>> -> memref<2000xi32, #tpu.memory_space<vmem>>
      %dma_start3A_98 = arith.constant 0 : i32
      %dma_start3A_99 = arith.constant 0 : i32
      %dma_start3A_100 = tpu.memref_slice %arg12[%dma_start3A_98, %dma_start3A_99] : memref<10240x16xf32, #tpu.memory_space<vmem_shared>> -> memref<10240x16xf32, #tpu.memory_space<vmem_shared>>
      tpu.enqueue_indirect_dma source(%arg9 : memref<2000x16xf32, #tpu.memory_space<vmem>>) target(%dma_start3A_100 : memref<10240x16xf32, #tpu.memory_space<vmem_shared>>) offsets(%dma_start3A_97 : memref<2000xi32, #tpu.memory_space<vmem>>) semaphore(%run_scoped3A_94 : memref<!tpu.dma_semaphore, #tpu.memory_space<semaphore_mem>>) {add = true}
      %dma_wait3A_101 = arith.constant 0 : i32
      %dma_wait3A_102 = tpu.memref_slice %arg7[%run_scoped3A_50, %dma_wait3A_101] : memref<5x2000xi32, #tpu.memory_space<vmem>> -> memref<1x2000xi32, #tpu.memory_space<vmem>>
      %dma_wait3A_103 = tpu.memref_squeeze %dma_wait3A_102 : memref<1x2000xi32, #tpu.memory_space<vmem>> -> memref<2000xi32, #tpu.memory_space<vmem>>
      %dma_wait3A_104 = arith.constant 0 : i32
      %dma_wait3A_105 = arith.constant 0 : i32
      %dma_wait3A_106 = tpu.memref_slice %arg12[%dma_wait3A_104, %dma_wait3A_105] : memref<10240x16xf32, #tpu.memory_space<vmem_shared>> -> memref<10240x16xf32, #tpu.memory_space<vmem_shared>>
      tpu.wait_indirect_dma semaphore(%run_scoped3A_94 : memref<!tpu.dma_semaphore, #tpu.memory_space<semaphore_mem>>) src(%arg9 : memref<2000x16xf32, #tpu.memory_space<vmem>>) dst(%dma_wait3A_106 : memref<10240x16xf32, #tpu.memory_space<vmem_shared>>)
      tpu.yield
    }) : () -> ()
    %dma_start3A_51 = arith.constant 3 : i32
    %dma_start3A_52 = arith.constant 0 : i32
    %dma_start3A_53 = tpu.memref_slice %arg6[%dma_start3A_51, %dma_start3A_52] : memref<5x2000xi32, #tpu.memory_space<vmem>> -> memref<1x2000xi32, #tpu.memory_space<vmem>>
    %dma_start3A_54 = tpu.memref_squeeze %dma_start3A_53 : memref<1x2000xi32, #tpu.memory_space<vmem>> -> memref<2000xi32, #tpu.memory_space<vmem>>
    %dma_start3A_55 = arith.constant 0 : i32
    %dma_start3A_56 = arith.constant 0 : i32
    %dma_start3A_57 = tpu.memref_slice %arg2[%dma_start3A_55, %dma_start3A_56] : memref<10240x16xf32, #tpu.memory_space<hbm>> -> memref<10240x16xf32, #tpu.memory_space<hbm>>
    tpu.enqueue_indirect_dma source(%dma_start3A_57 : memref<10240x16xf32, #tpu.memory_space<hbm>>) target(%arg9 : memref<2000x16xf32, #tpu.memory_space<vmem>>) offsets(%dma_start3A_54 : memref<2000xi32, #tpu.memory_space<vmem>>) semaphore(%arg11 : memref<!tpu.dma_semaphore, #tpu.memory_space<semaphore_mem>>)
    %dma_wait3A_58 = arith.constant 2 : i32
    %dma_wait3A_59 = arith.constant 0 : i32
    %dma_wait3A_60 = tpu.memref_slice %arg6[%dma_wait3A_58, %dma_wait3A_59] : memref<5x2000xi32, #tpu.memory_space<vmem>> -> memref<1x2000xi32, #tpu.memory_space<vmem>>
    %dma_wait3A_61 = tpu.memref_squeeze %dma_wait3A_60 : memref<1x2000xi32, #tpu.memory_space<vmem>> -> memref<2000xi32, #tpu.memory_space<vmem>>
    %dma_wait3A_62 = arith.constant 0 : i32
    %dma_wait3A_63 = arith.constant 0 : i32
    %dma_wait3A_64 = tpu.memref_slice %arg2[%dma_wait3A_62, %dma_wait3A_63] : memref<10240x16xf32, #tpu.memory_space<hbm>> -> memref<10240x16xf32, #tpu.memory_space<hbm>>
    tpu.wait_indirect_dma semaphore(%arg10 : memref<!tpu.dma_semaphore, #tpu.memory_space<semaphore_mem>>) src(%dma_wait3A_64 : memref<10240x16xf32, #tpu.memory_space<hbm>>) dst(%arg8 : memref<2000x16xf32, #tpu.memory_space<vmem>>)
    %run_scoped3A_65 = arith.constant 2 : i32
    "tpu.region"() ({
      %run_scoped3A_94 = tpu.sem_alloc : memref<!tpu.dma_semaphore, #tpu.memory_space<semaphore_mem>>
      %dma_start3A_95 = arith.constant 0 : i32
      %dma_start3A_96 = tpu.memref_slice %arg7[%run_scoped3A_65, %dma_start3A_95] : memref<5x2000xi32, #tpu.memory_space<vmem>> -> memref<1x2000xi32, #tpu.memory_space<vmem>>
      %dma_start3A_97 = tpu.memref_squeeze %dma_start3A_96 : memref<1x2000xi32, #tpu.memory_space<vmem>> -> memref<2000xi32, #tpu.memory_space<vmem>>
      %dma_start3A_98 = arith.constant 0 : i32
      %dma_start3A_99 = arith.constant 0 : i32
      %dma_start3A_100 = tpu.memref_slice %arg12[%dma_start3A_98, %dma_start3A_99] : memref<10240x16xf32, #tpu.memory_space<vmem_shared>> -> memref<10240x16xf32, #tpu.memory_space<vmem_shared>>
      tpu.enqueue_indirect_dma source(%arg8 : memref<2000x16xf32, #tpu.memory_space<vmem>>) target(%dma_start3A_100 : memref<10240x16xf32, #tpu.memory_space<vmem_shared>>) offsets(%dma_start3A_97 : memref<2000xi32, #tpu.memory_space<vmem>>) semaphore(%run_scoped3A_94 : memref<!tpu.dma_semaphore, #tpu.memory_space<semaphore_mem>>) {add = true}
      %dma_wait3A_101 = arith.constant 0 : i32
      %dma_wait3A_102 = tpu.memref_slice %arg7[%run_scoped3A_65, %dma_wait3A_101] : memref<5x2000xi32, #tpu.memory_space<vmem>> -> memref<1x2000xi32, #tpu.memory_space<vmem>>
      %dma_wait3A_103 = tpu.memref_squeeze %dma_wait3A_102 : memref<1x2000xi32, #tpu.memory_space<vmem>> -> memref<2000xi32, #tpu.memory_space<vmem>>
      %dma_wait3A_104 = arith.constant 0 : i32
      %dma_wait3A_105 = arith.constant 0 : i32
      %dma_wait3A_106 = tpu.memref_slice %arg12[%dma_wait3A_104, %dma_wait3A_105] : memref<10240x16xf32, #tpu.memory_space<vmem_shared>> -> memref<10240x16xf32, #tpu.memory_space<vmem_shared>>
      tpu.wait_indirect_dma semaphore(%run_scoped3A_94 : memref<!tpu.dma_semaphore, #tpu.memory_space<semaphore_mem>>) src(%arg8 : memref<2000x16xf32, #tpu.memory_space<vmem>>) dst(%dma_wait3A_106 : memref<10240x16xf32, #tpu.memory_space<vmem_shared>>)
      tpu.yield
    }) : () -> ()
    %dma_start3A_66 = arith.constant 4 : i32
    %dma_start3A_67 = arith.constant 0 : i32
    %dma_start3A_68 = tpu.memref_slice %arg6[%dma_start3A_66, %dma_start3A_67] : memref<5x2000xi32, #tpu.memory_space<vmem>> -> memref<1x2000xi32, #tpu.memory_space<vmem>>
    %dma_start3A_69 = tpu.memref_squeeze %dma_start3A_68 : memref<1x2000xi32, #tpu.memory_space<vmem>> -> memref<2000xi32, #tpu.memory_space<vmem>>
    %dma_start3A_70 = arith.constant 0 : i32
    %dma_start3A_71 = arith.constant 0 : i32
    %dma_start3A_72 = tpu.memref_slice %arg2[%dma_start3A_70, %dma_start3A_71] : memref<10240x16xf32, #tpu.memory_space<hbm>> -> memref<10240x16xf32, #tpu.memory_space<hbm>>
    tpu.enqueue_indirect_dma source(%dma_start3A_72 : memref<10240x16xf32, #tpu.memory_space<hbm>>) target(%arg8 : memref<2000x16xf32, #tpu.memory_space<vmem>>) offsets(%dma_start3A_69 : memref<2000xi32, #tpu.memory_space<vmem>>) semaphore(%arg10 : memref<!tpu.dma_semaphore, #tpu.memory_space<semaphore_mem>>)
    %dma_wait3A_73 = arith.constant 3 : i32
    %dma_wait3A_74 = arith.constant 0 : i32
    %dma_wait3A_75 = tpu.memref_slice %arg6[%dma_wait3A_73, %dma_wait3A_74] : memref<5x2000xi32, #tpu.memory_space<vmem>> -> memref<1x2000xi32, #tpu.memory_space<vmem>>
    %dma_wait3A_76 = tpu.memref_squeeze %dma_wait3A_75 : memref<1x2000xi32, #tpu.memory_space<vmem>> -> memref<2000xi32, #tpu.memory_space<vmem>>
    %dma_wait3A_77 = arith.constant 0 : i32
    %dma_wait3A_78 = arith.constant 0 : i32
    %dma_wait3A_79 = tpu.memref_slice %arg2[%dma_wait3A_77, %dma_wait3A_78] : memref<10240x16xf32, #tpu.memory_space<hbm>> -> memref<10240x16xf32, #tpu.memory_space<hbm>>
    tpu.wait_indirect_dma semaphore(%arg11 : memref<!tpu.dma_semaphore, #tpu.memory_space<semaphore_mem>>) src(%dma_wait3A_79 : memref<10240x16xf32, #tpu.memory_space<hbm>>) dst(%arg9 : memref<2000x16xf32, #tpu.memory_space<vmem>>)
    %run_scoped3A_80 = arith.constant 3 : i32
    "tpu.region"() ({
      %run_scoped3A_94 = tpu.sem_alloc : memref<!tpu.dma_semaphore, #tpu.memory_space<semaphore_mem>>
      %dma_start3A_95 = arith.constant 0 : i32
      %dma_start3A_96 = tpu.memref_slice %arg7[%run_scoped3A_80, %dma_start3A_95] : memref<5x2000xi32, #tpu.memory_space<vmem>> -> memref<1x2000xi32, #tpu.memory_space<vmem>>
      %dma_start3A_97 = tpu.memref_squeeze %dma_start3A_96 : memref<1x2000xi32, #tpu.memory_space<vmem>> -> memref<2000xi32, #tpu.memory_space<vmem>>
      %dma_start3A_98 = arith.constant 0 : i32
      %dma_start3A_99 = arith.constant 0 : i32
      %dma_start3A_100 = tpu.memref_slice %arg12[%dma_start3A_98, %dma_start3A_99] : memref<10240x16xf32, #tpu.memory_space<vmem_shared>> -> memref<10240x16xf32, #tpu.memory_space<vmem_shared>>
      tpu.enqueue_indirect_dma source(%arg9 : memref<2000x16xf32, #tpu.memory_space<vmem>>) target(%dma_start3A_100 : memref<10240x16xf32, #tpu.memory_space<vmem_shared>>) offsets(%dma_start3A_97 : memref<2000xi32, #tpu.memory_space<vmem>>) semaphore(%run_scoped3A_94 : memref<!tpu.dma_semaphore, #tpu.memory_space<semaphore_mem>>) {add = true}
      %dma_wait3A_101 = arith.constant 0 : i32
      %dma_wait3A_102 = tpu.memref_slice %arg7[%run_scoped3A_80, %dma_wait3A_101] : memref<5x2000xi32, #tpu.memory_space<vmem>> -> memref<1x2000xi32, #tpu.memory_space<vmem>>
      %dma_wait3A_103 = tpu.memref_squeeze %dma_wait3A_102 : memref<1x2000xi32, #tpu.memory_space<vmem>> -> memref<2000xi32, #tpu.memory_space<vmem>>
      %dma_wait3A_104 = arith.constant 0 : i32
      %dma_wait3A_105 = arith.constant 0 : i32
      %dma_wait3A_106 = tpu.memref_slice %arg12[%dma_wait3A_104, %dma_wait3A_105] : memref<10240x16xf32, #tpu.memory_space<vmem_shared>> -> memref<10240x16xf32, #tpu.memory_space<vmem_shared>>
      tpu.wait_indirect_dma semaphore(%run_scoped3A_94 : memref<!tpu.dma_semaphore, #tpu.memory_space<semaphore_mem>>) src(%arg9 : memref<2000x16xf32, #tpu.memory_space<vmem>>) dst(%dma_wait3A_106 : memref<10240x16xf32, #tpu.memory_space<vmem_shared>>)
      tpu.yield
    }) : () -> ()
    %dma_wait3A_81 = arith.constant 4 : i32
    %dma_wait3A_82 = arith.constant 0 : i32
    %dma_wait3A_83 = tpu.memref_slice %arg6[%dma_wait3A_81, %dma_wait3A_82] : memref<5x2000xi32, #tpu.memory_space<vmem>> -> memref<1x2000xi32, #tpu.memory_space<vmem>>
    %dma_wait3A_84 = tpu.memref_squeeze %dma_wait3A_83 : memref<1x2000xi32, #tpu.memory_space<vmem>> -> memref<2000xi32, #tpu.memory_space<vmem>>
    %dma_wait3A_85 = arith.constant 0 : i32
    %dma_wait3A_86 = arith.constant 0 : i32
    %dma_wait3A_87 = tpu.memref_slice %arg2[%dma_wait3A_85, %dma_wait3A_86] : memref<10240x16xf32, #tpu.memory_space<hbm>> -> memref<10240x16xf32, #tpu.memory_space<hbm>>
    tpu.wait_indirect_dma semaphore(%arg10 : memref<!tpu.dma_semaphore, #tpu.memory_space<semaphore_mem>>) src(%dma_wait3A_87 : memref<10240x16xf32, #tpu.memory_space<hbm>>) dst(%arg8 : memref<2000x16xf32, #tpu.memory_space<vmem>>)
    %run_scoped3A_88 = arith.constant 4 : i32
    "tpu.region"() ({
      %run_scoped3A_94 = tpu.sem_alloc : memref<!tpu.dma_semaphore, #tpu.memory_space<semaphore_mem>>
      %dma_start3A_95 = arith.constant 0 : i32
      %dma_start3A_96 = tpu.memref_slice %arg7[%run_scoped3A_88, %dma_start3A_95] : memref<5x2000xi32, #tpu.memory_space<vmem>> -> memref<1x2000xi32, #tpu.memory_space<vmem>>
      %dma_start3A_97 = tpu.memref_squeeze %dma_start3A_96 : memref<1x2000xi32, #tpu.memory_space<vmem>> -> memref<2000xi32, #tpu.memory_space<vmem>>
      %dma_start3A_98 = arith.constant 0 : i32
      %dma_start3A_99 = arith.constant 0 : i32
      %dma_start3A_100 = tpu.memref_slice %arg12[%dma_start3A_98, %dma_start3A_99] : memref<10240x16xf32, #tpu.memory_space<vmem_shared>> -> memref<10240x16xf32, #tpu.memory_space<vmem_shared>>
      tpu.enqueue_indirect_dma source(%arg8 : memref<2000x16xf32, #tpu.memory_space<vmem>>) target(%dma_start3A_100 : memref<10240x16xf32, #tpu.memory_space<vmem_shared>>) offsets(%dma_start3A_97 : memref<2000xi32, #tpu.memory_space<vmem>>) semaphore(%run_scoped3A_94 : memref<!tpu.dma_semaphore, #tpu.memory_space<semaphore_mem>>) {add = true}
      %dma_wait3A_101 = arith.constant 0 : i32
      %dma_wait3A_102 = tpu.memref_slice %arg7[%run_scoped3A_88, %dma_wait3A_101] : memref<5x2000xi32, #tpu.memory_space<vmem>> -> memref<1x2000xi32, #tpu.memory_space<vmem>>
      %dma_wait3A_103 = tpu.memref_squeeze %dma_wait3A_102 : memref<1x2000xi32, #tpu.memory_space<vmem>> -> memref<2000xi32, #tpu.memory_space<vmem>>
      %dma_wait3A_104 = arith.constant 0 : i32
      %dma_wait3A_105 = arith.constant 0 : i32
      %dma_wait3A_106 = tpu.memref_slice %arg12[%dma_wait3A_104, %dma_wait3A_105] : memref<10240x16xf32, #tpu.memory_space<vmem_shared>> -> memref<10240x16xf32, #tpu.memory_space<vmem_shared>>
      tpu.wait_indirect_dma semaphore(%run_scoped3A_94 : memref<!tpu.dma_semaphore, #tpu.memory_space<semaphore_mem>>) src(%arg8 : memref<2000x16xf32, #tpu.memory_space<vmem>>) dst(%dma_wait3A_106 : memref<10240x16xf32, #tpu.memory_space<vmem_shared>>)
      tpu.yield
    }) : () -> ()
    %barrier3A_89 = arith.constant 0 : index
    tpu.barrier barrier_id(%barrier3A_89)
    %mul3A_90 = arith.constant 640 : i32
    %mul3A_91 = arith.muli %arg1, %mul3A_90 : i32
    %mul3A_92 = arith.constant 640 : i32
    %mul3A_93 = arith.muli %arg1, %mul3A_92 : i32
    "tpu.region"() ({
      %run_scoped3A_94 = tpu.sem_alloc : memref<!tpu.dma_semaphore, #tpu.memory_space<semaphore_mem>>
      %dma_start3A_95 = arith.constant 0 : i32
      %dma_start3A_96 = arith.constant 0 : i32
      %dma_start3A_97 = tpu.memref_slice %arg5[%arg0, %dma_start3A_95, %dma_start3A_96] : memref<2x10240x16xf32, #tpu.memory_space<hbm>> -> memref<1x10240x16xf32, #tpu.memory_space<hbm>>
      %dma_start3A_98 = tpu.memref_squeeze %dma_start3A_97 : memref<1x10240x16xf32, #tpu.memory_space<hbm>> -> memref<10240x16xf32, #tpu.memory_space<hbm>>
      %dma_start3A_99 = arith.constant 0 : i32
      %dma_start3A_100 = tpu.memref_slice %dma_start3A_98[%mul3A_93, %dma_start3A_99] : memref<10240x16xf32, #tpu.memory_space<hbm>> -> memref<640x16xf32, #tpu.memory_space<hbm>>
      %dma_start3A_101 = arith.constant 0 : i32
      %dma_start3A_102 = tpu.memref_slice %arg12[%mul3A_91, %dma_start3A_101] : memref<10240x16xf32, #tpu.memory_space<vmem_shared>> -> memref<640x16xf32, #tpu.memory_space<vmem_shared>>
      tpu.enqueue_dma source(%dma_start3A_102 : memref<640x16xf32, #tpu.memory_space<vmem_shared>>) target(%dma_start3A_100 : memref<640x16xf32, #tpu.memory_space<hbm>>) target_semaphore(%run_scoped3A_94 : memref<!tpu.dma_semaphore, #tpu.memory_space<semaphore_mem>>)
      %dma_wait3A_103 = arith.constant 0 : i32
      %dma_wait3A_104 = arith.constant 0 : i32
      %dma_wait3A_105 = tpu.memref_slice %arg5[%arg0, %dma_wait3A_103, %dma_wait3A_104] : memref<2x10240x16xf32, #tpu.memory_space<hbm>> -> memref<1x10240x16xf32, #tpu.memory_space<hbm>>
      %dma_wait3A_106 = tpu.memref_squeeze %dma_wait3A_105 : memref<1x10240x16xf32, #tpu.memory_space<hbm>> -> memref<10240x16xf32, #tpu.memory_space<hbm>>
      %dma_wait3A_107 = arith.constant 0 : i32
      %dma_wait3A_108 = tpu.memref_slice %dma_wait3A_106[%mul3A_93, %dma_wait3A_107] : memref<10240x16xf32, #tpu.memory_space<hbm>> -> memref<640x16xf32, #tpu.memory_space<hbm>>
      %dma_wait3A_109 = arith.constant 0 : i32
      %dma_wait3A_110 = tpu.memref_slice %arg12[%mul3A_91, %dma_wait3A_109] : memref<10240x16xf32, #tpu.memory_space<vmem_shared>> -> memref<640x16xf32, #tpu.memory_space<vmem_shared>>
      tpu.wait_dma2 semaphore(%run_scoped3A_94 : memref<!tpu.dma_semaphore, #tpu.memory_space<semaphore_mem>>) src(%dma_wait3A_110 : memref<640x16xf32, #tpu.memory_space<vmem_shared>>) dst(%dma_wait3A_108 : memref<640x16xf32, #tpu.memory_space<hbm>>)
      tpu.yield
    }) : () -> ()
    return
  }
}

module attributes {stable_mosaic.version = 14 : i64} {
  func.func @_tc1_body(%arg0: memref<2x10240xf32, #tpu.memory_space<vmem>>, %arg1: memref<10000x128xf32, #tpu.memory_space<vmem>>, %arg2: memref<128x16xf32, #tpu.memory_space<vmem>>, %arg3: memref<10240x16xf32, #tpu.memory_space<vmem>>, %arg4: memref<10240x1xf32, #tpu.memory_space<vmem>>) attributes {dimension_semantics = [], scalar_prefetch = 0 : i64, scratch_operands = 0 : i64, tpu.core_type = #tpu.core_type<tc>} {
    %get3A = arith.constant 0 : index
    %get3A_0 = arith.constant 0 : index
    %get3A_1 = vector.load %arg0[%get3A, %get3A_0] : memref<2x10240xf32, #tpu.memory_space<vmem>>, vector<2x10240xf32>
    %slice3A = vector.extract_strided_slice %get3A_1 {offsets = [0, 0], sizes = [1, 10240], strides = [1, 1]} : vector<2x10240xf32> to vector<1x10240xf32>
    %slice3A_2 = vector.extract_strided_slice %get3A_1 {offsets = [1, 0], sizes = [1, 10240], strides = [1, 1]} : vector<2x10240xf32> to vector<1x10240xf32>
    %add3A = arith.addf %slice3A, %slice3A_2 : vector<1x10240xf32>
    %add3A_3 = arith.constant 1.000000e+00 : f32
    %add3A_4 = vector.broadcast %add3A_3 : f32 to vector<1x10240xf32>
    %add3A_5 = arith.addf %add3A, %add3A_4 : vector<1x10240xf32>
    %rsqrt3A = math.rsqrt %add3A_5 : vector<1x10240xf32>
    %transpose3A = tpu.transpose %rsqrt3A, [1, 0] : vector<1x10240xf32> -> vector<10240x1xf32>
    %swap3A = arith.constant 0 : index
    %swap3A_6 = arith.constant 0 : index
    %swap3A_7 = vector.load %arg4[%swap3A, %swap3A_6] : memref<10240x1xf32, #tpu.memory_space<vmem>>, vector<10240x1xf32>
    tpu.vector_store %arg4[%swap3A, %swap3A_6], %transpose3A {strides = array<i32>} : memref<10240x1xf32, #tpu.memory_space<vmem>>, vector<10240x1xf32>,
    %get3A_8 = arith.constant 0 : index
    %get3A_9 = arith.constant 0 : index
    %get3A_10 = vector.load %arg1[%get3A_8, %get3A_9] : memref<10000x128xf32, #tpu.memory_space<vmem>>, vector<10000x128xf32>
    %get3A_11 = arith.constant 0 : index
    %get3A_12 = arith.constant 0 : index
    %get3A_13 = vector.load %arg2[%get3A_11, %get3A_12] : memref<128x16xf32, #tpu.memory_space<vmem>>, vector<128x16xf32>
    %dot_general3A = arith.constant dense<0.000000e+00> : vector<10000x16xf32>
    %dot_general3A_14 = tpu.matmul %get3A_10, %get3A_13, %dot_general3A {dimension_numbers = #tpu.dot_dimension_numbers<[1], [0], [0], [1], [0, 0, 1, 1], [], []>, transpose_lhs_hint = false} : vector<10000x128xf32>, vector<128x16xf32>, vector<10000x16xf32> -> vector<10000x16xf32>
    %slice3A_15 = vector.extract_strided_slice %transpose3A {offsets = [0, 0], sizes = [10000, 1], strides = [1, 1]} : vector<10240x1xf32> to vector<10000x1xf32>
    %mul3A = vector.broadcast %slice3A_15 : vector<10000x1xf32> to vector<10000x16xf32>
    %mul3A_16 = arith.mulf %dot_general3A_14, %mul3A : vector<10000x16xf32>
    %swap3A_17 = arith.constant 0 : index
    %swap3A_18 = arith.constant 0 : index
    %swap3A_19 = vector.load %arg3[%swap3A_17, %swap3A_18] : memref<10240x16xf32, #tpu.memory_space<vmem>>, vector<10000x16xf32>
    tpu.vector_store %arg3[%swap3A_17, %swap3A_18], %mul3A_16 {strides = array<i32>} : memref<10240x16xf32, #tpu.memory_space<vmem>>, vector<10000x16xf32>,
    %broadcast_in_dim3A = arith.constant 0.000000e+00 : f32
    %broadcast_in_dim3A_20 = vector.broadcast %broadcast_in_dim3A : f32 to vector<240x16xf32>
    %swap3A_21 = arith.constant 10000 : index
    %swap3A_22 = arith.constant 0 : index
    %swap3A_23 = vector.load %arg3[%swap3A_21, %swap3A_22] : memref<10240x16xf32, #tpu.memory_space<vmem>>, vector<240x16xf32>
    tpu.vector_store %arg3[%swap3A_21, %swap3A_22], %broadcast_in_dim3A_20 {strides = array<i32>} : memref<10240x16xf32, #tpu.memory_space<vmem>>, vector<240x16xf32>,
    return
  }
}

module attributes {stable_mosaic.version = 14 : i64} {
  func.func @_tc_mid_body(%arg0: memref<2x10240x16xf32, #tpu.memory_space<vmem>>, %arg1: memref<10240x16xf32, #tpu.memory_space<vmem>>, %arg2: memref<10240x1xf32, #tpu.memory_space<vmem>>, %arg3: memref<1x16xf32, #tpu.memory_space<vmem>>, %arg4: memref<1x16xf32, #tpu.memory_space<vmem>>, %arg5: memref<1x16xf32, #tpu.memory_space<vmem>>, %arg6: memref<16x16xf32, #tpu.memory_space<vmem>>, %arg7: memref<10240x16xf32, #tpu.memory_space<vmem>>) attributes {dimension_semantics = [], scalar_prefetch = 0 : i64, scratch_operands = 0 : i64, tpu.core_type = #tpu.core_type<tc>} {
    %get3A = arith.constant 0 : index
    %get3A_0 = arith.constant 0 : index
    %get3A_1 = arith.constant 0 : index
    %get3A_2 = vector.load %arg0[%get3A, %get3A_0, %get3A_1] : memref<2x10240x16xf32, #tpu.memory_space<vmem>>, vector<2x10240x16xf32>
    %slice3A = vector.extract_strided_slice %get3A_2 {offsets = [0, 0, 0], sizes = [1, 10240, 16], strides = [1, 1, 1]} : vector<2x10240x16xf32> to vector<1x10240x16xf32>
    %squeeze3A = vector.shape_cast %slice3A : vector<1x10240x16xf32> to vector<10240x16xf32>
    %slice3A_3 = vector.extract_strided_slice %get3A_2 {offsets = [1, 0, 0], sizes = [1, 10240, 16], strides = [1, 1, 1]} : vector<2x10240x16xf32> to vector<1x10240x16xf32>
    %squeeze3A_4 = vector.shape_cast %slice3A_3 : vector<1x10240x16xf32> to vector<10240x16xf32>
    %add3A = arith.addf %squeeze3A, %squeeze3A_4 : vector<10240x16xf32>
    %get3A_5 = arith.constant 0 : index
    %get3A_6 = arith.constant 0 : index
    %get3A_7 = vector.load %arg2[%get3A_5, %get3A_6] : memref<10240x1xf32, #tpu.memory_space<vmem>>, vector<10240x1xf32>
    %slice3A_8 = vector.extract_strided_slice %add3A {offsets = [0, 0], sizes = [10000, 16], strides = [1, 1]} : vector<10240x16xf32> to vector<10000x16xf32>
    %get3A_9 = arith.constant 0 : index
    %get3A_10 = arith.constant 0 : index
    %get3A_11 = vector.load %arg1[%get3A_9, %get3A_10] : memref<10240x16xf32, #tpu.memory_space<vmem>>, vector<10000x16xf32>
    %add3A_12 = arith.addf %slice3A_8, %get3A_11 : vector<10000x16xf32>
    %slice3A_13 = vector.extract_strided_slice %get3A_7 {offsets = [0, 0], sizes = [10000, 1], strides = [1, 1]} : vector<10240x1xf32> to vector<10000x1xf32>
    %mul3A = vector.broadcast %slice3A_13 : vector<10000x1xf32> to vector<10000x16xf32>
    %mul3A_14 = arith.mulf %add3A_12, %mul3A : vector<10000x16xf32>
    %get3A_15 = arith.constant 0 : index
    %get3A_16 = arith.constant 0 : index
    %get3A_17 = vector.load %arg3[%get3A_15, %get3A_16] : memref<1x16xf32, #tpu.memory_space<vmem>>, vector<1x16xf32>
    %add3A_18 = vector.broadcast %get3A_17 : vector<1x16xf32> to vector<10000x16xf32>
    %add3A_19 = arith.addf %mul3A_14, %add3A_18 : vector<10000x16xf32>
    %reduce_sum3A = arith.constant dense<0.000000e+00> : vector<16xf32>
    %reduce_sum3A_20 = vector.multi_reduction <add>, %add3A_19, %reduce_sum3A [0] : vector<10000x16xf32> to vector<16xf32>
    %broadcast_in_dim3A = vector.shape_cast %reduce_sum3A_20 : vector<16xf32> to vector<1x16xf32>
    %div3A = arith.constant 1.000000e+04 : f32
    %div3A_21 = vector.broadcast %div3A : f32 to vector<1x16xf32>
    %div3A_22 = arith.divf %broadcast_in_dim3A, %div3A_21 : vector<1x16xf32>
    %sub3A = vector.broadcast %div3A_22 : vector<1x16xf32> to vector<10000x16xf32>
    %sub3A_23 = arith.subf %add3A_19, %sub3A : vector<10000x16xf32>
    %mul3A_24 = arith.mulf %sub3A_23, %sub3A_23 : vector<10000x16xf32>
    %reduce_sum3A_25 = arith.constant dense<0.000000e+00> : vector<16xf32>
    %reduce_sum3A_26 = vector.multi_reduction <add>, %mul3A_24, %reduce_sum3A_25 [0] : vector<10000x16xf32> to vector<16xf32>
    %broadcast_in_dim3A_27 = vector.shape_cast %reduce_sum3A_26 : vector<16xf32> to vector<1x16xf32>
    %div3A_28 = arith.constant 1.000000e+04 : f32
    %div3A_29 = vector.broadcast %div3A_28 : f32 to vector<1x16xf32>
    %div3A_30 = arith.divf %broadcast_in_dim3A_27, %div3A_29 : vector<1x16xf32>
    %add3A_31 = arith.constant 9.99999974E-6 : f32
    %add3A_32 = vector.broadcast %add3A_31 : f32 to vector<1x16xf32>
    %add3A_33 = arith.addf %div3A_30, %add3A_32 : vector<1x16xf32>
    %rsqrt3A = math.rsqrt %add3A_33 : vector<1x16xf32>
    %mul3A_34 = vector.broadcast %rsqrt3A : vector<1x16xf32> to vector<10000x16xf32>
    %mul3A_35 = arith.mulf %sub3A_23, %mul3A_34 : vector<10000x16xf32>
    %get3A_36 = arith.constant 0 : index
    %get3A_37 = arith.constant 0 : index
    %get3A_38 = vector.load %arg4[%get3A_36, %get3A_37] : memref<1x16xf32, #tpu.memory_space<vmem>>, vector<1x16xf32>
    %mul3A_39 = vector.broadcast %get3A_38 : vector<1x16xf32> to vector<10000x16xf32>
    %mul3A_40 = arith.mulf %mul3A_35, %mul3A_39 : vector<10000x16xf32>
    %get3A_41 = arith.constant 0 : index
    %get3A_42 = arith.constant 0 : index
    %get3A_43 = vector.load %arg5[%get3A_41, %get3A_42] : memref<1x16xf32, #tpu.memory_space<vmem>>, vector<1x16xf32>
    %add3A_44 = vector.broadcast %get3A_43 : vector<1x16xf32> to vector<10000x16xf32>
    %add3A_45 = arith.addf %mul3A_40, %add3A_44 : vector<10000x16xf32>
    %max3A = arith.constant 0.000000e+00 : f32
    %max3A_46 = vector.broadcast %max3A : f32 to vector<10000x16xf32>
    %max3A_47 = arith.maximumf %add3A_45, %max3A_46 : vector<10000x16xf32>
    %get3A_48 = arith.constant 0 : index
    %get3A_49 = arith.constant 0 : index
    %get3A_50 = vector.load %arg6[%get3A_48, %get3A_49] : memref<16x16xf32, #tpu.memory_space<vmem>>, vector<16x16xf32>
    %dot_general3A = arith.constant dense<0.000000e+00> : vector<10000x16xf32>
    %dot_general3A_51 = tpu.matmul %max3A_47, %get3A_50, %dot_general3A {dimension_numbers = #tpu.dot_dimension_numbers<[1], [0], [0], [1], [0, 0, 1, 1], [], []>, transpose_lhs_hint = false} : vector<10000x16xf32>, vector<16x16xf32>, vector<10000x16xf32> -> vector<10000x16xf32>
    %slice3A_52 = vector.extract_strided_slice %get3A_7 {offsets = [0, 0], sizes = [10000, 1], strides = [1, 1]} : vector<10240x1xf32> to vector<10000x1xf32>
    %mul3A_53 = vector.broadcast %slice3A_52 : vector<10000x1xf32> to vector<10000x16xf32>
    %mul3A_54 = arith.mulf %dot_general3A_51, %mul3A_53 : vector<10000x16xf32>
    %swap3A = arith.constant 0 : index
    %swap3A_55 = arith.constant 0 : index
    %swap3A_56 = vector.load %arg7[%swap3A, %swap3A_55] : memref<10240x16xf32, #tpu.memory_space<vmem>>, vector<10000x16xf32>
    tpu.vector_store %arg7[%swap3A, %swap3A_55], %mul3A_54 {strides = array<i32>} : memref<10240x16xf32, #tpu.memory_space<vmem>>, vector<10000x16xf32>,
    %broadcast_in_dim3A_57 = arith.constant 0.000000e+00 : f32
    %broadcast_in_dim3A_58 = vector.broadcast %broadcast_in_dim3A_57 : f32 to vector<240x16xf32>
    %swap3A_59 = arith.constant 10000 : index
    %swap3A_60 = arith.constant 0 : index
    %swap3A_61 = vector.load %arg7[%swap3A_59, %swap3A_60] : memref<10240x16xf32, #tpu.memory_space<vmem>>, vector<240x16xf32>
    tpu.vector_store %arg7[%swap3A_59, %swap3A_60], %broadcast_in_dim3A_58 {strides = array<i32>} : memref<10240x16xf32, #tpu.memory_space<vmem>>, vector<240x16xf32>,
    return
  }
}

module attributes {stable_mosaic.version = 14 : i64} {
  func.func @_tc_out_body(%arg0: memref<2x10240x16xf32, #tpu.memory_space<vmem>>, %arg1: memref<10240x16xf32, #tpu.memory_space<vmem>>, %arg2: memref<10240x1xf32, #tpu.memory_space<vmem>>, %arg3: memref<1x16xf32, #tpu.memory_space<vmem>>, %arg4: memref<1x10000xi32, #tpu.memory_space<vmem>>, %arg5: memref<64x10xf32, #tpu.memory_space<vmem>>) attributes {dimension_semantics = [], scalar_prefetch = 0 : i64, scratch_operands = 0 : i64, tpu.core_type = #tpu.core_type<tc>} {
    %get3A = arith.constant 0 : index
    %get3A_0 = arith.constant 0 : index
    %get3A_1 = arith.constant 0 : index
    %get3A_2 = vector.load %arg0[%get3A, %get3A_0, %get3A_1] : memref<2x10240x16xf32, #tpu.memory_space<vmem>>, vector<2x10240x16xf32>
    %slice3A = vector.extract_strided_slice %get3A_2 {offsets = [0, 0, 0], sizes = [1, 10240, 16], strides = [1, 1, 1]} : vector<2x10240x16xf32> to vector<1x10240x16xf32>
    %squeeze3A = vector.shape_cast %slice3A : vector<1x10240x16xf32> to vector<10240x16xf32>
    %slice3A_3 = vector.extract_strided_slice %get3A_2 {offsets = [1, 0, 0], sizes = [1, 10240, 16], strides = [1, 1, 1]} : vector<2x10240x16xf32> to vector<1x10240x16xf32>
    %squeeze3A_4 = vector.shape_cast %slice3A_3 : vector<1x10240x16xf32> to vector<10240x16xf32>
    %add3A = arith.addf %squeeze3A, %squeeze3A_4 : vector<10240x16xf32>
    %slice3A_5 = vector.extract_strided_slice %add3A {offsets = [0, 0], sizes = [10000, 16], strides = [1, 1]} : vector<10240x16xf32> to vector<10000x16xf32>
    %get3A_6 = arith.constant 0 : index
    %get3A_7 = arith.constant 0 : index
    %get3A_8 = vector.load %arg1[%get3A_6, %get3A_7] : memref<10240x16xf32, #tpu.memory_space<vmem>>, vector<10000x16xf32>
    %add3A_9 = arith.addf %slice3A_5, %get3A_8 : vector<10000x16xf32>
    %get3A_10 = arith.constant 0 : index
    %get3A_11 = arith.constant 0 : index
    %get3A_12 = vector.load %arg2[%get3A_10, %get3A_11] : memref<10240x1xf32, #tpu.memory_space<vmem>>, vector<10240x1xf32>
    %slice3A_13 = vector.extract_strided_slice %get3A_12 {offsets = [0, 0], sizes = [10000, 1], strides = [1, 1]} : vector<10240x1xf32> to vector<10000x1xf32>
    %mul3A = vector.broadcast %slice3A_13 : vector<10000x1xf32> to vector<10000x16xf32>
    %mul3A_14 = arith.mulf %add3A_9, %mul3A : vector<10000x16xf32>
    %get3A_15 = arith.constant 0 : index
    %get3A_16 = arith.constant 0 : index
    %get3A_17 = vector.load %arg3[%get3A_15, %get3A_16] : memref<1x16xf32, #tpu.memory_space<vmem>>, vector<1x16xf32>
    %add3A_18 = vector.broadcast %get3A_17 : vector<1x16xf32> to vector<10000x16xf32>
    %add3A_19 = arith.addf %mul3A_14, %add3A_18 : vector<10000x16xf32>
    %get3A_20 = arith.constant 0 : index
    %get3A_21 = arith.constant 0 : index
    %get3A_22 = vector.load %arg4[%get3A_20, %get3A_21] : memref<1x10000xi32, #tpu.memory_space<vmem>>, vector<1x10000xi32>
    %iota3A = tpu.iota {dimensions = array<i32: 0>} : vector<64x10000xi32>
    %eq3A = vector.broadcast %get3A_22 : vector<1x10000xi32> to vector<64x10000xi32>
    %eq3A_23 = arith.cmpi eq, %iota3A, %eq3A : vector<64x10000xi32>
    %convert_element_type3A = arith.extui %eq3A_23 : vector<64x10000xi1> to vector<64x10000xi32>
    %convert_element_type3A_24 = arith.sitofp %convert_element_type3A : vector<64x10000xi32> to vector<64x10000xf32>
    %dot_general3A = arith.constant dense<0.000000e+00> : vector<64x16xf32>
    %dot_general3A_25 = tpu.matmul %convert_element_type3A_24, %add3A_19, %dot_general3A {dimension_numbers = #tpu.dot_dimension_numbers<[1], [0], [0], [1], [0, 0, 1, 1], [], []>, transpose_lhs_hint = false} : vector<64x10000xf32>, vector<10000x16xf32>, vector<64x16xf32> -> vector<64x16xf32>
    %reduce_sum3A = arith.constant dense<0.000000e+00> : vector<64xf32>
    %reduce_sum3A_26 = vector.multi_reduction <add>, %convert_element_type3A_24, %reduce_sum3A [1] : vector<64x10000xf32> to vector<64xf32>
    %broadcast_in_dim3A = vector.shape_cast %reduce_sum3A_26 : vector<64xf32> to vector<64x1xf32>
    %max3A = arith.constant 1.000000e+00 : f32
    %max3A_27 = vector.broadcast %max3A : f32 to vector<64x1xf32>
    %max3A_28 = arith.maximumf %broadcast_in_dim3A, %max3A_27 : vector<64x1xf32>
    %div3A = vector.broadcast %max3A_28 : vector<64x1xf32> to vector<64x16xf32>
    %div3A_29 = arith.divf %dot_general3A_25, %div3A : vector<64x16xf32>
    %slice3A_30 = vector.extract_strided_slice %div3A_29 {offsets = [0, 0], sizes = [64, 10], strides = [1, 1]} : vector<64x16xf32> to vector<64x10xf32>
    %swap3A = arith.constant 0 : index
    %swap3A_31 = arith.constant 0 : index
    %swap3A_32 = vector.load %arg5[%swap3A, %swap3A_31] : memref<64x10xf32, #tpu.memory_space<vmem>>, vector<64x10xf32>
    tpu.vector_store %arg5[%swap3A, %swap3A_31], %slice3A_30 {strides = array<i32>} : memref<64x10xf32, #tpu.memory_space<vmem>>, vector<64x10xf32>,
    return
  }
}

</mosaic_0001>

<sc_bundles>
// kernel: kernel.10.cloned.1.call-start
scs
__scs_entry_jumppad:
0x0: {  	(pc) =	sbr.rel $0x88, $3  }
0x1: {  	(tag) =	ssettag $0x0;
	lr =	simm.s32 $0x1  }
0x2: {  	[smem:$0x3F94] =	sst lr;
	_ =	strace $0xD0000000  }
0x3: {  	_ = 	snop  }
0x4: {  	_ = 	snop  }
0x5: {  	_ = 	snop  }
0x6: {  	_ = 	snop  }
0x7: {  	_ = 	snop  }
__scs_overlays_trampoline_lowered:
0x8: {  	[smem:$0x3FA3] =	sst s0  }
0x9: {  	[smem:$0x3FA4] =	sst s1  }
0xa: {  	[smem:$0x3FA5] =	sst s2  }
0xb: {  	[smem:$0x3FA6] =	sst s3  }
0xc: {  	[smem:$0x3FA7] =	sst s4  }
0xd: {  	[smem:$0x3FA8] =	sst s5  }
0xe: {  	[smem:$0x3FA9] =	sst s6  }
0xf: {  	[smem:$0x3FAA] =	sst s7  }
0x10: {  	[smem:$0x3FAB] =	sst s8  }
0x11: {  	[smem:$0x3FAC] =	sst s9;
	s0 =	simm.s32 @!p0 $0x0  }
0x12: {  	s1 =	sld [smem:$0x3F92];
	s0 =	simm.s32 @p0 $0x1  }
0x13: {  	[smem:$0x3FAD] =	sst s0;
	s0 =	simm.s32 @!p1 $0x0  }
0x14: {  	s2 =	sld [smem:$0x3F91];
	s0 =	simm.s32 @p1 $0x1  }
0x15: {  	[smem:$0x3FAE] =	sst s0;
	s0 =	simm.s32 @!p2 $0x0  }
0x16: {  	s3 =	sld [smem:$0x3FDB];
	s0 =	simm.s32 @p2 $0x1  }
0x17: {  	s4 =	simm.s32 $0x1BF5;
	[smem:$0x3FB0] =	sst s0  }
0x18: {  	s0 =	sld [smem:$0x3F93];
	_ =	swait.ge [sflag:s4], $0x0  }
0x19: {  	s7 =	sld [smem:$0x3F94]  }
0x1a: {  	s8 =	sadd.s32 $0xFFFFE003, lr  }
0x1b: {  	s9 =	sadd.s32 $0xFFFFFEF7, lr;
	s5 =	simm.s32 $0xFFFFFFFF;
	p2 =	slt.u32 s8, $0xFFFFF086  }
0x1c: {  	p1 =	slt.u32 s9, $0xF7A;
	s5 =	simm.s32 @!p2 $0x0  }
0x1d: {  	s5 =	simm.s32 @p1 $0x1;
	p0 =	seq.s32 s7, s2  }
0x1e: {  	s7 =	smul.u32 @!p0 $0xF7A, s2;
	p2 =	seq.s32 @!p0 s5, $0x0  }
0x1f: {  	s9 =	smul.u32 $0xF7A, s1;
	s8 =	simm.s32 @!p0 $0x1BF5;
	p2 =	por !p2, p0  }
0x20: {  	[sflag:s8] =	ssyncset.s32 @!p0 $0xFFFFF086;
	s6 =	sadd.s32 @!p0 s3, s7;
	s7 =	simm.s32 @!p0 $0x108  }
0x21: {  	s3 =	sadd.s32 s3, s9;
	s6 =	sadd.s32 @!p0 $0x88, s6;
	s7 =	simm.s32 @p2 $0x1082  }
0x22: {  	[simem:s7], [sflag:s8] =	dma.local @!p0 [hbm:s6], $0xF7A  }
0x23: {  	s9 =	sor.u32 $0xD0000000, s2;
	s6 =	simm.s32 $0x108;
	_ =	swait.ge @!p0 [sflag:s8], $0x0  }
0x24: {  	s3 =	sadd.s32 $0x88, s3;
	s6 =	simm.s32 @!p1 $0x1082;
	[sflag:s4] =	ssyncset.s32 $0xFFFFF086  }
0x25: {  	[simem:s6], [sflag:s4] =	dma.local [hbm:s3], $0xF7A  }
0x26: {  	[smem:$0x3F94] =	sst s1;
	(tag) =	ssettag s2;
	_ =	strace s9  }
0x27: {  	s1 =	sld [smem:$0x3FA4]  }
0x28: {  	s2 =	sld [smem:$0x3FA5]  }
0x29: {  	s4 =	sld [smem:$0x3FA7]  }
0x2a: {  	p0 =	seq.s32 s5, $0x0;
	s5 =	sld [smem:$0x3FA8]  }
0x2b: {  	s6 =	sld [smem:$0x3FA9]  }
0x2c: {  	s7 =	sld [smem:$0x3FAA]  }
0x2d: {  	s3 =	simm.s32 $0x108;
	s8 =	sld [smem:$0x3FAB]  }
0x2e: {  	s3 =	simm.s32 @!p0 $0x1082;
	s9 =	sld [smem:$0x3FAC]  }
0x2f: {  	lr =	sadd.s32 s0, s3;
	s0 =	sld [smem:$0x3FA3]  }
0x30: {  	s3 =	sld [smem:$0x3FA6]  }
0x31: {  	[smem:$0x3FAF] =	sst s10  }
0x32: {  	s10 =	sld [smem:$0x3FAD];
	_ =	sdelay $0x3  }
0x33: {  	p0 =	seq.s32 s10, $0x1;
	s10 =	sld [smem:$0x3FAF];
	_ =	sdelay $0x3  }
0x34: {  	[smem:$0x3FAF] =	sst s10  }
0x35: {  	s10 =	sld [smem:$0x3FAE];
	_ =	sdelay $0x3  }
0x36: {  	p1 =	seq.s32 s10, $0x1;
	s10 =	sld [smem:$0x3FAF];
	_ =	sdelay $0x3  }
0x37: {  	[smem:$0x3FAF] =	sst s10  }
0x38: {  	s10 =	sld [smem:$0x3FB0]  }
0x39: {  	_ = 	snop;
	(pc) =	sbr.ind lr, $3  }
0x3a: {  	_ = 	snop  }
0x3b: {  	_ = 	snop  }
0x3c: {  	p2 =	seq.s32 s10, $0x1;
	s10 =	sld [smem:$0x3FAF]  }
0x3d: {  	_ =	shalt  }
0x3e: {  	_ =	shalt  }
0x3f: {  	_ =	shalt  }
0x40: {  	_ =	shalt  }
0x41: {  	_ =	shalt  }
0x42: {  	_ =	shalt  }
0x43: {  	_ =	shalt  }
0x44: {  	_ =	shalt  }
0x45: {  	_ =	shalt  }
0x46: {  	_ =	shalt  }
0x47: {  	_ =	shalt  }
0x48: {  	_ =	shalt  }
0x49: {  	_ =	shalt  }
0x4a: {  	_ =	shalt  }
0x4b: {  	_ =	shalt  }
0x4c: {  	_ =	shalt  }
0x4d: {  	_ =	shalt  }
0x4e: {  	_ =	shalt  }
0x4f: {  	_ =	shalt  }
0x50: {  	_ =	shalt  }
0x51: {  	_ =	shalt  }
0x52: {  	_ =	shalt  }
0x53: {  	_ =	shalt  }
0x54: {  	_ =	shalt  }
0x55: {  	_ =	shalt  }
0x56: {  	_ =	shalt  }
0x57: {  	_ =	shalt  }
0x58: {  	_ =	shalt  }
0x59: {  	_ =	shalt  }
0x5a: {  	_ =	shalt  }
0x5b: {  	_ =	shalt  }
0x5c: {  	_ =	shalt  }
0x5d: {  	_ =	shalt  }
0x5e: {  	_ =	shalt  }
0x5f: {  	_ =	shalt  }
0x60: {  	_ =	shalt  }
0x61: {  	_ =	shalt  }
0x62: {  	_ =	shalt  }
0x63: {  	_ =	shalt  }
0x64: {  	_ =	shalt  }
0x65: {  	_ =	shalt  }
0x66: {  	_ =	shalt  }
0x67: {  	_ =	shalt  }
0x68: {  	_ =	shalt  }
0x69: {  	_ =	shalt  }
0x6a: {  	_ =	shalt  }
0x6b: {  	_ =	shalt  }
0x6c: {  	_ =	shalt  }
0x6d: {  	_ =	shalt  }
0x6e: {  	_ =	shalt  }
0x6f: {  	_ =	shalt  }
0x70: {  	_ =	shalt  }
0x71: {  	_ =	shalt  }
0x72: {  	_ =	shalt  }
0x73: {  	_ =	shalt  }
0x74: {  	_ =	shalt  }
0x75: {  	_ =	shalt  }
0x76: {  	_ =	shalt  }
0x77: {  	_ =	shalt  }
0x78: {  	_ =	shalt  }
0x79: {  	_ =	shalt  }
0x7a: {  	_ =	shalt  }
0x7b: {  	_ =	shalt  }
0x7c: {  	_ =	shalt  }
0x7d: {  	_ =	shalt  }
0x7e: {  	_ =	shalt  }
0x7f: {  	_ =	shalt  }
0x80: {  	_ =	shalt  }
0x81: {  	_ =	shalt  }
0x82: {  	_ =	shalt  }
0x83: {  	_ =	shalt  }
0x84: {  	_ =	shalt  }
0x85: {  	_ =	shalt  }
0x86: {  	_ =	shalt  }
0x87: {  	_ =	shalt  }
.Lfunc_end0:
.L_simem_size_0:
called_computation_lowered:
.L_overlay_start_0:
0x88: {  	s2 =	sld [smem:$0x3FD9]  }
0x89: {  	s3 =	sld [smem:$0x3FFE];
	_ =	sdelay $0x1  }
0x8a: {  	s1 =	srdreg.scid  }
0x8b: {  	s0 =	sand.u32 $0x1, s1  }
0x8c: {  	s16 =	sshll.u32 s0, $0xA;
	s2 =	sadd.s32 s3, s2  }
0x8d: {  	s2 =	sadd.s32 s2, s16  }
0x8e: {  	[smem:$0x3FBB] =	sst s2  }
0x8f: {  	_ = 	snop  }
0x90: {  	(tm) =	ssettm $0x1  }
0x91: {  	s17 =	sld [smem:$0x3FFB];
	_ =	sdelay $0x3  }
0x92: {  	_ =	strace s17  }
0x93: {  	s2 =	sld [smem:$0x3FFC];
	_ =	sdelay $0x3  }
0x94: {  	_ =	strace s2  }
0x95: {  	s2 =	sld [smem:$0x3FFD];
	_ =	sdelay $0x3  }
0x96: {  	_ =	strace s2  }
0x97: {  	_ =	strace $0x8FFFFFFF  }
0x98: {  	s18 =	sld [smem:$0x3FDB];
	_ =	sdelay $0x1  }
0x99: {  	s19 =	simm.s32 $_scs_section_size  }
0x9a: {  	s4 =	simm.s32 $_size__tile_overlayer_lowered;
	s5 =	simm.s32 $_tile_overlayer_lowered  }
0x9b: {  	s22 =	simm.s32 $0x1BFF;
	s21 =	sshll.u32 s5, $0x1;
	s2 =	sadd.s32 s19, s18  }
0x9c: {  	s6 =	simm.s32 $0x0;
	s20 =	sshll.u32 s4, $0x1;
	s4 =	sadd.s32 s21, s2  }
0x9d: {  	[timem:s6], [sflag:s22] =	dma.local [hbm:s4], s20  }
0x9e: {  	_ =	swait.ge [sflag:s22], s20  }
0x9f: {  	s3 =	ssub.s32 $0x0, s20;
	[sflag:s22] =	ssyncset.done $0x0  }
0xa0: {  	[sflag:s22] =	ssyncadd.s32 s3;
	_ =	sdelay $0x1  }
0xa1: {  	s23 =	simm.s32 $0x1B8B  }
0xa2: {  	_ =	swait.ge [sflag:s23], $0x1  }
0xa3: {  	[sflag:s23] =	ssyncset.done $0x0  }
0xa4: {  	s25 =	simm.s32 $0x1B8E;
	s24 =	sld [smem:$0x3FFE];
	[sflag:s23] =	ssyncadd.s32 $0xFFFFFFFF  }
0xa5: {  	s26 =	simm.s32 $execute0_lowered;
	[smem:$0x3FD2] =	sst s25  }
0xa6: {  	s4 =	sshll.u32 s26, $0x1;
	_ =	strace $0x80000046;
	[dreg:$0x1] =	wrdreg $0xFFFFFFFF  }
0xa7: {  	s28 =	simm.s32 $_size_execute0_lowered;
	s2 =	sadd.s32 s2, s4;
	[dreg:$0x0] =	wrdreg $0x0  }
0xa8: {  	s4 =	sshll.u32 s28, $0x1;
	[dreg:$0x2] =	wrdreg s2  }
0xa9: {  	[dreg:$0x3] =	wrdreg s4  }
0xaa: {  	[dreg:$0x4] =	wrdreg $0xC0  }
0xab: {  	_ =	task [dreg:s6], $0x5FFFF  }
0xac: {  	[dreg:$0x1] =	wrdreg $0xFFFFFFFF  }
0xad: {  	[dreg:$0x0] =	wrdreg $0x60  }
0xae: {  	[dreg:$0x2] =	wrdreg s24  }
0xaf: {  	[dreg:$0x3] =	wrdreg $0x31600  }
0xb0: {  	[dreg:$0x4] =	wrdreg $0x9  }
0xb1: {  	_ =	task.clear_ibuf [dreg:s6], $0x5FFFF;
	_ =	strace $0x90000046  }
0xb2: {  	s29 =	simm.s32 $0x9;
	_ =	strace $0x80000048  }
0xb3: {  	_ =	swait.ge [sflag:s29], $0x1  }
0xb4: {  	[sflag:s29] =	ssyncadd.s32 $0xFFFFFFFF  }
0xb5: {  	_ =	strace $0x90000048  }
0xb6: {  	_ =	sfence  }
0xb7: {  	s30 =	sld [smem:$0x0];
	_ =	sdelay $0x2  }
0xb8: {  	s31 =	sshll.u32 s1, $0xD;
	s1 =	sshrl.u32 s1, $0x2  }
0xb9: {  	s3 =	sand.u32 $0x4000, s31;
	s1 =	sadd.s32 s1, s30  }
0xba: {  	s0 =	sor.u32 s3, s0;
	s1 =	sshll.u32 s1, $0x11  }
0xbb: {  	s0 =	sor.u32 s1, s0  }
0xbc: {  	s0 =	sadd.s32 $0x8F2B, s0  }
0xbd: {  	[sflag:s0] =	ssyncadd.remote.s32 $0x1  }
0xbe: {  	_ =	sfence.sel $0xFFFF  }
0xbf: {  	[dreg:$0x0] =	wrdreg $0xFFFFFFFF;
	(pc) =	sbr.abs _section_cstart, $3  }
0xc0: {  	[dreg:$0x1] =	wrdreg $0xFFFFFFFF  }
0xc1: {  	_ =	task.clear_ibuf [dreg:s6], $0x2FFFF;
	_ =	strace $0x9FFFFFFF  }
0xc2: {  	(tm) =	ssettm $0x7FFFFFFF  }
0xc3: {  	_ =	shalt  }
tec
execute0_lowered:
.L_overlay_start_1:
0x0: {  	(tag) =	ssettag $0x1  }
0x1: {  	s0 =	srdreg.scid;
	s4 =	rddreg [dreg:$0x0]  }
0x2: {  	s2 =	rddreg [dreg:$0x1];
	s1 =	stileid.u32;
	s3 =	simm.s32 $0x0  }
0x3: {  	s11 =	simm.s32 $0x2EE0;
	s12 =	simm.s32 $0x1;
	s13 =	simm.s32 $0x7D0  }
0x4: {  	s14 =	simm.s32 $0xFA0;
	s15 =	simm.s32 $0x1770;
	s16 =	simm.s32 $0x1F40  }
0x5: {  	s17 =	simm.s32 $0x2710;
	s5 =	sand.u32 $0x1, s0;
	s0 =	rddreg [dreg:$0x2]  }
0x6: {  	s21 =	simm.s32 $0x0;
	[smem:$0x7FF] =	sst s3;
	s9 =	smul.u32 $0x280, s1  }
0x7: {  	s31 =	sshll.u32 s1, $0x6;
	s6 =	sshll.u32 s5, $0x4;
	s7 =	smul.u32 $0x500, s5  }
0x8: {  	_ =	strace $0x80000047;
	s5 =	ssub.s32 $0x2, s5;
	s6 =	sor.u32 s1, s6  }
0x9: {  	s8 =	sshrl.u32 s5, $0x1;
	s6 =	smul.u32 $0x2710, s6;
	s30 =	sadd.s32 s7, s4  }
0xa: {  	s19 =	sshrl.u32 s9, $0x3;
	s5 =	ssub.s32 s5, s8;
	s18 =	sadd.s32 $0x16400, s30  }
0xb: {  	s5 =	smax.u32 s5, $0x1;
	s6 =	sshrl.u32 s6, $0x3;
	s18 =	sadd.s32 s19, s18  }
0xc: {  	s19 =	sor.u32 $0x1C01, s31;
	s10 =	sadd.s32 s6, s4;
	s4 =	sadd.s32 s9, s2  }
0xd: {  	s6 =	sadd.s32 $0xC600, s10;
	s7 =	sadd.s32 $0xC6FA, s10;
	s8 =	sadd.s32 $0xC7F4, s10  }
0xe: {  	v0 =	vimm.f32 $1.000000000e+00;
	v1 =	vimm.f32 $0.0e+00;
	s9 =	sadd.s32 $0xC8EE, s10;
	s10 =	sadd.s32 $0xC9E8, s10;
	s20 =	sshrl.u32 s4, $0x3  }
.LBB2_1:
0xf: {  	s22 =	simm.s32 $0x40;
	s23 =	simm.s32 $0x0  }
.LBB2_2:
0x10: {  	p0 =	sne.s32 s22, $0x1F00;
	[tilespmem:s23+$0x2710] =	vst v0;
	s23 =	smov.u32 s22;
	s22 =	sadd.s32 $0x40, s22  }
.Ltmp0:
0x11: {  	(pc) =	sbr.rel @p0 .LBB2_2-.Ltmp0, $2  }
0x12: {  	_ =	sdelay $0x2  }
0x13: {  	s23 =	sshra.s32 s23, $0x2  }
0x14: {  	[tilespmem:s23+$0x2710] =	vst v0  }
0x15: {  	[tilespmem:$0x2EE0] =	vst v1  }
0x16: {  	[tilespmem:$0x2EF0] =	vst v1  }
0x17: {  	[tilespmem:$0x2F00] =	vst v1  }
0x18: {  	[tilespmem:$0x2F10] =	vst v1  }
0x19: {  	[tilespmem:$0x2F20] =	vst v1  }
0x1a: {  	[tilespmem:$0x2F30] =	vst v1  }
0x1b: {  	[tilespmem:$0x2F40] =	vst v1  }
0x1c: {  	[tilespmem:$0x2F50] =	vst v1  }
0x1d: {  	[tilespmem:$0x2F60] =	vst v1  }
0x1e: {  	[tilespmem:$0x2F70] =	vst v1  }
0x1f: {  	[tilespmem:$0x2F80] =	vst v1  }
0x20: {  	[tilespmem:$0x2F90] =	vst v1  }
0x21: {  	[tilespmem:$0x2FA0] =	vst v1  }
0x22: {  	[tilespmem:$0x2FB0] =	vst v1  }
0x23: {  	[tilespmem:$0x2FC0] =	vst v1  }
0x24: {  	[tilespmem:$0x2FD0] =	vst v1  }
0x25: {  	[tilespmem:$0x2FE0] =	vst v1  }
0x26: {  	[tilespmem:$0x2FF0] =	vst v1  }
0x27: {  	[tilespmem:$0x3000] =	vst v1  }
0x28: {  	[tilespmem:$0x3010] =	vst v1  }
0x29: {  	[tilespmem:$0x3020] =	vst v1  }
0x2a: {  	[tilespmem:$0x3030] =	vst v1  }
0x2b: {  	[tilespmem:$0x3040] =	vst v1  }
0x2c: {  	[tilespmem:$0x3050] =	vst v1  }
0x2d: {  	[tilespmem:$0x3060] =	vst v1  }
0x2e: {  	[tilespmem:$0x3070] =	vst v1  }
0x2f: {  	[tilespmem:$0x3080] =	vst v1  }
0x30: {  	[tilespmem:$0x3090] =	vst v1  }
0x31: {  	[tilespmem:$0x30A0] =	vst v1  }
0x32: {  	[tilespmem:$0x30B0] =	vst v1  }
0x33: {  	[tilespmem:$0x30C0] =	vst v1  }
0x34: {  	[tilespmem:$0x30D0] =	vst v1  }
0x35: {  	[tilespmem:$0x30E0] =	vst v1  }
0x36: {  	[tilespmem:$0x30F0] =	vst v1  }
0x37: {  	[tilespmem:$0x3100] =	vst v1  }
0x38: {  	[tilespmem:$0x3110] =	vst v1  }
0x39: {  	[tilespmem:$0x3120] =	vst v1  }
0x3a: {  	[tilespmem:$0x3130] =	vst v1  }
0x3b: {  	[tilespmem:$0x3140] =	vst v1  }
0x3c: {  	[tilespmem:$0x3150] =	vst v1  }
0x3d: {  	[spmem:s4] =	stream.linear.scatter [tilespmem:s11], [sflag:$0x1], $0x280, $0x38;
	[tilespmem:$0x33E0] =	vst v63  }
0x3e: {  	_ =	swait.ge [sflag:s12], $0x280  }
0x3f: {  	[sflag:s12] =	ssyncset.done $0x0  }
0x40: {  	[sflag:s12] =	ssyncadd.s32 $0xFFFFFD80  }
0x41: {  	[tilespmem:s3], [sflag:$0x1] =	stream.linear.gather [hbm4b:s6+s3], $0x7D0, $0x38;
	[tilespmem:$0x33E0] =	vst v63  }
0x42: {  	_ =	swait.ge [sflag:s12], $0x7D0  }
0x43: {  	[sflag:s12] =	ssyncset.done $0x0  }
0x44: {  	[sflag:s12] =	ssyncadd.s32 $0xFFFFF830  }
0x45: {  	[tilespmem:s13], [sflag:$0x1] =	stream.linear.gather [hbm4b:s7+s3], $0x7D0, $0x38;
	[tilespmem:$0x33E0] =	vst v63  }
0x46: {  	_ =	swait.ge [sflag:s12], $0x7D0  }
0x47: {  	[sflag:s12] =	ssyncset.done $0x0  }
0x48: {  	[sflag:s12] =	ssyncadd.s32 $0xFFFFF830  }
0x49: {  	[tilespmem:s14], [sflag:$0x1] =	stream.linear.gather [hbm4b:s8+s3], $0x7D0, $0x38;
	[tilespmem:$0x33E0] =	vst v63  }
0x4a: {  	_ =	swait.ge [sflag:s12], $0x7D0  }
0x4b: {  	[sflag:s12] =	ssyncset.done $0x0  }
0x4c: {  	[sflag:s12] =	ssyncadd.s32 $0xFFFFF830  }
0x4d: {  	[tilespmem:s15], [sflag:$0x1] =	stream.linear.gather [hbm4b:s9+s3], $0x7D0, $0x38;
	[tilespmem:$0x33E0] =	vst v63  }
0x4e: {  	_ =	swait.ge [sflag:s12], $0x7D0  }
0x4f: {  	[sflag:s12] =	ssyncset.done $0x0  }
0x50: {  	[sflag:s12] =	ssyncadd.s32 $0xFFFFF830  }
0x51: {  	[tilespmem:s16], [sflag:$0x1] =	stream.linear.gather [hbm4b:s10+s3], $0x7D0, $0x38;
	[tilespmem:$0x33E0] =	vst v63  }
0x52: {  	_ =	swait.ge [sflag:s12], $0x7D0  }
0x53: {  	[sflag:s12] =	ssyncset.done $0x0  }
0x54: {  	[sflag:s12] =	ssyncadd.s32 $0xFFFFF830  }
0x55: {  	[bflag:$0x0] =	sbarrier.arrive $0xFFFF  }
0x56: {  	[spmem:s2] =	stream.indirect.scatter.add.f32 [tilespmem:s17], [sflag:$0x1], $0x1, s3, s13, $0xb8;
	[tilespmem:$0x33E0] =	vst v63  }
0x57: {  	_ =	swait.ge [sflag:s12], $0x7D0  }
0x58: {  	[sflag:s12] =	ssyncset.done $0x0  }
0x59: {  	[sflag:s12] =	ssyncadd.s32 $0xFFFFF830  }
0x5a: {  	[spmem:s2] =	stream.indirect.scatter.add.f32 [tilespmem:s17], [sflag:$0x1], $0x1, s13, s13, $0xb8;
	[tilespmem:$0x33E0] =	vst v63  }
0x5b: {  	_ =	swait.ge [sflag:s12], $0x7D0  }
0x5c: {  	[sflag:s12] =	ssyncset.done $0x0  }
0x5d: {  	[sflag:s12] =	ssyncadd.s32 $0xFFFFF830  }
0x5e: {  	[spmem:s2] =	stream.indirect.scatter.add.f32 [tilespmem:s17], [sflag:$0x1], $0x1, s14, s13, $0xb8;
	[tilespmem:$0x33E0] =	vst v63  }
0x5f: {  	_ =	swait.ge [sflag:s12], $0x7D0  }
0x60: {  	[sflag:s12] =	ssyncset.done $0x0  }
0x61: {  	[sflag:s12] =	ssyncadd.s32 $0xFFFFF830  }
0x62: {  	[spmem:s2] =	stream.indirect.scatter.add.f32 [tilespmem:s17], [sflag:$0x1], $0x1, s15, s13, $0xb8;
	[tilespmem:$0x33E0] =	vst v63  }
0x63: {  	_ =	swait.ge [sflag:s12], $0x7D0  }
0x64: {  	[sflag:s12] =	ssyncset.done $0x0  }
0x65: {  	[sflag:s12] =	ssyncadd.s32 $0xFFFFF830  }
0x66: {  	[spmem:s2] =	stream.indirect.scatter.add.f32 [tilespmem:s17], [sflag:$0x1], $0x1, s16, s13, $0xb8;
	[tilespmem:$0x33E0] =	vst v63  }
0x67: {  	_ =	swait.ge [sflag:s12], $0x7D0  }
0x68: {  	s21 =	sadd.s32 $0x1, s21;
	[sflag:s12] =	ssyncset.done $0x0  }
0x69: {  	p0 =	sne.s32 s21, s5;
	[sflag:s12] =	ssyncadd.s32 $0xFFFFF830  }
.Ltmp1:
0x6a: {  	[bflag:$0x0] =	sbarrier.arrive $0xFFFF;
	(pc) =	sbr.rel @p0 .LBB2_1-.Ltmp1, $4  }
0x6b: {  	[hbm:s18], [sflag:s19] =	dma.local [spmem:s20], $0x50  }
0x6c: {  	_ =	swait.ge [sflag:s12], $0x50  }
0x6d: {  	[sflag:s12] =	ssyncset.done $0x0  }
0x6e: {  	[sflag:s12] =	ssyncadd.s32 $0xFFFFFFB0  }
0x6f: {  	_ =	sfence.sel $0x180000  }
0x70: {  	[bflag:$0x0] =	sbarrier.arrive $0xFFFF  }
0x71: {  	p0 =	sne.s32 s1, $0x0;
	_ =	strace $0x90000047  }
0x72: {  	s0 =	sadd.s32 @!p0 $0x100000, s0;
	[bflag:$0x2] =	sbarrier.arrive $0xFFFF  }
0x73: {  	[sflag:s0] =	ssyncadd.tile.s32 @!p0 $0x1;
	_ =	shalt  }
.Lfunc_end2:
_tile_overlayer_lowered:
.L_overlay_start_2:
0x74: {  	(tag) =	ssettag $0x2  }
0x75: {  	s0 =	rddreg [dreg:$0x0];
	s2 =	stileid.u32  }
0x76: {  	s1 =	rddreg [dreg:$0x1];
	p0 =	sne.s32 s2, $0x0  }
0x77: {  	s3 =	rddreg [dreg:$0x2];
	[bflag:$0x3] =	sbarrier.arrive $0xFFFF;
	s2 =	simm.s32 @!p0 $0x1C01  }
0x78: {  	[timem:s3], [sflag:s2] =	dma.local @!p0 [hbm:s0], s1  }
0x79: {  	s0 =	simm.s32 @!p0 $0x1  }
0x7a: {  	_ =	swait.ge @!p0 [sflag:s0], s1  }
0x7b: {  	s1 =	ssub.s32 @!p0 $0x0, s1;
	[sflag:s0] =	ssyncset.done @!p0 $0x0  }
0x7c: {  	[sflag:s0] =	ssyncadd.s32 @!p0 s1  }
0x7d: {  	[bflag:$0x3] =	sbarrier.arrive $0xFFFF  }
0x7e: {  	_ =	shalt  }

// kernel: kernel.13.cloned.1.call-start
scs
__scs_entry_jumppad:
0x0: {  	(pc) =	sbr.rel $0x88, $3  }
0x1: {  	(tag) =	ssettag $0x0;
	lr =	simm.s32 $0x1  }
0x2: {  	[smem:$0x3F94] =	sst lr;
	_ =	strace $0xD0000000  }
0x3: {  	_ = 	snop  }
0x4: {  	_ = 	snop  }
0x5: {  	_ = 	snop  }
0x6: {  	_ = 	snop  }
0x7: {  	_ = 	snop  }
__scs_overlays_trampoline_lowered:
0x8: {  	[smem:$0x3FA3] =	sst s0  }
0x9: {  	[smem:$0x3FA4] =	sst s1  }
0xa: {  	[smem:$0x3FA5] =	sst s2  }
0xb: {  	[smem:$0x3FA6] =	sst s3  }
0xc: {  	[smem:$0x3FA7] =	sst s4  }
0xd: {  	[smem:$0x3FA8] =	sst s5  }
0xe: {  	[smem:$0x3FA9] =	sst s6  }
0xf: {  	[smem:$0x3FAA] =	sst s7  }
0x10: {  	[smem:$0x3FAB] =	sst s8  }
0x11: {  	[smem:$0x3FAC] =	sst s9;
	s0 =	simm.s32 @!p0 $0x0  }
0x12: {  	s1 =	sld [smem:$0x3F92];
	s0 =	simm.s32 @p0 $0x1  }
0x13: {  	[smem:$0x3FAD] =	sst s0;
	s0 =	simm.s32 @!p1 $0x0  }
0x14: {  	s2 =	sld [smem:$0x3F91];
	s0 =	simm.s32 @p1 $0x1  }
0x15: {  	[smem:$0x3FAE] =	sst s0;
	s0 =	simm.s32 @!p2 $0x0  }
0x16: {  	s3 =	sld [smem:$0x3FDB];
	s0 =	simm.s32 @p2 $0x1  }
0x17: {  	s4 =	simm.s32 $0x1BF5;
	[smem:$0x3FB0] =	sst s0  }
0x18: {  	s0 =	sld [smem:$0x3F93];
	_ =	swait.ge [sflag:s4], $0x0  }
0x19: {  	s7 =	sld [smem:$0x3F94]  }
0x1a: {  	s8 =	sadd.s32 $0xFFFFE003, lr  }
0x1b: {  	s9 =	sadd.s32 $0xFFFFFEF7, lr;
	s5 =	simm.s32 $0xFFFFFFFF;
	p2 =	slt.u32 s8, $0xFFFFF086  }
0x1c: {  	p1 =	slt.u32 s9, $0xF7A;
	s5 =	simm.s32 @!p2 $0x0  }
0x1d: {  	s5 =	simm.s32 @p1 $0x1;
	p0 =	seq.s32 s7, s2  }
0x1e: {  	s7 =	smul.u32 @!p0 $0xF7A, s2;
	p2 =	seq.s32 @!p0 s5, $0x0  }
0x1f: {  	s9 =	smul.u32 $0xF7A, s1;
	s8 =	simm.s32 @!p0 $0x1BF5;
	p2 =	por !p2, p0  }
0x20: {  	[sflag:s8] =	ssyncset.s32 @!p0 $0xFFFFF086;
	s6 =	sadd.s32 @!p0 s3, s7;
	s7 =	simm.s32 @!p0 $0x108  }
0x21: {  	s3 =	sadd.s32 s3, s9;
	s6 =	sadd.s32 @!p0 $0x88, s6;
	s7 =	simm.s32 @p2 $0x1082  }
0x22: {  	[simem:s7], [sflag:s8] =	dma.local @!p0 [hbm:s6], $0xF7A  }
0x23: {  	s9 =	sor.u32 $0xD0000000, s2;
	s6 =	simm.s32 $0x108;
	_ =	swait.ge @!p0 [sflag:s8], $0x0  }
0x24: {  	s3 =	sadd.s32 $0x88, s3;
	s6 =	simm.s32 @!p1 $0x1082;
	[sflag:s4] =	ssyncset.s32 $0xFFFFF086  }
0x25: {  	[simem:s6], [sflag:s4] =	dma.local [hbm:s3], $0xF7A  }
0x26: {  	[smem:$0x3F94] =	sst s1;
	(tag) =	ssettag s2;
	_ =	strace s9  }
0x27: {  	s1 =	sld [smem:$0x3FA4]  }
0x28: {  	s2 =	sld [smem:$0x3FA5]  }
0x29: {  	s4 =	sld [smem:$0x3FA7]  }
0x2a: {  	p0 =	seq.s32 s5, $0x0;
	s5 =	sld [smem:$0x3FA8]  }
0x2b: {  	s6 =	sld [smem:$0x3FA9]  }
0x2c: {  	s7 =	sld [smem:$0x3FAA]  }
0x2d: {  	s3 =	simm.s32 $0x108;
	s8 =	sld [smem:$0x3FAB]  }
0x2e: {  	s3 =	simm.s32 @!p0 $0x1082;
	s9 =	sld [smem:$0x3FAC]  }
0x2f: {  	lr =	sadd.s32 s0, s3;
	s0 =	sld [smem:$0x3FA3]  }
0x30: {  	s3 =	sld [smem:$0x3FA6]  }
0x31: {  	[smem:$0x3FAF] =	sst s10  }
0x32: {  	s10 =	sld [smem:$0x3FAD];
	_ =	sdelay $0x3  }
0x33: {  	p0 =	seq.s32 s10, $0x1;
	s10 =	sld [smem:$0x3FAF];
	_ =	sdelay $0x3  }
0x34: {  	[smem:$0x3FAF] =	sst s10  }
0x35: {  	s10 =	sld [smem:$0x3FAE];
	_ =	sdelay $0x3  }
0x36: {  	p1 =	seq.s32 s10, $0x1;
	s10 =	sld [smem:$0x3FAF];
	_ =	sdelay $0x3  }
0x37: {  	[smem:$0x3FAF] =	sst s10  }
0x38: {  	s10 =	sld [smem:$0x3FB0]  }
0x39: {  	_ = 	snop;
	(pc) =	sbr.ind lr, $3  }
0x3a: {  	_ = 	snop  }
0x3b: {  	_ = 	snop  }
0x3c: {  	p2 =	seq.s32 s10, $0x1;
	s10 =	sld [smem:$0x3FAF]  }
0x3d: {  	_ =	shalt  }
0x3e: {  	_ =	shalt  }
0x3f: {  	_ =	shalt  }
0x40: {  	_ =	shalt  }
0x41: {  	_ =	shalt  }
0x42: {  	_ =	shalt  }
0x43: {  	_ =	shalt  }
0x44: {  	_ =	shalt  }
0x45: {  	_ =	shalt  }
0x46: {  	_ =	shalt  }
0x47: {  	_ =	shalt  }
0x48: {  	_ =	shalt  }
0x49: {  	_ =	shalt  }
0x4a: {  	_ =	shalt  }
0x4b: {  	_ =	shalt  }
0x4c: {  	_ =	shalt  }
0x4d: {  	_ =	shalt  }
0x4e: {  	_ =	shalt  }
0x4f: {  	_ =	shalt  }
0x50: {  	_ =	shalt  }
0x51: {  	_ =	shalt  }
0x52: {  	_ =	shalt  }
0x53: {  	_ =	shalt  }
0x54: {  	_ =	shalt  }
0x55: {  	_ =	shalt  }
0x56: {  	_ =	shalt  }
0x57: {  	_ =	shalt  }
0x58: {  	_ =	shalt  }
0x59: {  	_ =	shalt  }
0x5a: {  	_ =	shalt  }
0x5b: {  	_ =	shalt  }
0x5c: {  	_ =	shalt  }
0x5d: {  	_ =	shalt  }
0x5e: {  	_ =	shalt  }
0x5f: {  	_ =	shalt  }
0x60: {  	_ =	shalt  }
0x61: {  	_ =	shalt  }
0x62: {  	_ =	shalt  }
0x63: {  	_ =	shalt  }
0x64: {  	_ =	shalt  }
0x65: {  	_ =	shalt  }
0x66: {  	_ =	shalt  }
0x67: {  	_ =	shalt  }
0x68: {  	_ =	shalt  }
0x69: {  	_ =	shalt  }
0x6a: {  	_ =	shalt  }
0x6b: {  	_ =	shalt  }
0x6c: {  	_ =	shalt  }
0x6d: {  	_ =	shalt  }
0x6e: {  	_ =	shalt  }
0x6f: {  	_ =	shalt  }
0x70: {  	_ =	shalt  }
0x71: {  	_ =	shalt  }
0x72: {  	_ =	shalt  }
0x73: {  	_ =	shalt  }
0x74: {  	_ =	shalt  }
0x75: {  	_ =	shalt  }
0x76: {  	_ =	shalt  }
0x77: {  	_ =	shalt  }
0x78: {  	_ =	shalt  }
0x79: {  	_ =	shalt  }
0x7a: {  	_ =	shalt  }
0x7b: {  	_ =	shalt  }
0x7c: {  	_ =	shalt  }
0x7d: {  	_ =	shalt  }
0x7e: {  	_ =	shalt  }
0x7f: {  	_ =	shalt  }
0x80: {  	_ =	shalt  }
0x81: {  	_ =	shalt  }
0x82: {  	_ =	shalt  }
0x83: {  	_ =	shalt  }
0x84: {  	_ =	shalt  }
0x85: {  	_ =	shalt  }
0x86: {  	_ =	shalt  }
0x87: {  	_ =	shalt  }
.Lfunc_end0:
.L_simem_size_0:
called_computation.1_lowered:
.L_overlay_start_0:
0x88: {  	s2 =	sld [smem:$0x3FD9]  }
0x89: {  	s3 =	sld [smem:$0x3FFE];
	_ =	sdelay $0x1  }
0x8a: {  	s1 =	srdreg.scid  }
0x8b: {  	s0 =	sand.u32 $0x1, s1  }
0x8c: {  	s16 =	sshll.u32 s0, $0xA;
	s2 =	sadd.s32 s3, s2  }
0x8d: {  	s2 =	sadd.s32 s2, s16  }
0x8e: {  	[smem:$0x3FBB] =	sst s2  }
0x8f: {  	_ = 	snop  }
0x90: {  	(tm) =	ssettm $0x1  }
0x91: {  	s17 =	sld [smem:$0x3FFB];
	_ =	sdelay $0x3  }
0x92: {  	_ =	strace s17  }
0x93: {  	s2 =	sld [smem:$0x3FFC];
	_ =	sdelay $0x3  }
0x94: {  	_ =	strace s2  }
0x95: {  	s2 =	sld [smem:$0x3FFD];
	_ =	sdelay $0x3  }
0x96: {  	_ =	strace s2  }
0x97: {  	_ =	strace $0x8FFFFFFF  }
0x98: {  	s18 =	sld [smem:$0x3FDB];
	_ =	sdelay $0x1  }
0x99: {  	s19 =	simm.s32 $_scs_section_size  }
0x9a: {  	s4 =	simm.s32 $_size__tile_overlayer_lowered;
	s5 =	simm.s32 $_tile_overlayer_lowered  }
0x9b: {  	s22 =	simm.s32 $0x1BFF;
	s21 =	sshll.u32 s5, $0x1;
	s2 =	sadd.s32 s19, s18  }
0x9c: {  	s6 =	simm.s32 $0x0;
	s20 =	sshll.u32 s4, $0x1;
	s4 =	sadd.s32 s21, s2  }
0x9d: {  	[timem:s6], [sflag:s22] =	dma.local [hbm:s4], s20  }
0x9e: {  	_ =	swait.ge [sflag:s22], s20  }
0x9f: {  	s3 =	ssub.s32 $0x0, s20;
	[sflag:s22] =	ssyncset.done $0x0  }
0xa0: {  	[sflag:s22] =	ssyncadd.s32 s3;
	_ =	sdelay $0x1  }
0xa1: {  	s23 =	simm.s32 $0x1B8B  }
0xa2: {  	_ =	swait.ge [sflag:s23], $0x1  }
0xa3: {  	[sflag:s23] =	ssyncset.done $0x0  }
0xa4: {  	s25 =	simm.s32 $0x1B8E;
	s24 =	sld [smem:$0x3FFE];
	[sflag:s23] =	ssyncadd.s32 $0xFFFFFFFF  }
0xa5: {  	s26 =	simm.s32 $execute0_lowered;
	[smem:$0x3FD2] =	sst s25  }
0xa6: {  	s4 =	sshll.u32 s26, $0x1;
	_ =	strace $0x80000049;
	[dreg:$0x1] =	wrdreg $0xFFFFFFFF  }
0xa7: {  	s28 =	simm.s32 $_size_execute0_lowered;
	s2 =	sadd.s32 s2, s4;
	[dreg:$0x0] =	wrdreg $0x0  }
0xa8: {  	s4 =	sshll.u32 s28, $0x1;
	[dreg:$0x2] =	wrdreg s2  }
0xa9: {  	[dreg:$0x3] =	wrdreg s4  }
0xaa: {  	[dreg:$0x4] =	wrdreg $0xC0  }
0xab: {  	_ =	task [dreg:s6], $0x5FFFF  }
0xac: {  	[dreg:$0x1] =	wrdreg $0xFFFFFFFF  }
0xad: {  	[dreg:$0x0] =	wrdreg $0x60  }
0xae: {  	[dreg:$0x2] =	wrdreg s24  }
0xaf: {  	[dreg:$0x3] =	wrdreg $0x148200  }
0xb0: {  	[dreg:$0x4] =	wrdreg $0x9  }
0xb1: {  	_ =	task.clear_ibuf [dreg:s6], $0x5FFFF;
	_ =	strace $0x90000049  }
0xb2: {  	s29 =	simm.s32 $0x9;
	_ =	strace $0x8000004B  }
0xb3: {  	_ =	swait.ge [sflag:s29], $0x1  }
0xb4: {  	[sflag:s29] =	ssyncadd.s32 $0xFFFFFFFF  }
0xb5: {  	_ =	strace $0x9000004B  }
0xb6: {  	_ =	sfence  }
0xb7: {  	s30 =	sld [smem:$0x0];
	_ =	sdelay $0x2  }
0xb8: {  	s31 =	sshll.u32 s1, $0xD;
	s1 =	sshrl.u32 s1, $0x2  }
0xb9: {  	s3 =	sand.u32 $0x4000, s31;
	s1 =	sadd.s32 s1, s30  }
0xba: {  	s0 =	sor.u32 s3, s0;
	s1 =	sshll.u32 s1, $0x11  }
0xbb: {  	s0 =	sor.u32 s1, s0  }
0xbc: {  	s0 =	sadd.s32 $0x8F2B, s0  }
0xbd: {  	[sflag:s0] =	ssyncadd.remote.s32 $0x1  }
0xbe: {  	_ =	sfence.sel $0xFFFF  }
0xbf: {  	[dreg:$0x0] =	wrdreg $0xFFFFFFFF;
	(pc) =	sbr.abs _section_cstart, $3  }
0xc0: {  	[dreg:$0x1] =	wrdreg $0xFFFFFFFF  }
0xc1: {  	_ =	task.clear_ibuf [dreg:s6], $0x2FFFF;
	_ =	strace $0x9FFFFFFF  }
0xc2: {  	(tm) =	ssettm $0x7FFFFFFF  }
0xc3: {  	_ =	shalt  }
tec
execute0_lowered:
.L_overlay_start_1:
0x0: {  	(tag) =	ssettag $0x1  }
0x1: {  	s0 =	rddreg [dreg:$0x0]  }
0x2: {  	s1 =	rddreg [dreg:$0x1];
	s2 =	simm.s32 $0x0;
	s3 =	srdreg.scid  }
0x3: {  	s10 =	stileid.u32;
	s28 =	simm.s32 $0x2EE0;
	s29 =	simm.s32 $0xFA0  }
0x4: {  	s30 =	simm.s32 $0x36B0;
	s31 =	simm.s32 $0x1770;
	[smem:$0x7FF] =	sst s2  }
0x5: {  	s4 =	sadd.s32 $0x16400, s0;
	s6 =	sadd.s32 $0x2800, s0;
	s3 =	sand.u32 $0x1, s3  }
0x6: {  	s8 =	sadd.s32 $0xC600, s0;
	s9 =	smul.u32 $0xA000, s10;
	_ =	strace $0x8000004A  }
0x7: {  	s5 =	smul.u32 $0x5000, s3;
	s7 =	sshll.u32 s3, $0x4;
	s3 =	ssub.s32 $0x2, s3  }
0x8: {  	s7 =	sor.u32 s10, s7;
	s11 =	sshrl.u32 s3, $0x1;
	s9 =	sshrl.u32 s9, $0x2  }
0x9: {  	s10 =	smul.u32 $0x2800, s10;
	s0 =	sadd.s32 s5, s0;
	s3 =	ssub.s32 s3, s11  }
0xa: {  	s7 =	smul.u32 $0x2710, s7;
	s5 =	sadd.s32 s9, s1;
	s3 =	smax.u32 s3, $0x1  }
0xb: {  	s9 =	simm.s32 $0x2;
	s19 =	sadd.s32 $0x800, s5;
	[dreg:$0x4] =	wrdreg s3  }
0xc: {  	s0 =	sadd.s32 $0x1B400, s0;
	s20 =	sadd.s32 $0x1000, s5;
	[dreg:$0x5] =	wrdreg s19  }
0xd: {  	s12 =	sshrl.u32 s10, $0x3;
	s21 =	sadd.s32 $0x1800, s5;
	[dreg:$0x6] =	wrdreg s20  }
0xe: {  	s10 =	sadd.s32 s10, s1;
	s22 =	sadd.s32 $0x2000, s5;
	[dreg:$0x7] =	wrdreg s21  }
0xf: {  	s7 =	sshrl.u32 s7, $0x3;
	[dreg:$0x8] =	wrdreg s22;
	s21 =	simm.s32 $0x4E20  }
0x10: {  	s22 =	simm.s32 $0x3;
	s3 =	simm.s32 $0x1F40;
	s11 =	sadd.s32 s6, s7  }
0x11: {  	s23 =	sadd.s32 s8, s7;
	s24 =	sadd.s32 $0xFA, s7;
	s25 =	sadd.s32 $0x1F4, s7  }
0x12: {  	s26 =	sadd.s32 $0x2EE, s7;
	s7 =	sadd.s32 $0x3E8, s7;
	[dreg:$0x3] =	wrdreg s11  }
0x13: {  	[dreg:$0x9] =	wrdreg s23;
	s13 =	sadd.s32 s6, s24;
	s14 =	sadd.s32 s8, s24  }
0x14: {  	s15 =	sadd.s32 s6, s25;
	s16 =	sadd.s32 s8, s25;
	s17 =	sadd.s32 s6, s26  }
0x15: {  	s18 =	sadd.s32 s8, s26;
	s19 =	sadd.s32 s6, s7;
	s20 =	sadd.s32 s8, s7  }
0x16: {  	s23 =	sadd.s32 s12, s0;
	s24 =	simm.s32 $0x2710;
	s25 =	sshrl.u32 s10, $0x3  }
0x17: {  	s26 =	simm.s32 $0x7D0;
	s0 =	simm.s32 $0x3E80;
	s6 =	simm.s32 $0x4650  }
0x18: {  	v0 =	vimm.f32 $0.0e+00;
	s7 =	simm.s32 $0xCB20;
	s8 =	simm.s32 $0x1;
	s10 =	simm.s32 $0x0  }
.LBB2_1:
0x19: {  	s11 =	simm.s32 $0x40;
	s12 =	simm.s32 $0x0  }
.LBB2_2:
0x1a: {  	p0 =	sne.s32 s11, $0x1FC0;
	[tilespmem:s12+$0x4E20] =	vst v0;
	s12 =	smov.u32 s11;
	s11 =	sadd.s32 $0x40, s11  }
.Ltmp0:
0x1b: {  	(pc) =	sbr.rel @p0 .LBB2_2-.Ltmp0, $2  }
0x1c: {  	_ =	sdelay $0x2  }
0x1d: {  	s12 =	sshra.s32 s12, $0x2  }
0x1e: {  	[tilespmem:s12+$0x4E20] =	vst v0  }
0x1f: {  	[spmem:s5] =	stream.linear.scatter [tilespmem:s21], [sflag:$0x3], $0x800, $0x38;
	[tilespmem:$0x17020] =	vst v63  }
0x20: {  	_ =	swait.ge [sflag:s22], $0x800  }
0x21: {  	[sflag:s22] =	ssyncset.done $0x0  }
0x22: {  	s11 =	rddreg [dreg:$0x5];
	[sflag:s22] =	ssyncadd.s32 $0xFFFFF800  }
0x23: {  	[spmem:s11] =	stream.linear.scatter [tilespmem:s21], [sflag:$0x3], $0x800, $0x38;
	[tilespmem:$0x17020] =	vst v63  }
0x24: {  	_ =	swait.ge [sflag:s22], $0x800  }
0x25: {  	[sflag:s22] =	ssyncset.done $0x0  }
0x26: {  	s12 =	rddreg [dreg:$0x6];
	[sflag:s22] =	ssyncadd.s32 $0xFFFFF800  }
0x27: {  	[spmem:s12] =	stream.linear.scatter [tilespmem:s21], [sflag:$0x3], $0x800, $0x38;
	[tilespmem:$0x17020] =	vst v63  }
0x28: {  	_ =	swait.ge [sflag:s22], $0x800  }
0x29: {  	[sflag:s22] =	ssyncset.done $0x0  }
0x2a: {  	s12 =	rddreg [dreg:$0x7];
	[sflag:s22] =	ssyncadd.s32 $0xFFFFF800  }
0x2b: {  	[spmem:s12] =	stream.linear.scatter [tilespmem:s21], [sflag:$0x3], $0x800, $0x38;
	[tilespmem:$0x17020] =	vst v63  }
0x2c: {  	_ =	swait.ge [sflag:s22], $0x800  }
0x2d: {  	[sflag:s22] =	ssyncset.done $0x0  }
0x2e: {  	s12 =	rddreg [dreg:$0x8];
	[sflag:s22] =	ssyncadd.s32 $0xFFFFF800  }
0x2f: {  	[spmem:s12] =	stream.linear.scatter [tilespmem:s21], [sflag:$0x3], $0x800, $0x38;
	[tilespmem:$0x17020] =	vst v63  }
0x30: {  	_ =	swait.ge [sflag:s22], $0x800  }
0x31: {  	[sflag:s22] =	ssyncset.done $0x0  }
0x32: {  	s12 =	rddreg [dreg:$0x3];
	[sflag:s22] =	ssyncadd.s32 $0xFFFFF800  }
0x33: {  	[tilespmem:s2], [sflag:$0x3] =	stream.linear.gather [hbm4b:s12+s2], $0x7D0, $0x38;
	[tilespmem:$0x17020] =	vst v63  }
0x34: {  	_ =	swait.ge [sflag:s22], $0x7D0  }
0x35: {  	[sflag:s22] =	ssyncset.done $0x0  }
0x36: {  	s12 =	rddreg [dreg:$0x9];
	[sflag:s22] =	ssyncadd.s32 $0xFFFFF830  }
0x37: {  	[tilespmem:s24], [sflag:$0x3] =	stream.linear.gather [hbm4b:s12+s2], $0x7D0, $0x38;
	[tilespmem:$0x17020] =	vst v63  }
0x38: {  	_ =	swait.ge [sflag:s22], $0x7D0  }
0x39: {  	[sflag:s22] =	ssyncset.done $0x0  }
0x3a: {  	[sflag:s22] =	ssyncadd.s32 $0xFFFFF830  }
0x3b: {  	[tilespmem:s26], [sflag:$0x3] =	stream.linear.gather [hbm4b:s13+s2], $0x7D0, $0x38;
	[tilespmem:$0x17020] =	vst v63  }
0x3c: {  	_ =	swait.ge [sflag:s22], $0x7D0  }
0x3d: {  	[sflag:s22] =	ssyncset.done $0x0  }
0x3e: {  	[sflag:s22] =	ssyncadd.s32 $0xFFFFF830  }
0x3f: {  	[tilespmem:s28], [sflag:$0x3] =	stream.linear.gather [hbm4b:s14+s2], $0x7D0, $0x38;
	[tilespmem:$0x17020] =	vst v63  }
0x40: {  	_ =	swait.ge [sflag:s22], $0x7D0  }
0x41: {  	[sflag:s22] =	ssyncset.done $0x0  }
0x42: {  	[sflag:s22] =	ssyncadd.s32 $0xFFFFF830  }
0x43: {  	[tilespmem:s29], [sflag:$0x3] =	stream.linear.gather [hbm4b:s15+s2], $0x7D0, $0x38;
	[tilespmem:$0x17020] =	vst v63  }
0x44: {  	_ =	swait.ge [sflag:s22], $0x7D0  }
0x45: {  	[sflag:s22] =	ssyncset.done $0x0  }
0x46: {  	[sflag:s22] =	ssyncadd.s32 $0xFFFFF830  }
0x47: {  	[tilespmem:s30], [sflag:$0x3] =	stream.linear.gather [hbm4b:s16+s2], $0x7D0, $0x38;
	[tilespmem:$0x17020] =	vst v63  }
0x48: {  	_ =	swait.ge [sflag:s22], $0x7D0  }
0x49: {  	[sflag:s22] =	ssyncset.done $0x0  }
0x4a: {  	[sflag:s22] =	ssyncadd.s32 $0xFFFFF830  }
0x4b: {  	[tilespmem:s31], [sflag:$0x3] =	stream.linear.gather [hbm4b:s17+s2], $0x7D0, $0x38;
	[tilespmem:$0x17020] =	vst v63  }
0x4c: {  	_ =	swait.ge [sflag:s22], $0x7D0  }
0x4d: {  	[sflag:s22] =	ssyncset.done $0x0  }
0x4e: {  	[sflag:s22] =	ssyncadd.s32 $0xFFFFF830  }
0x4f: {  	[tilespmem:s0], [sflag:$0x3] =	stream.linear.gather [hbm4b:s18+s2], $0x7D0, $0x38;
	[tilespmem:$0x17020] =	vst v63  }
0x50: {  	_ =	swait.ge [sflag:s22], $0x7D0  }
0x51: {  	[sflag:s22] =	ssyncset.done $0x0  }
0x52: {  	[sflag:s22] =	ssyncadd.s32 $0xFFFFF830  }
0x53: {  	[tilespmem:s3], [sflag:$0x3] =	stream.linear.gather [hbm4b:s19+s2], $0x7D0, $0x38;
	[tilespmem:$0x17020] =	vst v63  }
0x54: {  	_ =	swait.ge [sflag:s22], $0x7D0  }
0x55: {  	[sflag:s22] =	ssyncset.done $0x0  }
0x56: {  	[sflag:s22] =	ssyncadd.s32 $0xFFFFF830  }
0x57: {  	[tilespmem:s6], [sflag:$0x3] =	stream.linear.gather [hbm4b:s20+s2], $0x7D0, $0x38;
	[tilespmem:$0x17020] =	vst v63  }
0x58: {  	_ =	swait.ge [sflag:s22], $0x7D0  }
0x59: {  	[sflag:s22] =	ssyncset.done $0x0  }
0x5a: {  	[sflag:s22] =	ssyncadd.s32 $0xFFFFF830  }
0x5b: {  	[bflag:$0x0] =	sbarrier.arrive $0xFFFF  }
0x5c: {  	[tilespmem:s21], [sflag:$0x1] =	stream.indirect.gather [hbm4b:s4+s26], $0x10, s2, s26, $0xb8;
	[tilespmem:$0x17020] =	vst v63  }
0x5d: {  	_ = 	snop  }
0x5e: {  	[tilespmem:s7], [sflag:$0x2] =	stream.indirect.gather [hbm4b:s4+s26], $0x10, s26, s26, $0xb8;
	[tilespmem:$0x17020] =	vst v63  }
0x5f: {  	_ =	swait.ge [sflag:s8], $0x7D00  }
0x60: {  	[sflag:s8] =	ssyncset.done $0x0  }
0x61: {  	[sflag:s8] =	ssyncadd.s32 $0xFFFF8300  }
0x62: {  	[spmem:s1] =	stream.indirect.scatter.add.f32 [tilespmem:s21], [sflag:$0x3], $0x10, s24, s26, $0xb8;
	[tilespmem:$0x17020] =	vst v63  }
0x63: {  	_ =	swait.ge [sflag:s22], $0x7D00  }
0x64: {  	[sflag:s22] =	ssyncset.done $0x0  }
0x65: {  	[sflag:s22] =	ssyncadd.s32 $0xFFFF8300  }
0x66: {  	[tilespmem:s21], [sflag:$0x1] =	stream.indirect.gather [hbm4b:s4+s26], $0x10, s29, s26, $0xb8;
	[tilespmem:$0x17020] =	vst v63  }
0x67: {  	_ =	swait.ge [sflag:s9], $0x7D00  }
0x68: {  	[sflag:s9] =	ssyncset.done $0x0  }
0x69: {  	[sflag:s9] =	ssyncadd.s32 $0xFFFF8300  }
0x6a: {  	[spmem:s1] =	stream.indirect.scatter.add.f32 [tilespmem:s7], [sflag:$0x3], $0x10, s28, s26, $0xb8;
	[tilespmem:$0x17020] =	vst v63  }
0x6b: {  	_ =	swait.ge [sflag:s22], $0x7D00  }
0x6c: {  	[sflag:s22] =	ssyncset.done $0x0  }
0x6d: {  	[sflag:s22] =	ssyncadd.s32 $0xFFFF8300  }
0x6e: {  	[tilespmem:s7], [sflag:$0x2] =	stream.indirect.gather [hbm4b:s4+s26], $0x10, s31, s26, $0xb8;
	[tilespmem:$0x17020] =	vst v63  }
0x6f: {  	_ =	swait.ge [sflag:s8], $0x7D00  }
0x70: {  	[sflag:s8] =	ssyncset.done $0x0  }
0x71: {  	[sflag:s8] =	ssyncadd.s32 $0xFFFF8300  }
0x72: {  	[spmem:s1] =	stream.indirect.scatter.add.f32 [tilespmem:s21], [sflag:$0x3], $0x10, s30, s26, $0xb8;
	[tilespmem:$0x17020] =	vst v63  }
0x73: {  	_ =	swait.ge [sflag:s22], $0x7D00  }
0x74: {  	[sflag:s22] =	ssyncset.done $0x0  }
0x75: {  	[sflag:s22] =	ssyncadd.s32 $0xFFFF8300  }
0x76: {  	[tilespmem:s21], [sflag:$0x1] =	stream.indirect.gather [hbm4b:s4+s26], $0x10, s3, s26, $0xb8;
	[tilespmem:$0x17020] =	vst v63  }
0x77: {  	_ =	swait.ge [sflag:s9], $0x7D00  }
0x78: {  	[sflag:s9] =	ssyncset.done $0x0  }
0x79: {  	[sflag:s9] =	ssyncadd.s32 $0xFFFF8300  }
0x7a: {  	[spmem:s1] =	stream.indirect.scatter.add.f32 [tilespmem:s7], [sflag:$0x3], $0x10, s0, s26, $0xb8;
	[tilespmem:$0x17020] =	vst v63  }
0x7b: {  	_ =	swait.ge [sflag:s22], $0x7D00  }
0x7c: {  	[sflag:s22] =	ssyncset.done $0x0  }
0x7d: {  	[sflag:s22] =	ssyncadd.s32 $0xFFFF8300  }
0x7e: {  	_ =	swait.ge [sflag:s8], $0x7D00  }
0x7f: {  	[sflag:s8] =	ssyncset.done $0x0  }
0x80: {  	[sflag:s8] =	ssyncadd.s32 $0xFFFF8300  }
0x81: {  	[spmem:s1] =	stream.indirect.scatter.add.f32 [tilespmem:s21], [sflag:$0x3], $0x10, s6, s26, $0xb8;
	[tilespmem:$0x17020] =	vst v63  }
0x82: {  	_ =	swait.ge [sflag:s22], $0x7D00  }
0x83: {  	s12 =	stileid.u32;
	[sflag:s22] =	ssyncset.done $0x0  }
0x84: {  	s11 =	sshll.u32 s12, $0x6;
	[sflag:s22] =	ssyncadd.s32 $0xFFFF8300  }
0x85: {  	s11 =	sor.u32 $0x1C03, s11;
	[bflag:$0x0] =	sbarrier.arrive $0xFFFF  }
0x86: {  	[hbm:s23], [sflag:s11] =	dma.local [spmem:s25], $0x500  }
0x87: {  	_ =	swait.ge [sflag:s22], $0x500  }
0x88: {  	s10 =	sadd.s32 $0x1, s10;
	s12 =	rddreg [dreg:$0x4]  }
0x89: {  	p0 =	sne.s32 s10, s12  }
.Ltmp1:
0x8a: {  	_ = 	snop;
	(pc) =	sbr.rel @p0 .LBB2_1-.Ltmp1, $3  }
0x8b: {  	_ =	sdelay $0x1  }
0x8c: {  	[sflag:s22] =	ssyncset.done $0x0  }
0x8d: {  	[sflag:s22] =	ssyncadd.s32 $0xFFFFFB00  }
0x8e: {  	_ =	sfence.sel $0x180000  }
0x8f: {  	[bflag:$0x0] =	sbarrier.arrive $0xFFFF  }
0x90: {  	_ =	strace $0x9000004A  }
0x91: {  	s0 =	stileid.u32;
	[bflag:$0x2] =	sbarrier.arrive $0xFFFF  }
0x92: {  	p0 =	sne.s32 s0, $0x0;
	s0 =	rddreg [dreg:$0x2]  }
0x93: {  	s0 =	sadd.s32 @!p0 $0x100000, s0  }
0x94: {  	[sflag:s0] =	ssyncadd.tile.s32 @!p0 $0x1;
	_ =	shalt  }
.Lfunc_end2:
_tile_overlayer_lowered:
.L_overlay_start_2:
0x95: {  	(tag) =	ssettag $0x2  }
0x96: {  	s0 =	rddreg [dreg:$0x0];
	s2 =	stileid.u32  }
0x97: {  	s1 =	rddreg [dreg:$0x1];
	p0 =	sne.s32 s2, $0x0  }
0x98: {  	s3 =	rddreg [dreg:$0x2];
	[bflag:$0x3] =	sbarrier.arrive $0xFFFF;
	s2 =	simm.s32 @!p0 $0x1C03  }
0x99: {  	[timem:s3], [sflag:s2] =	dma.local @!p0 [hbm:s0], s1  }
0x9a: {  	s0 =	simm.s32 @!p0 $0x3  }
0x9b: {  	_ =	swait.ge @!p0 [sflag:s0], s1  }
0x9c: {  	s1 =	ssub.s32 @!p0 $0x0, s1;
	[sflag:s0] =	ssyncset.done @!p0 $0x0  }
0x9d: {  	[sflag:s0] =	ssyncadd.s32 @!p0 s1  }
0x9e: {  	[bflag:$0x3] =	sbarrier.arrive $0xFFFF  }
0x9f: {  	_ =	shalt  }

// kernel: kernel.16.cloned.1.call-start
scs
__scs_entry_jumppad:
0x0: {  	(pc) =	sbr.rel $0x88, $3  }
0x1: {  	(tag) =	ssettag $0x0;
	lr =	simm.s32 $0x1  }
0x2: {  	[smem:$0x3F94] =	sst lr;
	_ =	strace $0xD0000000  }
0x3: {  	_ = 	snop  }
0x4: {  	_ = 	snop  }
0x5: {  	_ = 	snop  }
0x6: {  	_ = 	snop  }
0x7: {  	_ = 	snop  }
__scs_overlays_trampoline_lowered:
0x8: {  	[smem:$0x3FA3] =	sst s0  }
0x9: {  	[smem:$0x3FA4] =	sst s1  }
0xa: {  	[smem:$0x3FA5] =	sst s2  }
0xb: {  	[smem:$0x3FA6] =	sst s3  }
0xc: {  	[smem:$0x3FA7] =	sst s4  }
0xd: {  	[smem:$0x3FA8] =	sst s5  }
0xe: {  	[smem:$0x3FA9] =	sst s6  }
0xf: {  	[smem:$0x3FAA] =	sst s7  }
0x10: {  	[smem:$0x3FAB] =	sst s8  }
0x11: {  	[smem:$0x3FAC] =	sst s9;
	s0 =	simm.s32 @!p0 $0x0  }
0x12: {  	s1 =	sld [smem:$0x3F92];
	s0 =	simm.s32 @p0 $0x1  }
0x13: {  	[smem:$0x3FAD] =	sst s0;
	s0 =	simm.s32 @!p1 $0x0  }
0x14: {  	s2 =	sld [smem:$0x3F91];
	s0 =	simm.s32 @p1 $0x1  }
0x15: {  	[smem:$0x3FAE] =	sst s0;
	s0 =	simm.s32 @!p2 $0x0  }
0x16: {  	s3 =	sld [smem:$0x3FDB];
	s0 =	simm.s32 @p2 $0x1  }
0x17: {  	s4 =	simm.s32 $0x1BF5;
	[smem:$0x3FB0] =	sst s0  }
0x18: {  	s0 =	sld [smem:$0x3F93];
	_ =	swait.ge [sflag:s4], $0x0  }
0x19: {  	s7 =	sld [smem:$0x3F94]  }
0x1a: {  	s8 =	sadd.s32 $0xFFFFE003, lr  }
0x1b: {  	s9 =	sadd.s32 $0xFFFFFEF7, lr;
	s5 =	simm.s32 $0xFFFFFFFF;
	p2 =	slt.u32 s8, $0xFFFFF086  }
0x1c: {  	p1 =	slt.u32 s9, $0xF7A;
	s5 =	simm.s32 @!p2 $0x0  }
0x1d: {  	s5 =	simm.s32 @p1 $0x1;
	p0 =	seq.s32 s7, s2  }
0x1e: {  	s7 =	smul.u32 @!p0 $0xF7A, s2;
	p2 =	seq.s32 @!p0 s5, $0x0  }
0x1f: {  	s9 =	smul.u32 $0xF7A, s1;
	s8 =	simm.s32 @!p0 $0x1BF5;
	p2 =	por !p2, p0  }
0x20: {  	[sflag:s8] =	ssyncset.s32 @!p0 $0xFFFFF086;
	s6 =	sadd.s32 @!p0 s3, s7;
	s7 =	simm.s32 @!p0 $0x108  }
0x21: {  	s3 =	sadd.s32 s3, s9;
	s6 =	sadd.s32 @!p0 $0x88, s6;
	s7 =	simm.s32 @p2 $0x1082  }
0x22: {  	[simem:s7], [sflag:s8] =	dma.local @!p0 [hbm:s6], $0xF7A  }
0x23: {  	s9 =	sor.u32 $0xD0000000, s2;
	s6 =	simm.s32 $0x108;
	_ =	swait.ge @!p0 [sflag:s8], $0x0  }
0x24: {  	s3 =	sadd.s32 $0x88, s3;
	s6 =	simm.s32 @!p1 $0x1082;
	[sflag:s4] =	ssyncset.s32 $0xFFFFF086  }
0x25: {  	[simem:s6], [sflag:s4] =	dma.local [hbm:s3], $0xF7A  }
0x26: {  	[smem:$0x3F94] =	sst s1;
	(tag) =	ssettag s2;
	_ =	strace s9  }
0x27: {  	s1 =	sld [smem:$0x3FA4]  }
0x28: {  	s2 =	sld [smem:$0x3FA5]  }
0x29: {  	s4 =	sld [smem:$0x3FA7]  }
0x2a: {  	p0 =	seq.s32 s5, $0x0;
	s5 =	sld [smem:$0x3FA8]  }
0x2b: {  	s6 =	sld [smem:$0x3FA9]  }
0x2c: {  	s7 =	sld [smem:$0x3FAA]  }
0x2d: {  	s3 =	simm.s32 $0x108;
	s8 =	sld [smem:$0x3FAB]  }
0x2e: {  	s3 =	simm.s32 @!p0 $0x1082;
	s9 =	sld [smem:$0x3FAC]  }
0x2f: {  	lr =	sadd.s32 s0, s3;
	s0 =	sld [smem:$0x3FA3]  }
0x30: {  	s3 =	sld [smem:$0x3FA6]  }
0x31: {  	[smem:$0x3FAF] =	sst s10  }
0x32: {  	s10 =	sld [smem:$0x3FAD];
	_ =	sdelay $0x3  }
0x33: {  	p0 =	seq.s32 s10, $0x1;
	s10 =	sld [smem:$0x3FAF];
	_ =	sdelay $0x3  }
0x34: {  	[smem:$0x3FAF] =	sst s10  }
0x35: {  	s10 =	sld [smem:$0x3FAE];
	_ =	sdelay $0x3  }
0x36: {  	p1 =	seq.s32 s10, $0x1;
	s10 =	sld [smem:$0x3FAF];
	_ =	sdelay $0x3  }
0x37: {  	[smem:$0x3FAF] =	sst s10  }
0x38: {  	s10 =	sld [smem:$0x3FB0]  }
0x39: {  	_ = 	snop;
	(pc) =	sbr.ind lr, $3  }
0x3a: {  	_ = 	snop  }
0x3b: {  	_ = 	snop  }
0x3c: {  	p2 =	seq.s32 s10, $0x1;
	s10 =	sld [smem:$0x3FAF]  }
0x3d: {  	_ =	shalt  }
0x3e: {  	_ =	shalt  }
0x3f: {  	_ =	shalt  }
0x40: {  	_ =	shalt  }
0x41: {  	_ =	shalt  }
0x42: {  	_ =	shalt  }
0x43: {  	_ =	shalt  }
0x44: {  	_ =	shalt  }
0x45: {  	_ =	shalt  }
0x46: {  	_ =	shalt  }
0x47: {  	_ =	shalt  }
0x48: {  	_ =	shalt  }
0x49: {  	_ =	shalt  }
0x4a: {  	_ =	shalt  }
0x4b: {  	_ =	shalt  }
0x4c: {  	_ =	shalt  }
0x4d: {  	_ =	shalt  }
0x4e: {  	_ =	shalt  }
0x4f: {  	_ =	shalt  }
0x50: {  	_ =	shalt  }
0x51: {  	_ =	shalt  }
0x52: {  	_ =	shalt  }
0x53: {  	_ =	shalt  }
0x54: {  	_ =	shalt  }
0x55: {  	_ =	shalt  }
0x56: {  	_ =	shalt  }
0x57: {  	_ =	shalt  }
0x58: {  	_ =	shalt  }
0x59: {  	_ =	shalt  }
0x5a: {  	_ =	shalt  }
0x5b: {  	_ =	shalt  }
0x5c: {  	_ =	shalt  }
0x5d: {  	_ =	shalt  }
0x5e: {  	_ =	shalt  }
0x5f: {  	_ =	shalt  }
0x60: {  	_ =	shalt  }
0x61: {  	_ =	shalt  }
0x62: {  	_ =	shalt  }
0x63: {  	_ =	shalt  }
0x64: {  	_ =	shalt  }
0x65: {  	_ =	shalt  }
0x66: {  	_ =	shalt  }
0x67: {  	_ =	shalt  }
0x68: {  	_ =	shalt  }
0x69: {  	_ =	shalt  }
0x6a: {  	_ =	shalt  }
0x6b: {  	_ =	shalt  }
0x6c: {  	_ =	shalt  }
0x6d: {  	_ =	shalt  }
0x6e: {  	_ =	shalt  }
0x6f: {  	_ =	shalt  }
0x70: {  	_ =	shalt  }
0x71: {  	_ =	shalt  }
0x72: {  	_ =	shalt  }
0x73: {  	_ =	shalt  }
0x74: {  	_ =	shalt  }
0x75: {  	_ =	shalt  }
0x76: {  	_ =	shalt  }
0x77: {  	_ =	shalt  }
0x78: {  	_ =	shalt  }
0x79: {  	_ =	shalt  }
0x7a: {  	_ =	shalt  }
0x7b: {  	_ =	shalt  }
0x7c: {  	_ =	shalt  }
0x7d: {  	_ =	shalt  }
0x7e: {  	_ =	shalt  }
0x7f: {  	_ =	shalt  }
0x80: {  	_ =	shalt  }
0x81: {  	_ =	shalt  }
0x82: {  	_ =	shalt  }
0x83: {  	_ =	shalt  }
0x84: {  	_ =	shalt  }
0x85: {  	_ =	shalt  }
0x86: {  	_ =	shalt  }
0x87: {  	_ =	shalt  }
.Lfunc_end0:
.L_simem_size_0:
called_computation.2_lowered:
.L_overlay_start_0:
0x88: {  	s2 =	sld [smem:$0x3FD9]  }
0x89: {  	s3 =	sld [smem:$0x3FFE];
	_ =	sdelay $0x1  }
0x8a: {  	s1 =	srdreg.scid  }
0x8b: {  	s0 =	sand.u32 $0x1, s1  }
0x8c: {  	s16 =	sshll.u32 s0, $0xA;
	s2 =	sadd.s32 s3, s2  }
0x8d: {  	s2 =	sadd.s32 s2, s16  }
0x8e: {  	[smem:$0x3FBB] =	sst s2  }
0x8f: {  	_ = 	snop  }
0x90: {  	(tm) =	ssettm $0x1  }
0x91: {  	s17 =	sld [smem:$0x3FFB];
	_ =	sdelay $0x3  }
0x92: {  	_ =	strace s17  }
0x93: {  	s2 =	sld [smem:$0x3FFC];
	_ =	sdelay $0x3  }
0x94: {  	_ =	strace s2  }
0x95: {  	s2 =	sld [smem:$0x3FFD];
	_ =	sdelay $0x3  }
0x96: {  	_ =	strace s2  }
0x97: {  	_ =	strace $0x8FFFFFFF  }
0x98: {  	s18 =	sld [smem:$0x3FDB];
	_ =	sdelay $0x1  }
0x99: {  	s19 =	simm.s32 $_scs_section_size  }
0x9a: {  	s4 =	simm.s32 $_size__tile_overlayer_lowered;
	s5 =	simm.s32 $_tile_overlayer_lowered  }
0x9b: {  	s22 =	simm.s32 $0x1BFF;
	s21 =	sshll.u32 s5, $0x1;
	s2 =	sadd.s32 s19, s18  }
0x9c: {  	s6 =	simm.s32 $0x0;
	s20 =	sshll.u32 s4, $0x1;
	s4 =	sadd.s32 s21, s2  }
0x9d: {  	[timem:s6], [sflag:s22] =	dma.local [hbm:s4], s20  }
0x9e: {  	_ =	swait.ge [sflag:s22], s20  }
0x9f: {  	s3 =	ssub.s32 $0x0, s20;
	[sflag:s22] =	ssyncset.done $0x0  }
0xa0: {  	[sflag:s22] =	ssyncadd.s32 s3;
	_ =	sdelay $0x1  }
0xa1: {  	s23 =	simm.s32 $0x1B8B  }
0xa2: {  	_ =	swait.ge [sflag:s23], $0x1  }
0xa3: {  	[sflag:s23] =	ssyncset.done $0x0  }
0xa4: {  	s25 =	simm.s32 $0x1B8E;
	s24 =	sld [smem:$0x3FFE];
	[sflag:s23] =	ssyncadd.s32 $0xFFFFFFFF  }
0xa5: {  	s26 =	simm.s32 $execute0_lowered;
	[smem:$0x3FD2] =	sst s25  }
0xa6: {  	s4 =	sshll.u32 s26, $0x1;
	_ =	strace $0x8000004C;
	[dreg:$0x1] =	wrdreg $0xFFFFFFFF  }
0xa7: {  	s28 =	simm.s32 $_size_execute0_lowered;
	s2 =	sadd.s32 s2, s4;
	[dreg:$0x0] =	wrdreg $0x0  }
0xa8: {  	s4 =	sshll.u32 s28, $0x1;
	[dreg:$0x2] =	wrdreg s2  }
0xa9: {  	[dreg:$0x3] =	wrdreg s4  }
0xaa: {  	[dreg:$0x4] =	wrdreg $0xC0  }
0xab: {  	_ =	task [dreg:s6], $0x5FFFF  }
0xac: {  	[dreg:$0x1] =	wrdreg $0xFFFFFFFF  }
0xad: {  	[dreg:$0x0] =	wrdreg $0x60  }
0xae: {  	[dreg:$0x2] =	wrdreg s24  }
0xaf: {  	[dreg:$0x3] =	wrdreg $0x148200  }
0xb0: {  	[dreg:$0x4] =	wrdreg $0x9  }
0xb1: {  	_ =	task.clear_ibuf [dreg:s6], $0x5FFFF;
	_ =	strace $0x9000004C  }
0xb2: {  	s29 =	simm.s32 $0x9;
	_ =	strace $0x8000004E  }
0xb3: {  	_ =	swait.ge [sflag:s29], $0x1  }
0xb4: {  	[sflag:s29] =	ssyncadd.s32 $0xFFFFFFFF  }
0xb5: {  	_ =	strace $0x9000004E  }
0xb6: {  	_ =	sfence  }
0xb7: {  	s30 =	sld [smem:$0x0];
	_ =	sdelay $0x2  }
0xb8: {  	s31 =	sshll.u32 s1, $0xD;
	s1 =	sshrl.u32 s1, $0x2  }
0xb9: {  	s3 =	sand.u32 $0x4000, s31;
	s1 =	sadd.s32 s1, s30  }
0xba: {  	s0 =	sor.u32 s3, s0;
	s1 =	sshll.u32 s1, $0x11  }
0xbb: {  	s0 =	sor.u32 s1, s0  }
0xbc: {  	s0 =	sadd.s32 $0x8F2B, s0  }
0xbd: {  	[sflag:s0] =	ssyncadd.remote.s32 $0x1  }
0xbe: {  	_ =	sfence.sel $0xFFFF  }
0xbf: {  	[dreg:$0x0] =	wrdreg $0xFFFFFFFF;
	(pc) =	sbr.abs _section_cstart, $3  }
0xc0: {  	[dreg:$0x1] =	wrdreg $0xFFFFFFFF  }
0xc1: {  	_ =	task.clear_ibuf [dreg:s6], $0x2FFFF;
	_ =	strace $0x9FFFFFFF  }
0xc2: {  	(tm) =	ssettm $0x7FFFFFFF  }
0xc3: {  	_ =	shalt  }
tec
execute0_lowered:
.L_overlay_start_1:
0x0: {  	(tag) =	ssettag $0x1  }
0x1: {  	s0 =	rddreg [dreg:$0x0]  }
0x2: {  	s1 =	rddreg [dreg:$0x1];
	s2 =	simm.s32 $0x0;
	s3 =	srdreg.scid  }
0x3: {  	s10 =	stileid.u32;
	s28 =	simm.s32 $0x2EE0;
	s29 =	simm.s32 $0xFA0  }
0x4: {  	s30 =	simm.s32 $0x36B0;
	s31 =	simm.s32 $0x1770;
	[smem:$0x7FF] =	sst s2  }
0x5: {  	s4 =	sadd.s32 $0x16400, s0;
	s6 =	sadd.s32 $0x2800, s0;
	s3 =	sand.u32 $0x1, s3  }
0x6: {  	s8 =	sadd.s32 $0xC600, s0;
	s9 =	smul.u32 $0xA000, s10;
	_ =	strace $0x8000004D  }
0x7: {  	s5 =	smul.u32 $0x5000, s3;
	s7 =	sshll.u32 s3, $0x4;
	s3 =	ssub.s32 $0x2, s3  }
0x8: {  	s7 =	sor.u32 s10, s7;
	s11 =	sshrl.u32 s3, $0x1;
	s9 =	sshrl.u32 s9, $0x2  }
0x9: {  	s10 =	smul.u32 $0x2800, s10;
	s0 =	sadd.s32 s5, s0;
	s3 =	ssub.s32 s3, s11  }
0xa: {  	s7 =	smul.u32 $0x2710, s7;
	s5 =	sadd.s32 s9, s1;
	s3 =	smax.u32 s3, $0x1  }
0xb: {  	s9 =	simm.s32 $0x2;
	s19 =	sadd.s32 $0x800, s5;
	[dreg:$0x4] =	wrdreg s3  }
0xc: {  	s0 =	sadd.s32 $0x1B400, s0;
	s20 =	sadd.s32 $0x1000, s5;
	[dreg:$0x5] =	wrdreg s19  }
0xd: {  	s12 =	sshrl.u32 s10, $0x3;
	s21 =	sadd.s32 $0x1800, s5;
	[dreg:$0x6] =	wrdreg s20  }
0xe: {  	s10 =	sadd.s32 s10, s1;
	s22 =	sadd.s32 $0x2000, s5;
	[dreg:$0x7] =	wrdreg s21  }
0xf: {  	s7 =	sshrl.u32 s7, $0x3;
	[dreg:$0x8] =	wrdreg s22;
	s21 =	simm.s32 $0x4E20  }
0x10: {  	s22 =	simm.s32 $0x3;
	s3 =	simm.s32 $0x1F40;
	s11 =	sadd.s32 s6, s7  }
0x11: {  	s23 =	sadd.s32 s8, s7;
	s24 =	sadd.s32 $0xFA, s7;
	s25 =	sadd.s32 $0x1F4, s7  }
0x12: {  	s26 =	sadd.s32 $0x2EE, s7;
	s7 =	sadd.s32 $0x3E8, s7;
	[dreg:$0x3] =	wrdreg s11  }
0x13: {  	[dreg:$0x9] =	wrdreg s23;
	s13 =	sadd.s32 s6, s24;
	s14 =	sadd.s32 s8, s24  }
0x14: {  	s15 =	sadd.s32 s6, s25;
	s16 =	sadd.s32 s8, s25;
	s17 =	sadd.s32 s6, s26  }
0x15: {  	s18 =	sadd.s32 s8, s26;
	s19 =	sadd.s32 s6, s7;
	s20 =	sadd.s32 s8, s7  }
0x16: {  	s23 =	sadd.s32 s12, s0;
	s24 =	simm.s32 $0x2710;
	s25 =	sshrl.u32 s10, $0x3  }
0x17: {  	s26 =	simm.s32 $0x7D0;
	s0 =	simm.s32 $0x3E80;
	s6 =	simm.s32 $0x4650  }
0x18: {  	v0 =	vimm.f32 $0.0e+00;
	s7 =	simm.s32 $0xCB20;
	s8 =	simm.s32 $0x1;
	s10 =	simm.s32 $0x0  }
.LBB2_1:
0x19: {  	s11 =	simm.s32 $0x40;
	s12 =	simm.s32 $0x0  }
.LBB2_2:
0x1a: {  	p0 =	sne.s32 s11, $0x1FC0;
	[tilespmem:s12+$0x4E20] =	vst v0;
	s12 =	smov.u32 s11;
	s11 =	sadd.s32 $0x40, s11  }
.Ltmp0:
0x1b: {  	(pc) =	sbr.rel @p0 .LBB2_2-.Ltmp0, $2  }
0x1c: {  	_ =	sdelay $0x2  }
0x1d: {  	s12 =	sshra.s32 s12, $0x2  }
0x1e: {  	[tilespmem:s12+$0x4E20] =	vst v0  }
0x1f: {  	[spmem:s5] =	stream.linear.scatter [tilespmem:s21], [sflag:$0x3], $0x800, $0x38;
	[tilespmem:$0x17020] =	vst v63  }
0x20: {  	_ =	swait.ge [sflag:s22], $0x800  }
0x21: {  	[sflag:s22] =	ssyncset.done $0x0  }
0x22: {  	s11 =	rddreg [dreg:$0x5];
	[sflag:s22] =	ssyncadd.s32 $0xFFFFF800  }
0x23: {  	[spmem:s11] =	stream.linear.scatter [tilespmem:s21], [sflag:$0x3], $0x800, $0x38;
	[tilespmem:$0x17020] =	vst v63  }
0x24: {  	_ =	swait.ge [sflag:s22], $0x800  }
0x25: {  	[sflag:s22] =	ssyncset.done $0x0  }
0x26: {  	s12 =	rddreg [dreg:$0x6];
	[sflag:s22] =	ssyncadd.s32 $0xFFFFF800  }
0x27: {  	[spmem:s12] =	stream.linear.scatter [tilespmem:s21], [sflag:$0x3], $0x800, $0x38;
	[tilespmem:$0x17020] =	vst v63  }
0x28: {  	_ =	swait.ge [sflag:s22], $0x800  }
0x29: {  	[sflag:s22] =	ssyncset.done $0x0  }
0x2a: {  	s12 =	rddreg [dreg:$0x7];
	[sflag:s22] =	ssyncadd.s32 $0xFFFFF800  }
0x2b: {  	[spmem:s12] =	stream.linear.scatter [tilespmem:s21], [sflag:$0x3], $0x800, $0x38;
	[tilespmem:$0x17020] =	vst v63  }
0x2c: {  	_ =	swait.ge [sflag:s22], $0x800  }
0x2d: {  	[sflag:s22] =	ssyncset.done $0x0  }
0x2e: {  	s12 =	rddreg [dreg:$0x8];
	[sflag:s22] =	ssyncadd.s32 $0xFFFFF800  }
0x2f: {  	[spmem:s12] =	stream.linear.scatter [tilespmem:s21], [sflag:$0x3], $0x800, $0x38;
	[tilespmem:$0x17020] =	vst v63  }
0x30: {  	_ =	swait.ge [sflag:s22], $0x800  }
0x31: {  	[sflag:s22] =	ssyncset.done $0x0  }
0x32: {  	s12 =	rddreg [dreg:$0x3];
	[sflag:s22] =	ssyncadd.s32 $0xFFFFF800  }
0x33: {  	[tilespmem:s2], [sflag:$0x3] =	stream.linear.gather [hbm4b:s12+s2], $0x7D0, $0x38;
	[tilespmem:$0x17020] =	vst v63  }
0x34: {  	_ =	swait.ge [sflag:s22], $0x7D0  }
0x35: {  	[sflag:s22] =	ssyncset.done $0x0  }
0x36: {  	s12 =	rddreg [dreg:$0x9];
	[sflag:s22] =	ssyncadd.s32 $0xFFFFF830  }
0x37: {  	[tilespmem:s24], [sflag:$0x3] =	stream.linear.gather [hbm4b:s12+s2], $0x7D0, $0x38;
	[tilespmem:$0x17020] =	vst v63  }
0x38: {  	_ =	swait.ge [sflag:s22], $0x7D0  }
0x39: {  	[sflag:s22] =	ssyncset.done $0x0  }
0x3a: {  	[sflag:s22] =	ssyncadd.s32 $0xFFFFF830  }
0x3b: {  	[tilespmem:s26], [sflag:$0x3] =	stream.linear.gather [hbm4b:s13+s2], $0x7D0, $0x38;
	[tilespmem:$0x17020] =	vst v63  }
0x3c: {  	_ =	swait.ge [sflag:s22], $0x7D0  }
0x3d: {  	[sflag:s22] =	ssyncset.done $0x0  }
0x3e: {  	[sflag:s22] =	ssyncadd.s32 $0xFFFFF830  }
0x3f: {  	[tilespmem:s28], [sflag:$0x3] =	stream.linear.gather [hbm4b:s14+s2], $0x7D0, $0x38;
	[tilespmem:$0x17020] =	vst v63  }
0x40: {  	_ =	swait.ge [sflag:s22], $0x7D0  }
0x41: {  	[sflag:s22] =	ssyncset.done $0x0  }
0x42: {  	[sflag:s22] =	ssyncadd.s32 $0xFFFFF830  }
0x43: {  	[tilespmem:s29], [sflag:$0x3] =	stream.linear.gather [hbm4b:s15+s2], $0x7D0, $0x38;
	[tilespmem:$0x17020] =	vst v63  }
0x44: {  	_ =	swait.ge [sflag:s22], $0x7D0  }
0x45: {  	[sflag:s22] =	ssyncset.done $0x0  }
0x46: {  	[sflag:s22] =	ssyncadd.s32 $0xFFFFF830  }
0x47: {  	[tilespmem:s30], [sflag:$0x3] =	stream.linear.gather [hbm4b:s16+s2], $0x7D0, $0x38;
	[tilespmem:$0x17020] =	vst v63  }
0x48: {  	_ =	swait.ge [sflag:s22], $0x7D0  }
0x49: {  	[sflag:s22] =	ssyncset.done $0x0  }
0x4a: {  	[sflag:s22] =	ssyncadd.s32 $0xFFFFF830  }
0x4b: {  	[tilespmem:s31], [sflag:$0x3] =	stream.linear.gather [hbm4b:s17+s2], $0x7D0, $0x38;
	[tilespmem:$0x17020] =	vst v63  }
0x4c: {  	_ =	swait.ge [sflag:s22], $0x7D0  }
0x4d: {  	[sflag:s22] =	ssyncset.done $0x0  }
0x4e: {  	[sflag:s22] =	ssyncadd.s32 $0xFFFFF830  }
0x4f: {  	[tilespmem:s0], [sflag:$0x3] =	stream.linear.gather [hbm4b:s18+s2], $0x7D0, $0x38;
	[tilespmem:$0x17020] =	vst v63  }
0x50: {  	_ =	swait.ge [sflag:s22], $0x7D0  }
0x51: {  	[sflag:s22] =	ssyncset.done $0x0  }
0x52: {  	[sflag:s22] =	ssyncadd.s32 $0xFFFFF830  }
0x53: {  	[tilespmem:s3], [sflag:$0x3] =	stream.linear.gather [hbm4b:s19+s2], $0x7D0, $0x38;
	[tilespmem:$0x17020] =	vst v63  }
0x54: {  	_ =	swait.ge [sflag:s22], $0x7D0  }
0x55: {  	[sflag:s22] =	ssyncset.done $0x0  }
0x56: {  	[sflag:s22] =	ssyncadd.s32 $0xFFFFF830  }
0x57: {  	[tilespmem:s6], [sflag:$0x3] =	stream.linear.gather [hbm4b:s20+s2], $0x7D0, $0x38;
	[tilespmem:$0x17020] =	vst v63  }
0x58: {  	_ =	swait.ge [sflag:s22], $0x7D0  }
0x59: {  	[sflag:s22] =	ssyncset.done $0x0  }
0x5a: {  	[sflag:s22] =	ssyncadd.s32 $0xFFFFF830  }
0x5b: {  	[bflag:$0x0] =	sbarrier.arrive $0xFFFF  }
0x5c: {  	[tilespmem:s21], [sflag:$0x1] =	stream.indirect.gather [hbm4b:s4+s26], $0x10, s2, s26, $0xb8;
	[tilespmem:$0x17020] =	vst v63  }
0x5d: {  	_ = 	snop  }
0x5e: {  	[tilespmem:s7], [sflag:$0x2] =	stream.indirect.gather [hbm4b:s4+s26], $0x10, s26, s26, $0xb8;
	[tilespmem:$0x17020] =	vst v63  }
0x5f: {  	_ =	swait.ge [sflag:s8], $0x7D00  }
0x60: {  	[sflag:s8] =	ssyncset.done $0x0  }
0x61: {  	[sflag:s8] =	ssyncadd.s32 $0xFFFF8300  }
0x62: {  	[spmem:s1] =	stream.indirect.scatter.add.f32 [tilespmem:s21], [sflag:$0x3], $0x10, s24, s26, $0xb8;
	[tilespmem:$0x17020] =	vst v63  }
0x63: {  	_ =	swait.ge [sflag:s22], $0x7D00  }
0x64: {  	[sflag:s22] =	ssyncset.done $0x0  }
0x65: {  	[sflag:s22] =	ssyncadd.s32 $0xFFFF8300  }
0x66: {  	[tilespmem:s21], [sflag:$0x1] =	stream.indirect.gather [hbm4b:s4+s26], $0x10, s29, s26, $0xb8;
	[tilespmem:$0x17020] =	vst v63  }
0x67: {  	_ =	swait.ge [sflag:s9], $0x7D00  }
0x68: {  	[sflag:s9] =	ssyncset.done $0x0  }
0x69: {  	[sflag:s9] =	ssyncadd.s32 $0xFFFF8300  }
0x6a: {  	[spmem:s1] =	stream.indirect.scatter.add.f32 [tilespmem:s7], [sflag:$0x3], $0x10, s28, s26, $0xb8;
	[tilespmem:$0x17020] =	vst v63  }
0x6b: {  	_ =	swait.ge [sflag:s22], $0x7D00  }
0x6c: {  	[sflag:s22] =	ssyncset.done $0x0  }
0x6d: {  	[sflag:s22] =	ssyncadd.s32 $0xFFFF8300  }
0x6e: {  	[tilespmem:s7], [sflag:$0x2] =	stream.indirect.gather [hbm4b:s4+s26], $0x10, s31, s26, $0xb8;
	[tilespmem:$0x17020] =	vst v63  }
0x6f: {  	_ =	swait.ge [sflag:s8], $0x7D00  }
0x70: {  	[sflag:s8] =	ssyncset.done $0x0  }
0x71: {  	[sflag:s8] =	ssyncadd.s32 $0xFFFF8300  }
0x72: {  	[spmem:s1] =	stream.indirect.scatter.add.f32 [tilespmem:s21], [sflag:$0x3], $0x10, s30, s26, $0xb8;
	[tilespmem:$0x17020] =	vst v63  }
0x73: {  	_ =	swait.ge [sflag:s22], $0x7D00  }
0x74: {  	[sflag:s22] =	ssyncset.done $0x0  }
0x75: {  	[sflag:s22] =	ssyncadd.s32 $0xFFFF8300  }
0x76: {  	[tilespmem:s21], [sflag:$0x1] =	stream.indirect.gather [hbm4b:s4+s26], $0x10, s3, s26, $0xb8;
	[tilespmem:$0x17020] =	vst v63  }
0x77: {  	_ =	swait.ge [sflag:s9], $0x7D00  }
0x78: {  	[sflag:s9] =	ssyncset.done $0x0  }
0x79: {  	[sflag:s9] =	ssyncadd.s32 $0xFFFF8300  }
0x7a: {  	[spmem:s1] =	stream.indirect.scatter.add.f32 [tilespmem:s7], [sflag:$0x3], $0x10, s0, s26, $0xb8;
	[tilespmem:$0x17020] =	vst v63  }
0x7b: {  	_ =	swait.ge [sflag:s22], $0x7D00  }
0x7c: {  	[sflag:s22] =	ssyncset.done $0x0  }
0x7d: {  	[sflag:s22] =	ssyncadd.s32 $0xFFFF8300  }
0x7e: {  	_ =	swait.ge [sflag:s8], $0x7D00  }
0x7f: {  	[sflag:s8] =	ssyncset.done $0x0  }
0x80: {  	[sflag:s8] =	ssyncadd.s32 $0xFFFF8300  }
0x81: {  	[spmem:s1] =	stream.indirect.scatter.add.f32 [tilespmem:s21], [sflag:$0x3], $0x10, s6, s26, $0xb8;
	[tilespmem:$0x17020] =	vst v63  }
0x82: {  	_ =	swait.ge [sflag:s22], $0x7D00  }
0x83: {  	s12 =	stileid.u32;
	[sflag:s22] =	ssyncset.done $0x0  }
0x84: {  	s11 =	sshll.u32 s12, $0x6;
	[sflag:s22] =	ssyncadd.s32 $0xFFFF8300  }
0x85: {  	s11 =	sor.u32 $0x1C03, s11;
	[bflag:$0x0] =	sbarrier.arrive $0xFFFF  }
0x86: {  	[hbm:s23], [sflag:s11] =	dma.local [spmem:s25], $0x500  }
0x87: {  	_ =	swait.ge [sflag:s22], $0x500  }
0x88: {  	s10 =	sadd.s32 $0x1, s10;
	s12 =	rddreg [dreg:$0x4]  }
0x89: {  	p0 =	sne.s32 s10, s12  }
.Ltmp1:
0x8a: {  	_ = 	snop;
	(pc) =	sbr.rel @p0 .LBB2_1-.Ltmp1, $3  }
0x8b: {  	_ =	sdelay $0x1  }
0x8c: {  	[sflag:s22] =	ssyncset.done $0x0  }
0x8d: {  	[sflag:s22] =	ssyncadd.s32 $0xFFFFFB00  }
0x8e: {  	_ =	sfence.sel $0x180000  }
0x8f: {  	[bflag:$0x0] =	sbarrier.arrive $0xFFFF  }
0x90: {  	_ =	strace $0x9000004D  }
0x91: {  	s0 =	stileid.u32;
	[bflag:$0x2] =	sbarrier.arrive $0xFFFF  }
0x92: {  	p0 =	sne.s32 s0, $0x0;
	s0 =	rddreg [dreg:$0x2]  }
0x93: {  	s0 =	sadd.s32 @!p0 $0x100000, s0  }
0x94: {  	[sflag:s0] =	ssyncadd.tile.s32 @!p0 $0x1;
	_ =	shalt  }
.Lfunc_end2:
_tile_overlayer_lowered:
.L_overlay_start_2:
0x95: {  	(tag) =	ssettag $0x2  }
0x96: {  	s0 =	rddreg [dreg:$0x0];
	s2 =	stileid.u32  }
0x97: {  	s1 =	rddreg [dreg:$0x1];
	p0 =	sne.s32 s2, $0x0  }
0x98: {  	s3 =	rddreg [dreg:$0x2];
	[bflag:$0x3] =	sbarrier.arrive $0xFFFF;
	s2 =	simm.s32 @!p0 $0x1C03  }
0x99: {  	[timem:s3], [sflag:s2] =	dma.local @!p0 [hbm:s0], s1  }
0x9a: {  	s0 =	simm.s32 @!p0 $0x3  }
0x9b: {  	_ =	swait.ge @!p0 [sflag:s0], s1  }
0x9c: {  	s1 =	ssub.s32 @!p0 $0x0, s1;
	[sflag:s0] =	ssyncset.done @!p0 $0x0  }
0x9d: {  	[sflag:s0] =	ssyncadd.s32 @!p0 s1  }
0x9e: {  	[bflag:$0x3] =	sbarrier.arrive $0xFFFF  }
0x9f: {  	_ =	shalt  }

// kernel: kernel.19.cloned.1.call-start
scs
__scs_entry_jumppad:
0x0: {  	(pc) =	sbr.rel $0x88, $3  }
0x1: {  	(tag) =	ssettag $0x0;
	lr =	simm.s32 $0x1  }
0x2: {  	[smem:$0x3F94] =	sst lr;
	_ =	strace $0xD0000000  }
0x3: {  	_ = 	snop  }
0x4: {  	_ = 	snop  }
0x5: {  	_ = 	snop  }
0x6: {  	_ = 	snop  }
0x7: {  	_ = 	snop  }
__scs_overlays_trampoline_lowered:
0x8: {  	[smem:$0x3FA3] =	sst s0  }
0x9: {  	[smem:$0x3FA4] =	sst s1  }
0xa: {  	[smem:$0x3FA5] =	sst s2  }
0xb: {  	[smem:$0x3FA6] =	sst s3  }
0xc: {  	[smem:$0x3FA7] =	sst s4  }
0xd: {  	[smem:$0x3FA8] =	sst s5  }
0xe: {  	[smem:$0x3FA9] =	sst s6  }
0xf: {  	[smem:$0x3FAA] =	sst s7  }
0x10: {  	[smem:$0x3FAB] =	sst s8  }
0x11: {  	[smem:$0x3FAC] =	sst s9;
	s0 =	simm.s32 @!p0 $0x0  }
0x12: {  	s1 =	sld [smem:$0x3F92];
	s0 =	simm.s32 @p0 $0x1  }
0x13: {  	[smem:$0x3FAD] =	sst s0;
	s0 =	simm.s32 @!p1 $0x0  }
0x14: {  	s2 =	sld [smem:$0x3F91];
	s0 =	simm.s32 @p1 $0x1  }
0x15: {  	[smem:$0x3FAE] =	sst s0;
	s0 =	simm.s32 @!p2 $0x0  }
0x16: {  	s3 =	sld [smem:$0x3FDB];
	s0 =	simm.s32 @p2 $0x1  }
0x17: {  	s4 =	simm.s32 $0x1BF5;
	[smem:$0x3FB0] =	sst s0  }
0x18: {  	s0 =	sld [smem:$0x3F93];
	_ =	swait.ge [sflag:s4], $0x0  }
0x19: {  	s7 =	sld [smem:$0x3F94]  }
0x1a: {  	s8 =	sadd.s32 $0xFFFFE003, lr  }
0x1b: {  	s9 =	sadd.s32 $0xFFFFFEF7, lr;
	s5 =	simm.s32 $0xFFFFFFFF;
	p2 =	slt.u32 s8, $0xFFFFF086  }
0x1c: {  	p1 =	slt.u32 s9, $0xF7A;
	s5 =	simm.s32 @!p2 $0x0  }
0x1d: {  	s5 =	simm.s32 @p1 $0x1;
	p0 =	seq.s32 s7, s2  }
0x1e: {  	s7 =	smul.u32 @!p0 $0xF7A, s2;
	p2 =	seq.s32 @!p0 s5, $0x0  }
0x1f: {  	s9 =	smul.u32 $0xF7A, s1;
	s8 =	simm.s32 @!p0 $0x1BF5;
	p2 =	por !p2, p0  }
0x20: {  	[sflag:s8] =	ssyncset.s32 @!p0 $0xFFFFF086;
	s6 =	sadd.s32 @!p0 s3, s7;
	s7 =	simm.s32 @!p0 $0x108  }
0x21: {  	s3 =	sadd.s32 s3, s9;
	s6 =	sadd.s32 @!p0 $0x88, s6;
	s7 =	simm.s32 @p2 $0x1082  }
0x22: {  	[simem:s7], [sflag:s8] =	dma.local @!p0 [hbm:s6], $0xF7A  }
0x23: {  	s9 =	sor.u32 $0xD0000000, s2;
	s6 =	simm.s32 $0x108;
	_ =	swait.ge @!p0 [sflag:s8], $0x0  }
0x24: {  	s3 =	sadd.s32 $0x88, s3;
	s6 =	simm.s32 @!p1 $0x1082;
	[sflag:s4] =	ssyncset.s32 $0xFFFFF086  }
0x25: {  	[simem:s6], [sflag:s4] =	dma.local [hbm:s3], $0xF7A  }
0x26: {  	[smem:$0x3F94] =	sst s1;
	(tag) =	ssettag s2;
	_ =	strace s9  }
0x27: {  	s1 =	sld [smem:$0x3FA4]  }
0x28: {  	s2 =	sld [smem:$0x3FA5]  }
0x29: {  	s4 =	sld [smem:$0x3FA7]  }
0x2a: {  	p0 =	seq.s32 s5, $0x0;
	s5 =	sld [smem:$0x3FA8]  }
0x2b: {  	s6 =	sld [smem:$0x3FA9]  }
0x2c: {  	s7 =	sld [smem:$0x3FAA]  }
0x2d: {  	s3 =	simm.s32 $0x108;
	s8 =	sld [smem:$0x3FAB]  }
0x2e: {  	s3 =	simm.s32 @!p0 $0x1082;
	s9 =	sld [smem:$0x3FAC]  }
0x2f: {  	lr =	sadd.s32 s0, s3;
	s0 =	sld [smem:$0x3FA3]  }
0x30: {  	s3 =	sld [smem:$0x3FA6]  }
0x31: {  	[smem:$0x3FAF] =	sst s10  }
0x32: {  	s10 =	sld [smem:$0x3FAD];
	_ =	sdelay $0x3  }
0x33: {  	p0 =	seq.s32 s10, $0x1;
	s10 =	sld [smem:$0x3FAF];
	_ =	sdelay $0x3  }
0x34: {  	[smem:$0x3FAF] =	sst s10  }
0x35: {  	s10 =	sld [smem:$0x3FAE];
	_ =	sdelay $0x3  }
0x36: {  	p1 =	seq.s32 s10, $0x1;
	s10 =	sld [smem:$0x3FAF];
	_ =	sdelay $0x3  }
0x37: {  	[smem:$0x3FAF] =	sst s10  }
0x38: {  	s10 =	sld [smem:$0x3FB0]  }
0x39: {  	_ = 	snop;
	(pc) =	sbr.ind lr, $3  }
0x3a: {  	_ = 	snop  }
0x3b: {  	_ = 	snop  }
0x3c: {  	p2 =	seq.s32 s10, $0x1;
	s10 =	sld [smem:$0x3FAF]  }
0x3d: {  	_ =	shalt  }
0x3e: {  	_ =	shalt  }
0x3f: {  	_ =	shalt  }
0x40: {  	_ =	shalt  }
0x41: {  	_ =	shalt  }
0x42: {  	_ =	shalt  }
0x43: {  	_ =	shalt  }
0x44: {  	_ =	shalt  }
0x45: {  	_ =	shalt  }
0x46: {  	_ =	shalt  }
0x47: {  	_ =	shalt  }
0x48: {  	_ =	shalt  }
0x49: {  	_ =	shalt  }
0x4a: {  	_ =	shalt  }
0x4b: {  	_ =	shalt  }
0x4c: {  	_ =	shalt  }
0x4d: {  	_ =	shalt  }
0x4e: {  	_ =	shalt  }
0x4f: {  	_ =	shalt  }
0x50: {  	_ =	shalt  }
0x51: {  	_ =	shalt  }
0x52: {  	_ =	shalt  }
0x53: {  	_ =	shalt  }
0x54: {  	_ =	shalt  }
0x55: {  	_ =	shalt  }
0x56: {  	_ =	shalt  }
0x57: {  	_ =	shalt  }
0x58: {  	_ =	shalt  }
0x59: {  	_ =	shalt  }
0x5a: {  	_ =	shalt  }
0x5b: {  	_ =	shalt  }
0x5c: {  	_ =	shalt  }
0x5d: {  	_ =	shalt  }
0x5e: {  	_ =	shalt  }
0x5f: {  	_ =	shalt  }
0x60: {  	_ =	shalt  }
0x61: {  	_ =	shalt  }
0x62: {  	_ =	shalt  }
0x63: {  	_ =	shalt  }
0x64: {  	_ =	shalt  }
0x65: {  	_ =	shalt  }
0x66: {  	_ =	shalt  }
0x67: {  	_ =	shalt  }
0x68: {  	_ =	shalt  }
0x69: {  	_ =	shalt  }
0x6a: {  	_ =	shalt  }
0x6b: {  	_ =	shalt  }
0x6c: {  	_ =	shalt  }
0x6d: {  	_ =	shalt  }
0x6e: {  	_ =	shalt  }
0x6f: {  	_ =	shalt  }
0x70: {  	_ =	shalt  }
0x71: {  	_ =	shalt  }
0x72: {  	_ =	shalt  }
0x73: {  	_ =	shalt  }
0x74: {  	_ =	shalt  }
0x75: {  	_ =	shalt  }
0x76: {  	_ =	shalt  }
0x77: {  	_ =	shalt  }
0x78: {  	_ =	shalt  }
0x79: {  	_ =	shalt  }
0x7a: {  	_ =	shalt  }
0x7b: {  	_ =	shalt  }
0x7c: {  	_ =	shalt  }
0x7d: {  	_ =	shalt  }
0x7e: {  	_ =	shalt  }
0x7f: {  	_ =	shalt  }
0x80: {  	_ =	shalt  }
0x81: {  	_ =	shalt  }
0x82: {  	_ =	shalt  }
0x83: {  	_ =	shalt  }
0x84: {  	_ =	shalt  }
0x85: {  	_ =	shalt  }
0x86: {  	_ =	shalt  }
0x87: {  	_ =	shalt  }
.Lfunc_end0:
.L_simem_size_0:
called_computation.3_lowered:
.L_overlay_start_0:
0x88: {  	s2 =	sld [smem:$0x3FD9]  }
0x89: {  	s3 =	sld [smem:$0x3FFE];
	_ =	sdelay $0x1  }
0x8a: {  	s1 =	srdreg.scid  }
0x8b: {  	s0 =	sand.u32 $0x1, s1  }
0x8c: {  	s16 =	sshll.u32 s0, $0xA;
	s2 =	sadd.s32 s3, s2  }
0x8d: {  	s2 =	sadd.s32 s2, s16  }
0x8e: {  	[smem:$0x3FBB] =	sst s2  }
0x8f: {  	_ = 	snop  }
0x90: {  	(tm) =	ssettm $0x1  }
0x91: {  	s17 =	sld [smem:$0x3FFB];
	_ =	sdelay $0x3  }
0x92: {  	_ =	strace s17  }
0x93: {  	s2 =	sld [smem:$0x3FFC];
	_ =	sdelay $0x3  }
0x94: {  	_ =	strace s2  }
0x95: {  	s2 =	sld [smem:$0x3FFD];
	_ =	sdelay $0x3  }
0x96: {  	_ =	strace s2  }
0x97: {  	_ =	strace $0x8FFFFFFF  }
0x98: {  	s18 =	sld [smem:$0x3FDB];
	_ =	sdelay $0x1  }
0x99: {  	s19 =	simm.s32 $_scs_section_size  }
0x9a: {  	s4 =	simm.s32 $_size__tile_overlayer_lowered;
	s5 =	simm.s32 $_tile_overlayer_lowered  }
0x9b: {  	s22 =	simm.s32 $0x1BFF;
	s21 =	sshll.u32 s5, $0x1;
	s2 =	sadd.s32 s19, s18  }
0x9c: {  	s6 =	simm.s32 $0x0;
	s20 =	sshll.u32 s4, $0x1;
	s4 =	sadd.s32 s21, s2  }
0x9d: {  	[timem:s6], [sflag:s22] =	dma.local [hbm:s4], s20  }
0x9e: {  	_ =	swait.ge [sflag:s22], s20  }
0x9f: {  	s3 =	ssub.s32 $0x0, s20;
	[sflag:s22] =	ssyncset.done $0x0  }
0xa0: {  	[sflag:s22] =	ssyncadd.s32 s3;
	_ =	sdelay $0x1  }
0xa1: {  	s23 =	simm.s32 $0x1B8B  }
0xa2: {  	_ =	swait.ge [sflag:s23], $0x1  }
0xa3: {  	[sflag:s23] =	ssyncset.done $0x0  }
0xa4: {  	s25 =	simm.s32 $0x1B8E;
	s24 =	sld [smem:$0x3FFE];
	[sflag:s23] =	ssyncadd.s32 $0xFFFFFFFF  }
0xa5: {  	s26 =	simm.s32 $execute0_lowered;
	[smem:$0x3FD2] =	sst s25  }
0xa6: {  	s4 =	sshll.u32 s26, $0x1;
	_ =	strace $0x8000004F;
	[dreg:$0x1] =	wrdreg $0xFFFFFFFF  }
0xa7: {  	s28 =	simm.s32 $_size_execute0_lowered;
	s2 =	sadd.s32 s2, s4;
	[dreg:$0x0] =	wrdreg $0x0  }
0xa8: {  	s4 =	sshll.u32 s28, $0x1;
	[dreg:$0x2] =	wrdreg s2  }
0xa9: {  	[dreg:$0x3] =	wrdreg s4  }
0xaa: {  	[dreg:$0x4] =	wrdreg $0xC0  }
0xab: {  	_ =	task [dreg:s6], $0x5FFFF  }
0xac: {  	[dreg:$0x1] =	wrdreg $0xFFFFFFFF  }
0xad: {  	[dreg:$0x0] =	wrdreg $0x60  }
0xae: {  	[dreg:$0x2] =	wrdreg s24  }
0xaf: {  	[dreg:$0x3] =	wrdreg $0x148200  }
0xb0: {  	[dreg:$0x4] =	wrdreg $0x9  }
0xb1: {  	_ =	task.clear_ibuf [dreg:s6], $0x5FFFF;
	_ =	strace $0x9000004F  }
0xb2: {  	s29 =	simm.s32 $0x9;
	_ =	strace $0x80000051  }
0xb3: {  	_ =	swait.ge [sflag:s29], $0x1  }
0xb4: {  	[sflag:s29] =	ssyncadd.s32 $0xFFFFFFFF  }
0xb5: {  	_ =	strace $0x90000051  }
0xb6: {  	_ =	sfence  }
0xb7: {  	s30 =	sld [smem:$0x0];
	_ =	sdelay $0x2  }
0xb8: {  	s31 =	sshll.u32 s1, $0xD;
	s1 =	sshrl.u32 s1, $0x2  }
0xb9: {  	s3 =	sand.u32 $0x4000, s31;
	s1 =	sadd.s32 s1, s30  }
0xba: {  	s0 =	sor.u32 s3, s0;
	s1 =	sshll.u32 s1, $0x11  }
0xbb: {  	s0 =	sor.u32 s1, s0  }
0xbc: {  	s0 =	sadd.s32 $0x8F2B, s0  }
0xbd: {  	[sflag:s0] =	ssyncadd.remote.s32 $0x1  }
0xbe: {  	_ =	sfence.sel $0xFFFF  }
0xbf: {  	[dreg:$0x0] =	wrdreg $0xFFFFFFFF;
	(pc) =	sbr.abs _section_cstart, $3  }
0xc0: {  	[dreg:$0x1] =	wrdreg $0xFFFFFFFF  }
0xc1: {  	_ =	task.clear_ibuf [dreg:s6], $0x2FFFF;
	_ =	strace $0x9FFFFFFF  }
0xc2: {  	(tm) =	ssettm $0x7FFFFFFF  }
0xc3: {  	_ =	shalt  }
tec
execute0_lowered:
.L_overlay_start_1:
0x0: {  	(tag) =	ssettag $0x1  }
0x1: {  	s0 =	rddreg [dreg:$0x0]  }
0x2: {  	s1 =	rddreg [dreg:$0x1];
	s2 =	simm.s32 $0x0;
	s3 =	srdreg.scid  }
0x3: {  	s10 =	stileid.u32;
	s28 =	simm.s32 $0x2EE0;
	s29 =	simm.s32 $0xFA0  }
0x4: {  	s30 =	simm.s32 $0x36B0;
	s31 =	simm.s32 $0x1770;
	[smem:$0x7FF] =	sst s2  }
0x5: {  	s4 =	sadd.s32 $0x16400, s0;
	s6 =	sadd.s32 $0x2800, s0;
	s3 =	sand.u32 $0x1, s3  }
0x6: {  	s8 =	sadd.s32 $0xC600, s0;
	s9 =	smul.u32 $0xA000, s10;
	_ =	strace $0x80000050  }
0x7: {  	s5 =	smul.u32 $0x5000, s3;
	s7 =	sshll.u32 s3, $0x4;
	s3 =	ssub.s32 $0x2, s3  }
0x8: {  	s7 =	sor.u32 s10, s7;
	s11 =	sshrl.u32 s3, $0x1;
	s9 =	sshrl.u32 s9, $0x2  }
0x9: {  	s10 =	smul.u32 $0x2800, s10;
	s0 =	sadd.s32 s5, s0;
	s3 =	ssub.s32 s3, s11  }
0xa: {  	s7 =	smul.u32 $0x2710, s7;
	s5 =	sadd.s32 s9, s1;
	s3 =	smax.u32 s3, $0x1  }
0xb: {  	s9 =	simm.s32 $0x2;
	s19 =	sadd.s32 $0x800, s5;
	[dreg:$0x4] =	wrdreg s3  }
0xc: {  	s0 =	sadd.s32 $0x1B400, s0;
	s20 =	sadd.s32 $0x1000, s5;
	[dreg:$0x5] =	wrdreg s19  }
0xd: {  	s12 =	sshrl.u32 s10, $0x3;
	s21 =	sadd.s32 $0x1800, s5;
	[dreg:$0x6] =	wrdreg s20  }
0xe: {  	s10 =	sadd.s32 s10, s1;
	s22 =	sadd.s32 $0x2000, s5;
	[dreg:$0x7] =	wrdreg s21  }
0xf: {  	s7 =	sshrl.u32 s7, $0x3;
	[dreg:$0x8] =	wrdreg s22;
	s21 =	simm.s32 $0x4E20  }
0x10: {  	s22 =	simm.s32 $0x3;
	s3 =	simm.s32 $0x1F40;
	s11 =	sadd.s32 s6, s7  }
0x11: {  	s23 =	sadd.s32 s8, s7;
	s24 =	sadd.s32 $0xFA, s7;
	s25 =	sadd.s32 $0x1F4, s7  }
0x12: {  	s26 =	sadd.s32 $0x2EE, s7;
	s7 =	sadd.s32 $0x3E8, s7;
	[dreg:$0x3] =	wrdreg s11  }
0x13: {  	[dreg:$0x9] =	wrdreg s23;
	s13 =	sadd.s32 s6, s24;
	s14 =	sadd.s32 s8, s24  }
0x14: {  	s15 =	sadd.s32 s6, s25;
	s16 =	sadd.s32 s8, s25;
	s17 =	sadd.s32 s6, s26  }
0x15: {  	s18 =	sadd.s32 s8, s26;
	s19 =	sadd.s32 s6, s7;
	s20 =	sadd.s32 s8, s7  }
0x16: {  	s23 =	sadd.s32 s12, s0;
	s24 =	simm.s32 $0x2710;
	s25 =	sshrl.u32 s10, $0x3  }
0x17: {  	s26 =	simm.s32 $0x7D0;
	s0 =	simm.s32 $0x3E80;
	s6 =	simm.s32 $0x4650  }
0x18: {  	v0 =	vimm.f32 $0.0e+00;
	s7 =	simm.s32 $0xCB20;
	s8 =	simm.s32 $0x1;
	s10 =	simm.s32 $0x0  }
.LBB2_1:
0x19: {  	s11 =	simm.s32 $0x40;
	s12 =	simm.s32 $0x0  }
.LBB2_2:
0x1a: {  	p0 =	sne.s32 s11, $0x1FC0;
	[tilespmem:s12+$0x4E20] =	vst v0;
	s12 =	smov.u32 s11;
	s11 =	sadd.s32 $0x40, s11  }
.Ltmp0:
0x1b: {  	(pc) =	sbr.rel @p0 .LBB2_2-.Ltmp0, $2  }
0x1c: {  	_ =	sdelay $0x2  }
0x1d: {  	s12 =	sshra.s32 s12, $0x2  }
0x1e: {  	[tilespmem:s12+$0x4E20] =	vst v0  }
0x1f: {  	[spmem:s5] =	stream.linear.scatter [tilespmem:s21], [sflag:$0x3], $0x800, $0x38;
	[tilespmem:$0x17020] =	vst v63  }
0x20: {  	_ =	swait.ge [sflag:s22], $0x800  }
0x21: {  	[sflag:s22] =	ssyncset.done $0x0  }
0x22: {  	s11 =	rddreg [dreg:$0x5];
	[sflag:s22] =	ssyncadd.s32 $0xFFFFF800  }
0x23: {  	[spmem:s11] =	stream.linear.scatter [tilespmem:s21], [sflag:$0x3], $0x800, $0x38;
	[tilespmem:$0x17020] =	vst v63  }
0x24: {  	_ =	swait.ge [sflag:s22], $0x800  }
0x25: {  	[sflag:s22] =	ssyncset.done $0x0  }
0x26: {  	s12 =	rddreg [dreg:$0x6];
	[sflag:s22] =	ssyncadd.s32 $0xFFFFF800  }
0x27: {  	[spmem:s12] =	stream.linear.scatter [tilespmem:s21], [sflag:$0x3], $0x800, $0x38;
	[tilespmem:$0x17020] =	vst v63  }
0x28: {  	_ =	swait.ge [sflag:s22], $0x800  }
0x29: {  	[sflag:s22] =	ssyncset.done $0x0  }
0x2a: {  	s12 =	rddreg [dreg:$0x7];
	[sflag:s22] =	ssyncadd.s32 $0xFFFFF800  }
0x2b: {  	[spmem:s12] =	stream.linear.scatter [tilespmem:s21], [sflag:$0x3], $0x800, $0x38;
	[tilespmem:$0x17020] =	vst v63  }
0x2c: {  	_ =	swait.ge [sflag:s22], $0x800  }
0x2d: {  	[sflag:s22] =	ssyncset.done $0x0  }
0x2e: {  	s12 =	rddreg [dreg:$0x8];
	[sflag:s22] =	ssyncadd.s32 $0xFFFFF800  }
0x2f: {  	[spmem:s12] =	stream.linear.scatter [tilespmem:s21], [sflag:$0x3], $0x800, $0x38;
	[tilespmem:$0x17020] =	vst v63  }
0x30: {  	_ =	swait.ge [sflag:s22], $0x800  }
0x31: {  	[sflag:s22] =	ssyncset.done $0x0  }
0x32: {  	s12 =	rddreg [dreg:$0x3];
	[sflag:s22] =	ssyncadd.s32 $0xFFFFF800  }
0x33: {  	[tilespmem:s2], [sflag:$0x3] =	stream.linear.gather [hbm4b:s12+s2], $0x7D0, $0x38;
	[tilespmem:$0x17020] =	vst v63  }
0x34: {  	_ =	swait.ge [sflag:s22], $0x7D0  }
0x35: {  	[sflag:s22] =	ssyncset.done $0x0  }
0x36: {  	s12 =	rddreg [dreg:$0x9];
	[sflag:s22] =	ssyncadd.s32 $0xFFFFF830  }
0x37: {  	[tilespmem:s24], [sflag:$0x3] =	stream.linear.gather [hbm4b:s12+s2], $0x7D0, $0x38;
	[tilespmem:$0x17020] =	vst v63  }
0x38: {  	_ =	swait.ge [sflag:s22], $0x7D0  }
0x39: {  	[sflag:s22] =	ssyncset.done $0x0  }
0x3a: {  	[sflag:s22] =	ssyncadd.s32 $0xFFFFF830  }
0x3b: {  	[tilespmem:s26], [sflag:$0x3] =	stream.linear.gather [hbm4b:s13+s2], $0x7D0, $0x38;
	[tilespmem:$0x17020] =	vst v63  }
0x3c: {  	_ =	swait.ge [sflag:s22], $0x7D0  }
0x3d: {  	[sflag:s22] =	ssyncset.done $0x0  }
0x3e: {  	[sflag:s22] =	ssyncadd.s32 $0xFFFFF830  }
0x3f: {  	[tilespmem:s28], [sflag:$0x3] =	stream.linear.gather [hbm4b:s14+s2], $0x7D0, $0x38;
	[tilespmem:$0x17020] =	vst v63  }
0x40: {  	_ =	swait.ge [sflag:s22], $0x7D0  }
0x41: {  	[sflag:s22] =	ssyncset.done $0x0  }
0x42: {  	[sflag:s22] =	ssyncadd.s32 $0xFFFFF830  }
0x43: {  	[tilespmem:s29], [sflag:$0x3] =	stream.linear.gather [hbm4b:s15+s2], $0x7D0, $0x38;
	[tilespmem:$0x17020] =	vst v63  }
0x44: {  	_ =	swait.ge [sflag:s22], $0x7D0  }
0x45: {  	[sflag:s22] =	ssyncset.done $0x0  }
0x46: {  	[sflag:s22] =	ssyncadd.s32 $0xFFFFF830  }
0x47: {  	[tilespmem:s30], [sflag:$0x3] =	stream.linear.gather [hbm4b:s16+s2], $0x7D0, $0x38;
	[tilespmem:$0x17020] =	vst v63  }
0x48: {  	_ =	swait.ge [sflag:s22], $0x7D0  }
0x49: {  	[sflag:s22] =	ssyncset.done $0x0  }
0x4a: {  	[sflag:s22] =	ssyncadd.s32 $0xFFFFF830  }
0x4b: {  	[tilespmem:s31], [sflag:$0x3] =	stream.linear.gather [hbm4b:s17+s2], $0x7D0, $0x38;
	[tilespmem:$0x17020] =	vst v63  }
0x4c: {  	_ =	swait.ge [sflag:s22], $0x7D0  }
0x4d: {  	[sflag:s22] =	ssyncset.done $0x0  }
0x4e: {  	[sflag:s22] =	ssyncadd.s32 $0xFFFFF830  }
0x4f: {  	[tilespmem:s0], [sflag:$0x3] =	stream.linear.gather [hbm4b:s18+s2], $0x7D0, $0x38;
	[tilespmem:$0x17020] =	vst v63  }
0x50: {  	_ =	swait.ge [sflag:s22], $0x7D0  }
0x51: {  	[sflag:s22] =	ssyncset.done $0x0  }
0x52: {  	[sflag:s22] =	ssyncadd.s32 $0xFFFFF830  }
0x53: {  	[tilespmem:s3], [sflag:$0x3] =	stream.linear.gather [hbm4b:s19+s2], $0x7D0, $0x38;
	[tilespmem:$0x17020] =	vst v63  }
0x54: {  	_ =	swait.ge [sflag:s22], $0x7D0  }
0x55: {  	[sflag:s22] =	ssyncset.done $0x0  }
0x56: {  	[sflag:s22] =	ssyncadd.s32 $0xFFFFF830  }
0x57: {  	[tilespmem:s6], [sflag:$0x3] =	stream.linear.gather [hbm4b:s20+s2], $0x7D0, $0x38;
	[tilespmem:$0x17020] =	vst v63  }
0x58: {  	_ =	swait.ge [sflag:s22], $0x7D0  }
0x59: {  	[sflag:s22] =	ssyncset.done $0x0  }
0x5a: {  	[sflag:s22] =	ssyncadd.s32 $0xFFFFF830  }
0x5b: {  	[bflag:$0x0] =	sbarrier.arrive $0xFFFF  }
0x5c: {  	[tilespmem:s21], [sflag:$0x1] =	stream.indirect.gather [hbm4b:s4+s26], $0x10, s2, s26, $0xb8;
	[tilespmem:$0x17020] =	vst v63  }
0x5d: {  	_ = 	snop  }
0x5e: {  	[tilespmem:s7], [sflag:$0x2] =	stream.indirect.gather [hbm4b:s4+s26], $0x10, s26, s26, $0xb8;
	[tilespmem:$0x17020] =	vst v63  }
0x5f: {  	_ =	swait.ge [sflag:s8], $0x7D00  }
0x60: {  	[sflag:s8] =	ssyncset.done $0x0  }
0x61: {  	[sflag:s8] =	ssyncadd.s32 $0xFFFF8300  }
0x62: {  	[spmem:s1] =	stream.indirect.scatter.add.f32 [tilespmem:s21], [sflag:$0x3], $0x10, s24, s26, $0xb8;
	[tilespmem:$0x17020] =	vst v63  }
0x63: {  	_ =	swait.ge [sflag:s22], $0x7D00  }
0x64: {  	[sflag:s22] =	ssyncset.done $0x0  }
0x65: {  	[sflag:s22] =	ssyncadd.s32 $0xFFFF8300  }
0x66: {  	[tilespmem:s21], [sflag:$0x1] =	stream.indirect.gather [hbm4b:s4+s26], $0x10, s29, s26, $0xb8;
	[tilespmem:$0x17020] =	vst v63  }
0x67: {  	_ =	swait.ge [sflag:s9], $0x7D00  }
0x68: {  	[sflag:s9] =	ssyncset.done $0x0  }
0x69: {  	[sflag:s9] =	ssyncadd.s32 $0xFFFF8300  }
0x6a: {  	[spmem:s1] =	stream.indirect.scatter.add.f32 [tilespmem:s7], [sflag:$0x3], $0x10, s28, s26, $0xb8;
	[tilespmem:$0x17020] =	vst v63  }
0x6b: {  	_ =	swait.ge [sflag:s22], $0x7D00  }
0x6c: {  	[sflag:s22] =	ssyncset.done $0x0  }
0x6d: {  	[sflag:s22] =	ssyncadd.s32 $0xFFFF8300  }
0x6e: {  	[tilespmem:s7], [sflag:$0x2] =	stream.indirect.gather [hbm4b:s4+s26], $0x10, s31, s26, $0xb8;
	[tilespmem:$0x17020] =	vst v63  }
0x6f: {  	_ =	swait.ge [sflag:s8], $0x7D00  }
0x70: {  	[sflag:s8] =	ssyncset.done $0x0  }
0x71: {  	[sflag:s8] =	ssyncadd.s32 $0xFFFF8300  }
0x72: {  	[spmem:s1] =	stream.indirect.scatter.add.f32 [tilespmem:s21], [sflag:$0x3], $0x10, s30, s26, $0xb8;
	[tilespmem:$0x17020] =	vst v63  }
0x73: {  	_ =	swait.ge [sflag:s22], $0x7D00  }
0x74: {  	[sflag:s22] =	ssyncset.done $0x0  }
0x75: {  	[sflag:s22] =	ssyncadd.s32 $0xFFFF8300  }
0x76: {  	[tilespmem:s21], [sflag:$0x1] =	stream.indirect.gather [hbm4b:s4+s26], $0x10, s3, s26, $0xb8;
	[tilespmem:$0x17020] =	vst v63  }
0x77: {  	_ =	swait.ge [sflag:s9], $0x7D00  }
0x78: {  	[sflag:s9] =	ssyncset.done $0x0  }
0x79: {  	[sflag:s9] =	ssyncadd.s32 $0xFFFF8300  }
0x7a: {  	[spmem:s1] =	stream.indirect.scatter.add.f32 [tilespmem:s7], [sflag:$0x3], $0x10, s0, s26, $0xb8;
	[tilespmem:$0x17020] =	vst v63  }
0x7b: {  	_ =	swait.ge [sflag:s22], $0x7D00  }
0x7c: {  	[sflag:s22] =	ssyncset.done $0x0  }
0x7d: {  	[sflag:s22] =	ssyncadd.s32 $0xFFFF8300  }
0x7e: {  	_ =	swait.ge [sflag:s8], $0x7D00  }
0x7f: {  	[sflag:s8] =	ssyncset.done $0x0  }
0x80: {  	[sflag:s8] =	ssyncadd.s32 $0xFFFF8300  }
0x81: {  	[spmem:s1] =	stream.indirect.scatter.add.f32 [tilespmem:s21], [sflag:$0x3], $0x10, s6, s26, $0xb8;
	[tilespmem:$0x17020] =	vst v63  }
0x82: {  	_ =	swait.ge [sflag:s22], $0x7D00  }
0x83: {  	s12 =	stileid.u32;
	[sflag:s22] =	ssyncset.done $0x0  }
0x84: {  	s11 =	sshll.u32 s12, $0x6;
	[sflag:s22] =	ssyncadd.s32 $0xFFFF8300  }
0x85: {  	s11 =	sor.u32 $0x1C03, s11;
	[bflag:$0x0] =	sbarrier.arrive $0xFFFF  }
0x86: {  	[hbm:s23], [sflag:s11] =	dma.local [spmem:s25], $0x500  }
0x87: {  	_ =	swait.ge [sflag:s22], $0x500  }
0x88: {  	s10 =	sadd.s32 $0x1, s10;
	s12 =	rddreg [dreg:$0x4]  }
0x89: {  	p0 =	sne.s32 s10, s12  }
.Ltmp1:
0x8a: {  	_ = 	snop;
	(pc) =	sbr.rel @p0 .LBB2_1-.Ltmp1, $3  }
0x8b: {  	_ =	sdelay $0x1  }
0x8c: {  	[sflag:s22] =	ssyncset.done $0x0  }
0x8d: {  	[sflag:s22] =	ssyncadd.s32 $0xFFFFFB00  }
0x8e: {  	_ =	sfence.sel $0x180000  }
0x8f: {  	[bflag:$0x0] =	sbarrier.arrive $0xFFFF  }
0x90: {  	_ =	strace $0x90000050  }
0x91: {  	s0 =	stileid.u32;
	[bflag:$0x2] =	sbarrier.arrive $0xFFFF  }
0x92: {  	p0 =	sne.s32 s0, $0x0;
	s0 =	rddreg [dreg:$0x2]  }
0x93: {  	s0 =	sadd.s32 @!p0 $0x100000, s0  }
0x94: {  	[sflag:s0] =	ssyncadd.tile.s32 @!p0 $0x1;
	_ =	shalt  }
.Lfunc_end2:
_tile_overlayer_lowered:
.L_overlay_start_2:
0x95: {  	(tag) =	ssettag $0x2  }
0x96: {  	s0 =	rddreg [dreg:$0x0];
	s2 =	stileid.u32  }
0x97: {  	s1 =	rddreg [dreg:$0x1];
	p0 =	sne.s32 s2, $0x0  }
0x98: {  	s3 =	rddreg [dreg:$0x2];
	[bflag:$0x3] =	sbarrier.arrive $0xFFFF;
	s2 =	simm.s32 @!p0 $0x1C03  }
0x99: {  	[timem:s3], [sflag:s2] =	dma.local @!p0 [hbm:s0], s1  }
0x9a: {  	s0 =	simm.s32 @!p0 $0x3  }
0x9b: {  	_ =	swait.ge @!p0 [sflag:s0], s1  }
0x9c: {  	s1 =	ssub.s32 @!p0 $0x0, s1;
	[sflag:s0] =	ssyncset.done @!p0 $0x0  }
0x9d: {  	[sflag:s0] =	ssyncadd.s32 @!p0 s1  }
0x9e: {  	[bflag:$0x3] =	sbarrier.arrive $0xFFFF  }
0x9f: {  	_ =	shalt  }

</sc_bundles>
